<compile_context>
chip_gen: v7x
topology: tpu7x:2x2x1
jax: 0.10.2.dev20260603
libtpu: 0.0.44.dev20260713+nightly
codegen_flags: <defaults>
</compile_context>

<pallas_src>
import functools

import jax
import jax.numpy as jnp
from jax import lax
from jax.experimental import pallas as pl
from jax.experimental.pallas import tpu as pltpu
from jax.experimental.pallas import tpu_sc as plsc

B = 8192
K = 64
DX = 128
DS = 64
DH = 1024
NSN = 2

BLK = 8192
NBLK = B // BLK
BLKH = 1024
NBLKH = B // BLKH
VB_ROWS = K + 8


def _tc1_body(x_ref, centers_ref, sn_W_ref, sn_b_ref, rwt_ref,
              cid_ref, vb_ref):
    xb = x_ref[...]
    c = centers_ref[...]
    cs = jnp.sum(c * c, axis=1)
    xc_t = lax.dot_general(c, xb, (((1,), (1,)), ((), ())),
                           preferred_element_type=jnp.float32)
    d2_t = cs[:, None] - 2.0 * xc_t
    m = jnp.min(d2_t, axis=0)
    ids = lax.broadcasted_iota(jnp.int32, d2_t.shape, 0)
    cid_ref[...] = jnp.min(jnp.where(d2_t <= m[None, :], ids, K), axis=0)

    sn_W = sn_W_ref[...]
    sn_b = sn_b_ref[...]
    rwt = rwt_ref[...]
    V = jnp.zeros((K, DS), jnp.float32)
    beta = jnp.zeros((K,), jnp.float32)
    for n in range(NSN):
        V = V + rwt[n][:, None] * sn_W[n]
        beta = beta + rwt[n] * sn_b[n]
    vb_ref[...] = jnp.concatenate(
        [V, beta[None, :], jnp.zeros((VB_ROWS - K - 1, DS), jnp.float32)],
        axis=0)


def _tc1_stage(x, centers, sn_W, sn_b, rw):
    return pl.pallas_call(
        _tc1_body,
        grid=(NBLK,),
        in_specs=[
            pl.BlockSpec((BLK, DX), lambda i: (i, 0)),
            pl.BlockSpec((K, DX), lambda i: (0, 0)),
            pl.BlockSpec((NSN, K, DS), lambda i: (0, 0, 0)),
            pl.BlockSpec((NSN, K), lambda i: (0, 0)),
            pl.BlockSpec((NSN, K), lambda i: (0, 0)),
        ],
        out_specs=[
            pl.BlockSpec((BLK,), lambda i: (i,)),
            pl.BlockSpec((VB_ROWS, DS), lambda i: (0, 0)),
        ],
        out_shape=[
            jax.ShapeDtypeStruct((B,), jnp.int32),
            jax.ShapeDtypeStruct((VB_ROWS, DS), jnp.float32),
        ],
    )(x, centers, sn_W, sn_b, rw)


def _tcbig_body(hidden_ref, tune_W_ref, tune_b_ref, xt_ref):
    h = hidden_ref[...]
    logit = lax.dot_general(tune_W_ref[...], h, (((1,), (1,)), ((), ())),
                            preferred_element_type=jnp.float32)
    xt_ref[...] = jax.nn.sigmoid(logit + tune_b_ref[0, 0]).reshape(-1)


def _tcbig_stage(hidden, tune_W_row, tune_b):
    return pl.pallas_call(
        _tcbig_body,
        grid=(NBLKH,),
        in_specs=[
            pl.BlockSpec((BLKH, DH), lambda i: (i, 0)),
            pl.BlockSpec((1, DH), lambda i: (0, 0)),
            pl.BlockSpec((1, 1), lambda i: (0, 0)),
        ],
        out_specs=[pl.BlockSpec((BLKH,), lambda i: (i,))],
        out_shape=[jax.ShapeDtypeStruct((B,), jnp.float32)],
    )(hidden, tune_W_row, tune_b)


def _blend_body(xsn_ref, xt_ref, np_ref, out_ref):
    xsn = xsn_ref[...]
    xt = xt_ref[...]
    nv = np_ref[...].reshape(-1)
    out_ref[...] = xsn + xt * (nv - xsn)


def _blend_stage(xsn, xt, np_row):
    return pl.pallas_call(
        _blend_body,
        out_shape=jax.ShapeDtypeStruct((B,), jnp.float32),
    )(xsn, xt, np_row)


_NC = 1
_NS = 16
_NW = _NC * _NS
CHUNK = B // _NW
NGROUP = CHUNK // 16
BETA_BASE = K * DS


@functools.lru_cache(maxsize=None)
def _get_sc_stage():
    mesh = plsc.VectorSubcoreMesh(core_axis_name="c", subcore_axis_name="s",
                                  num_cores=_NC, num_subcores=_NS)

    @functools.partial(
        pl.kernel,
        mesh=mesh,
        compiler_params=pltpu.CompilerParams(needs_layout_passes=False),
        out_type=jax.ShapeDtypeStruct((B,), jnp.float32),
        scratch_types=[
            pltpu.VMEM((DS, CHUNK), jnp.float32),
            pltpu.VMEM((VB_ROWS, DS), jnp.float32),
            pltpu.VMEM((CHUNK,), jnp.int32),
            pltpu.VMEM((CHUNK,), jnp.float32),
            pltpu.SemaphoreType.DMA,
            pltpu.SemaphoreType.DMA,
            pltpu.SemaphoreType.DMA,
        ],
    )
    def _sc_stage(st_hbm, vb_hbm, cid_hbm, out_hbm,
                  s_v, vb_v, cid_v, o_v, sem0, sem1, sem2):
        wid = lax.axis_index("s") * _NC + lax.axis_index("c")
        base = wid * CHUNK
        cp0 = pltpu.async_copy(st_hbm.at[:, pl.ds(base, CHUNK)], s_v, sem0)
        cp1 = pltpu.async_copy(vb_hbm, vb_v, sem1)
        cp2 = pltpu.async_copy(cid_hbm.at[pl.ds(base, CHUNK)], cid_v, sem2)
        cp1.wait()
        cp2.wait()
        cp0.wait()

        def group(g, carry):
            t0 = g * 16
            lane = lax.broadcasted_iota(jnp.int32, (16,), 0)
            tok = t0 + lane
            cid = cid_v[pl.ds(t0, 16)]
            acc = plsc.load_gather(vb_v, [jnp.full((16,), K, jnp.int32), cid])
            jvec = lane
            for _ in range(DS):
                sv = plsc.load_gather(s_v, [jvec, tok])
                vv = plsc.load_gather(vb_v, [cid, jvec])
                acc = acc + sv * vv
                jvec = jvec + 1
                jvec = jnp.where(jvec == DS, 0, jvec)
            o_v[pl.ds(t0, 16)] = acc
            return carry

        lax.fori_loop(0, NGROUP, group, 0)
        pltpu.sync_copy(o_v, out_hbm.at[pl.ds(base, CHUNK)])

    return _sc_stage


def kernel(x, s, hidden, naive_pred, centers, tune_W, tune_b, sn_W, sn_b,
           running_sn_weight):
    cid, vb = _tc1_stage(x, centers, sn_W, sn_b,
                         jnp.transpose(running_sn_weight))
    xsn = _get_sc_stage()(jnp.transpose(s), vb, cid)
    [xt] = _tcbig_stage(hidden, tune_W.reshape(1, DH), tune_b.reshape(1, 1))
    out = _blend_stage(xsn, xt, naive_pred.reshape(1, B))
    return out.reshape(-1, 1)

# --- scband reference (transcript-rebuilt; emitter-appended) ---
"""Pipeline reference for scband-abstract-snclustering-83915071030206 (READ-ONLY COPY).

The authoritative reference and input builder live on the scoring server;
editing this copy changes nothing except your own understanding.
"""

import jax, jax.numpy as jnp
import numpy as np

B = 8192   # tokens = 4 * 2048
K = 64     # n_clusters (experts)
DX = 128   # clustering feature dim
DS = 64    # SN input feature dim
DH = 1024  # hidden_rep_dim
NSN = 2    # number of SN modules


def setup_inputs(seed: int = 0) -> dict:
    key = jax.random.key(seed)
    k1, k2, k3, k4, k5, k6, k7 = jax.random.split(key, 7)
    x = jax.random.normal(k1, (B, DX), dtype=jnp.float32)
    s = jax.random.normal(k2, (B, DS), dtype=jnp.float32)
    hidden = jax.random.normal(k3, (B, DH), dtype=jnp.float32)
    naive_pred = jax.random.normal(k4, (B, 1), dtype=jnp.float32)
    # learned parameters
    centers = jax.random.normal(k5, (K, DX), dtype=jnp.float32)            # clustering centers (kmeans-style)
    tune_W = jax.random.normal(k6, (DH, 1), dtype=jnp.float32) * 0.02      # tune_head linear
    tune_b = jnp.zeros((1,), dtype=jnp.float32)
    sn_W = jax.random.normal(k7, (NSN, K, DS), dtype=jnp.float32) * 0.1    # per-cluster linear SN heads
    sn_b = jnp.zeros((NSN, K), dtype=jnp.float32)
    running_sn_weight = jnp.ones((K, NSN), dtype=jnp.float32) / NSN        # nn.Parameter init 1/len(sns)
    return {"x": x, "s": s, "hidden": hidden, "naive_pred": naive_pred,
            "centers": centers, "tune_W": tune_W, "tune_b": tune_b,
            "sn_W": sn_W, "sn_b": sn_b, "running_sn_weight": running_sn_weight}


def reference(x, s, hidden, naive_pred, centers, tune_W, tune_b, sn_W, sn_b, running_sn_weight):
    # x_tune = sigmoid(tune_head(hidden))
    x_tune = jax.nn.sigmoid(hidden @ tune_W + tune_b)                      # [B, 1]
    # clustering(x): hard assignment to nearest center (argmin squared distance)
    d2 = (jnp.sum(x * x, axis=1, keepdims=True)
          - 2.0 * (x @ centers.T)
          + jnp.sum(centers * centers, axis=1)[None, :])                   # [B, K]
    x_cluster = jnp.argmin(d2, axis=1)                                     # int [B]
    # responsibility one-hot via scatter-overwrite (resp[arange, x_cluster] = 1)
    n = x.shape[0]
    resp = jnp.zeros((n, centers.shape[0]), dtype=x.dtype).at[jnp.arange(n), x_cluster].set(1.0)
    nk = jnp.sum(resp, axis=0) + 1e-12                                     # [K] (stored as attribute in torch)
    # each sn(s, x_cluster): per-cluster linear head, gathered by cluster id
    Wc = sn_W[:, x_cluster, :]                                             # [NSN, B, DS] gather
    bc = sn_b[:, x_cluster]                                                # [NSN, B] gather
    x_sn_in = jnp.einsum('nbd,bd->bn', Wc, s) + bc.T                       # [B, NSN] == ridge_input
    # weight by running_sn_weight gathered at cluster ids, sum over sns
    x_sn = jnp.sum(x_sn_in * running_sn_weight[x_cluster, :], axis=1).reshape(-1, 1)  # [B, 1]
    ridge_output = x_sn.flatten()
    _ = (nk, ridge_output)
    out = x_sn + x_tune * (naive_pred - x_sn)
    return out

if __name__ == "__main__":
    import jax
    _d = setup_inputs()
    print(jax.jit(kernel)(*tuple(_d.values())))

</pallas_src>

<mosaic_0001>
#map = affine_map<(d0, d1) -> (0, 0)>
#map1 = affine_map<(d0, d1) -> (0)>
module attributes {stable_mosaic.version = 14 : i64} {
  func.func @_sc_stage(%arg0: i32, %arg1: i32, %arg2: memref<64x8192xf32, #tpu.memory_space<hbm>>, %arg3: memref<72x64xf32, #tpu.memory_space<hbm>>, %arg4: memref<8192xi32, #tpu.memory_space<hbm>>, %arg5: memref<8192xf32, #tpu.memory_space<hbm>>, %arg6: memref<64x512xf32, #tpu.memory_space<vmem>>, %arg7: memref<72x64xf32, #tpu.memory_space<vmem>>, %arg8: memref<512xi32, #tpu.memory_space<vmem>>, %arg9: memref<512xf32, #tpu.memory_space<vmem>>, %arg10: memref<!tpu.dma_semaphore, #tpu.memory_space<semaphore_mem>>, %arg11: memref<!tpu.dma_semaphore, #tpu.memory_space<semaphore_mem>>, %arg12: memref<!tpu.dma_semaphore, #tpu.memory_space<semaphore_mem>>) attributes {dimension_semantics = [#tpu.dimension_semantics<core_parallel>, #tpu.dimension_semantics<subcore_parallel>], iteration_bounds = array<i64: 1, 16>, scalar_prefetch = 0 : i64, scratch_operands = 7 : i64, tpu.core_type = #tpu.core_type<sc_vector_subcore>, window_params = [{transform_indices = #map}, {transform_indices = #map}, {transform_indices = #map1}, {transform_indices = #map1}]} {
    %mul3A = arith.constant 1 : i32
    %mul3A_0 = arith.muli %arg1, %mul3A : i32
    %add3A = arith.addi %mul3A_0, %arg0 : i32
    %mul3A_1 = arith.constant 512 : i32
    %mul3A_2 = arith.muli %add3A, %mul3A_1 : i32
    %dma_start3A = arith.constant 0 : i32
    %dma_start3A_3 = tpu.memref_slice %arg2[%dma_start3A, %mul3A_2] : memref<64x8192xf32, #tpu.memory_space<hbm>> -> memref<64x512xf32, #tpu.memory_space<hbm>>
    %dma_start3A_4 = arith.constant 0 : i32
    %dma_start3A_5 = tpu.memref_slice %arg2[%dma_start3A_4, %mul3A_2] : memref<64x8192xf32, #tpu.memory_space<hbm>> -> memref<64x512xf32, #tpu.memory_space<hbm>>
    tpu.enqueue_dma source(%dma_start3A_5 : memref<64x512xf32, #tpu.memory_space<hbm>>) target(%arg6 : memref<64x512xf32, #tpu.memory_space<vmem>>) target_semaphore(%arg10 : memref<!tpu.dma_semaphore, #tpu.memory_space<semaphore_mem>>)
    tpu.enqueue_dma source(%arg3 : memref<72x64xf32, #tpu.memory_space<hbm>>) target(%arg7 : memref<72x64xf32, #tpu.memory_space<vmem>>) target_semaphore(%arg11 : memref<!tpu.dma_semaphore, #tpu.memory_space<semaphore_mem>>)
    %dma_start3A_6 = tpu.memref_slice %arg4[%mul3A_2] : memref<8192xi32, #tpu.memory_space<hbm>> -> memref<512xi32, #tpu.memory_space<hbm>>
    %dma_start3A_7 = tpu.memref_slice %arg4[%mul3A_2] : memref<8192xi32, #tpu.memory_space<hbm>> -> memref<512xi32, #tpu.memory_space<hbm>>
    tpu.enqueue_dma source(%dma_start3A_7 : memref<512xi32, #tpu.memory_space<hbm>>) target(%arg8 : memref<512xi32, #tpu.memory_space<vmem>>) target_semaphore(%arg12 : memref<!tpu.dma_semaphore, #tpu.memory_space<semaphore_mem>>)
    tpu.wait_dma2 semaphore(%arg11 : memref<!tpu.dma_semaphore, #tpu.memory_space<semaphore_mem>>) src(%arg3 : memref<72x64xf32, #tpu.memory_space<hbm>>) dst(%arg7 : memref<72x64xf32, #tpu.memory_space<vmem>>)
    %dma_wait3A = tpu.memref_slice %arg4[%mul3A_2] : memref<8192xi32, #tpu.memory_space<hbm>> -> memref<512xi32, #tpu.memory_space<hbm>>
    %dma_wait3A_8 = tpu.memref_slice %arg4[%mul3A_2] : memref<8192xi32, #tpu.memory_space<hbm>> -> memref<512xi32, #tpu.memory_space<hbm>>
    tpu.wait_dma2 semaphore(%arg12 : memref<!tpu.dma_semaphore, #tpu.memory_space<semaphore_mem>>) src(%dma_wait3A_8 : memref<512xi32, #tpu.memory_space<hbm>>) dst(%arg8 : memref<512xi32, #tpu.memory_space<vmem>>)
    %dma_wait3A_9 = arith.constant 0 : i32
    %dma_wait3A_10 = tpu.memref_slice %arg2[%dma_wait3A_9, %mul3A_2] : memref<64x8192xf32, #tpu.memory_space<hbm>> -> memref<64x512xf32, #tpu.memory_space<hbm>>
    %dma_wait3A_11 = arith.constant 0 : i32
    %dma_wait3A_12 = tpu.memref_slice %arg2[%dma_wait3A_11, %mul3A_2] : memref<64x8192xf32, #tpu.memory_space<hbm>> -> memref<64x512xf32, #tpu.memory_space<hbm>>
    tpu.wait_dma2 semaphore(%arg10 : memref<!tpu.dma_semaphore, #tpu.memory_space<semaphore_mem>>) src(%dma_wait3A_12 : memref<64x512xf32, #tpu.memory_space<hbm>>) dst(%arg6 : memref<64x512xf32, #tpu.memory_space<vmem>>)
    %scan3A = arith.constant 0 : i32
    %scan3A_13 = arith.constant 0 : i32
    %scan3A_14 = arith.constant 32 : i32
    %scan3A_15 = arith.addi %scan3A_13, %scan3A_14 : i32
    %scan3A_16 = arith.constant 1 : i32
    scf.for %scan3A_18 = %scan3A_13 to %scan3A_15 step %scan3A_16  : i32 {
      %mul3A_19 = arith.constant 16 : i32
      %mul3A_20 = arith.muli %scan3A_18, %mul3A_19 : i32
      %iota3A = tpu.iota {dimensions = array<i32: 0>} : vector<16xi32>
      %add3A_21 = vector.broadcast %mul3A_20 : i32 to vector<16xi32>
      %add3A_22 = arith.addi %add3A_21, %iota3A : vector<16xi32>
      %get3A = arith.index_cast %mul3A_20 : i32 to index
      %get3A_23 = tpu.vector_load %arg8[%get3A] {strides = array<i32>} : memref<512xi32, #tpu.memory_space<vmem>>, vector<16xi32>,
      %broadcast_in_dim3A = arith.constant 64 : i32
      %broadcast_in_dim3A_24 = vector.broadcast %broadcast_in_dim3A : i32 to vector<16xi32>
      %gather3A = tpu.vector_load_idx %arg7[%broadcast_in_dim3A_24, %get3A_23] : memref<72x64xf32, #tpu.memory_space<vmem>>[vector<16xi32>, vector<16xi32>], vector<16xf32>,
      %gather3A_25 = tpu.vector_load_idx %arg6[%iota3A, %add3A_22] : memref<64x512xf32, #tpu.memory_space<vmem>>[vector<16xi32>, vector<16xi32>], vector<16xf32>,
      %gather3A_26 = tpu.vector_load_idx %arg7[%get3A_23, %iota3A] : memref<72x64xf32, #tpu.memory_space<vmem>>[vector<16xi32>, vector<16xi32>], vector<16xf32>,
      %mul3A_27 = arith.mulf %gather3A_25, %gather3A_26 : vector<16xf32>
      %add3A_28 = arith.addf %gather3A, %mul3A_27 : vector<16xf32>
      %add3A_29 = arith.constant 1 : i32
      %add3A_30 = vector.broadcast %add3A_29 : i32 to vector<16xi32>
      %add3A_31 = arith.addi %iota3A, %add3A_30 : vector<16xi32>
      %eq3A = arith.constant 64 : i32
      %eq3A_32 = vector.broadcast %eq3A : i32 to vector<16xi32>
      %eq3A_33 = arith.cmpi eq, %add3A_31, %eq3A_32 : vector<16xi32>
      %jit3A = arith.constant 0 : i32
      %broadcast_in_dim3A_34 = vector.broadcast %jit3A : i32 to vector<16xi32>
      %select_n3A = arith.select %eq3A_33, %broadcast_in_dim3A_34, %add3A_31 : vector<16xi1>, vector<16xi32>
      %gather3A_35 = tpu.vector_load_idx %arg6[%select_n3A, %add3A_22] : memref<64x512xf32, #tpu.memory_space<vmem>>[vector<16xi32>, vector<16xi32>], vector<16xf32>,
      %gather3A_36 = tpu.vector_load_idx %arg7[%get3A_23, %select_n3A] : memref<72x64xf32, #tpu.memory_space<vmem>>[vector<16xi32>, vector<16xi32>], vector<16xf32>,
      %mul3A_37 = arith.mulf %gather3A_35, %gather3A_36 : vector<16xf32>
      %add3A_38 = arith.addf %add3A_28, %mul3A_37 : vector<16xf32>
      %add3A_39 = arith.constant 1 : i32
      %add3A_40 = vector.broadcast %add3A_39 : i32 to vector<16xi32>
      %add3A_41 = arith.addi %select_n3A, %add3A_40 : vector<16xi32>
      %eq3A_42 = arith.constant 64 : i32
      %eq3A_43 = vector.broadcast %eq3A_42 : i32 to vector<16xi32>
      %eq3A_44 = arith.cmpi eq, %add3A_41, %eq3A_43 : vector<16xi32>
      %jit3A_45 = arith.constant 0 : i32
      %broadcast_in_dim3A_46 = vector.broadcast %jit3A_45 : i32 to vector<16xi32>
      %select_n3A_47 = arith.select %eq3A_44, %broadcast_in_dim3A_46, %add3A_41 : vector<16xi1>, vector<16xi32>
      %gather3A_48 = tpu.vector_load_idx %arg6[%select_n3A_47, %add3A_22] : memref<64x512xf32, #tpu.memory_space<vmem>>[vector<16xi32>, vector<16xi32>], vector<16xf32>,
      %gather3A_49 = tpu.vector_load_idx %arg7[%get3A_23, %select_n3A_47] : memref<72x64xf32, #tpu.memory_space<vmem>>[vector<16xi32>, vector<16xi32>], vector<16xf32>,
      %mul3A_50 = arith.mulf %gather3A_48, %gather3A_49 : vector<16xf32>
      %add3A_51 = arith.addf %add3A_38, %mul3A_50 : vector<16xf32>
      %add3A_52 = arith.constant 1 : i32
      %add3A_53 = vector.broadcast %add3A_52 : i32 to vector<16xi32>
      %add3A_54 = arith.addi %select_n3A_47, %add3A_53 : vector<16xi32>
      %eq3A_55 = arith.constant 64 : i32
      %eq3A_56 = vector.broadcast %eq3A_55 : i32 to vector<16xi32>
      %eq3A_57 = arith.cmpi eq, %add3A_54, %eq3A_56 : vector<16xi32>
      %jit3A_58 = arith.constant 0 : i32
      %broadcast_in_dim3A_59 = vector.broadcast %jit3A_58 : i32 to vector<16xi32>
      %select_n3A_60 = arith.select %eq3A_57, %broadcast_in_dim3A_59, %add3A_54 : vector<16xi1>, vector<16xi32>
      %gather3A_61 = tpu.vector_load_idx %arg6[%select_n3A_60, %add3A_22] : memref<64x512xf32, #tpu.memory_space<vmem>>[vector<16xi32>, vector<16xi32>], vector<16xf32>,
      %gather3A_62 = tpu.vector_load_idx %arg7[%get3A_23, %select_n3A_60] : memref<72x64xf32, #tpu.memory_space<vmem>>[vector<16xi32>, vector<16xi32>], vector<16xf32>,
      %mul3A_63 = arith.mulf %gather3A_61, %gather3A_62 : vector<16xf32>
      %add3A_64 = arith.addf %add3A_51, %mul3A_63 : vector<16xf32>
      %add3A_65 = arith.constant 1 : i32
      %add3A_66 = vector.broadcast %add3A_65 : i32 to vector<16xi32>
      %add3A_67 = arith.addi %select_n3A_60, %add3A_66 : vector<16xi32>
      %eq3A_68 = arith.constant 64 : i32
      %eq3A_69 = vector.broadcast %eq3A_68 : i32 to vector<16xi32>
      %eq3A_70 = arith.cmpi eq, %add3A_67, %eq3A_69 : vector<16xi32>
      %jit3A_71 = arith.constant 0 : i32
      %broadcast_in_dim3A_72 = vector.broadcast %jit3A_71 : i32 to vector<16xi32>
      %select_n3A_73 = arith.select %eq3A_70, %broadcast_in_dim3A_72, %add3A_67 : vector<16xi1>, vector<16xi32>
      %gather3A_74 = tpu.vector_load_idx %arg6[%select_n3A_73, %add3A_22] : memref<64x512xf32, #tpu.memory_space<vmem>>[vector<16xi32>, vector<16xi32>], vector<16xf32>,
      %gather3A_75 = tpu.vector_load_idx %arg7[%get3A_23, %select_n3A_73] : memref<72x64xf32, #tpu.memory_space<vmem>>[vector<16xi32>, vector<16xi32>], vector<16xf32>,
      %mul3A_76 = arith.mulf %gather3A_74, %gather3A_75 : vector<16xf32>
      %add3A_77 = arith.addf %add3A_64, %mul3A_76 : vector<16xf32>
      %add3A_78 = arith.constant 1 : i32
      %add3A_79 = vector.broadcast %add3A_78 : i32 to vector<16xi32>
      %add3A_80 = arith.addi %select_n3A_73, %add3A_79 : vector<16xi32>
      %eq3A_81 = arith.constant 64 : i32
      %eq3A_82 = vector.broadcast %eq3A_81 : i32 to vector<16xi32>
      %eq3A_83 = arith.cmpi eq, %add3A_80, %eq3A_82 : vector<16xi32>
      %jit3A_84 = arith.constant 0 : i32
      %broadcast_in_dim3A_85 = vector.broadcast %jit3A_84 : i32 to vector<16xi32>
      %select_n3A_86 = arith.select %eq3A_83, %broadcast_in_dim3A_85, %add3A_80 : vector<16xi1>, vector<16xi32>
      %gather3A_87 = tpu.vector_load_idx %arg6[%select_n3A_86, %add3A_22] : memref<64x512xf32, #tpu.memory_space<vmem>>[vector<16xi32>, vector<16xi32>], vector<16xf32>,
      %gather3A_88 = tpu.vector_load_idx %arg7[%get3A_23, %select_n3A_86] : memref<72x64xf32, #tpu.memory_space<vmem>>[vector<16xi32>, vector<16xi32>], vector<16xf32>,
      %mul3A_89 = arith.mulf %gather3A_87, %gather3A_88 : vector<16xf32>
      %add3A_90 = arith.addf %add3A_77, %mul3A_89 : vector<16xf32>
      %add3A_91 = arith.constant 1 : i32
      %add3A_92 = vector.broadcast %add3A_91 : i32 to vector<16xi32>
      %add3A_93 = arith.addi %select_n3A_86, %add3A_92 : vector<16xi32>
      %eq3A_94 = arith.constant 64 : i32
      %eq3A_95 = vector.broadcast %eq3A_94 : i32 to vector<16xi32>
      %eq3A_96 = arith.cmpi eq, %add3A_93, %eq3A_95 : vector<16xi32>
      %jit3A_97 = arith.constant 0 : i32
      %broadcast_in_dim3A_98 = vector.broadcast %jit3A_97 : i32 to vector<16xi32>
      %select_n3A_99 = arith.select %eq3A_96, %broadcast_in_dim3A_98, %add3A_93 : vector<16xi1>, vector<16xi32>
      %gather3A_100 = tpu.vector_load_idx %arg6[%select_n3A_99, %add3A_22] : memref<64x512xf32, #tpu.memory_space<vmem>>[vector<16xi32>, vector<16xi32>], vector<16xf32>,
      %gather3A_101 = tpu.vector_load_idx %arg7[%get3A_23, %select_n3A_99] : memref<72x64xf32, #tpu.memory_space<vmem>>[vector<16xi32>, vector<16xi32>], vector<16xf32>,
      %mul3A_102 = arith.mulf %gather3A_100, %gather3A_101 : vector<16xf32>
      %add3A_103 = arith.addf %add3A_90, %mul3A_102 : vector<16xf32>
      %add3A_104 = arith.constant 1 : i32
      %add3A_105 = vector.broadcast %add3A_104 : i32 to vector<16xi32>
      %add3A_106 = arith.addi %select_n3A_99, %add3A_105 : vector<16xi32>
      %eq3A_107 = arith.constant 64 : i32
      %eq3A_108 = vector.broadcast %eq3A_107 : i32 to vector<16xi32>
      %eq3A_109 = arith.cmpi eq, %add3A_106, %eq3A_108 : vector<16xi32>
      %jit3A_110 = arith.constant 0 : i32
      %broadcast_in_dim3A_111 = vector.broadcast %jit3A_110 : i32 to vector<16xi32>
      %select_n3A_112 = arith.select %eq3A_109, %broadcast_in_dim3A_111, %add3A_106 : vector<16xi1>, vector<16xi32>
      %gather3A_113 = tpu.vector_load_idx %arg6[%select_n3A_112, %add3A_22] : memref<64x512xf32, #tpu.memory_space<vmem>>[vector<16xi32>, vector<16xi32>], vector<16xf32>,
      %gather3A_114 = tpu.vector_load_idx %arg7[%get3A_23, %select_n3A_112] : memref<72x64xf32, #tpu.memory_space<vmem>>[vector<16xi32>, vector<16xi32>], vector<16xf32>,
      %mul3A_115 = arith.mulf %gather3A_113, %gather3A_114 : vector<16xf32>
      %add3A_116 = arith.addf %add3A_103, %mul3A_115 : vector<16xf32>
      %add3A_117 = arith.constant 1 : i32
      %add3A_118 = vector.broadcast %add3A_117 : i32 to vector<16xi32>
      %add3A_119 = arith.addi %select_n3A_112, %add3A_118 : vector<16xi32>
      %eq3A_120 = arith.constant 64 : i32
      %eq3A_121 = vector.broadcast %eq3A_120 : i32 to vector<16xi32>
      %eq3A_122 = arith.cmpi eq, %add3A_119, %eq3A_121 : vector<16xi32>
      %jit3A_123 = arith.constant 0 : i32
      %broadcast_in_dim3A_124 = vector.broadcast %jit3A_123 : i32 to vector<16xi32>
      %select_n3A_125 = arith.select %eq3A_122, %broadcast_in_dim3A_124, %add3A_119 : vector<16xi1>, vector<16xi32>
      %gather3A_126 = tpu.vector_load_idx %arg6[%select_n3A_125, %add3A_22] : memref<64x512xf32, #tpu.memory_space<vmem>>[vector<16xi32>, vector<16xi32>], vector<16xf32>,
      %gather3A_127 = tpu.vector_load_idx %arg7[%get3A_23, %select_n3A_125] : memref<72x64xf32, #tpu.memory_space<vmem>>[vector<16xi32>, vector<16xi32>], vector<16xf32>,
      %mul3A_128 = arith.mulf %gather3A_126, %gather3A_127 : vector<16xf32>
      %add3A_129 = arith.addf %add3A_116, %mul3A_128 : vector<16xf32>
      %add3A_130 = arith.constant 1 : i32
      %add3A_131 = vector.broadcast %add3A_130 : i32 to vector<16xi32>
      %add3A_132 = arith.addi %select_n3A_125, %add3A_131 : vector<16xi32>
      %eq3A_133 = arith.constant 64 : i32
      %eq3A_134 = vector.broadcast %eq3A_133 : i32 to vector<16xi32>
      %eq3A_135 = arith.cmpi eq, %add3A_132, %eq3A_134 : vector<16xi32>
      %jit3A_136 = arith.constant 0 : i32
      %broadcast_in_dim3A_137 = vector.broadcast %jit3A_136 : i32 to vector<16xi32>
      %select_n3A_138 = arith.select %eq3A_135, %broadcast_in_dim3A_137, %add3A_132 : vector<16xi1>, vector<16xi32>
      %gather3A_139 = tpu.vector_load_idx %arg6[%select_n3A_138, %add3A_22] : memref<64x512xf32, #tpu.memory_space<vmem>>[vector<16xi32>, vector<16xi32>], vector<16xf32>,
      %gather3A_140 = tpu.vector_load_idx %arg7[%get3A_23, %select_n3A_138] : memref<72x64xf32, #tpu.memory_space<vmem>>[vector<16xi32>, vector<16xi32>], vector<16xf32>,
      %mul3A_141 = arith.mulf %gather3A_139, %gather3A_140 : vector<16xf32>
      %add3A_142 = arith.addf %add3A_129, %mul3A_141 : vector<16xf32>
      %add3A_143 = arith.constant 1 : i32
      %add3A_144 = vector.broadcast %add3A_143 : i32 to vector<16xi32>
      %add3A_145 = arith.addi %select_n3A_138, %add3A_144 : vector<16xi32>
      %eq3A_146 = arith.constant 64 : i32
      %eq3A_147 = vector.broadcast %eq3A_146 : i32 to vector<16xi32>
      %eq3A_148 = arith.cmpi eq, %add3A_145, %eq3A_147 : vector<16xi32>
      %jit3A_149 = arith.constant 0 : i32
      %broadcast_in_dim3A_150 = vector.broadcast %jit3A_149 : i32 to vector<16xi32>
      %select_n3A_151 = arith.select %eq3A_148, %broadcast_in_dim3A_150, %add3A_145 : vector<16xi1>, vector<16xi32>
      %gather3A_152 = tpu.vector_load_idx %arg6[%select_n3A_151, %add3A_22] : memref<64x512xf32, #tpu.memory_space<vmem>>[vector<16xi32>, vector<16xi32>], vector<16xf32>,
      %gather3A_153 = tpu.vector_load_idx %arg7[%get3A_23, %select_n3A_151] : memref<72x64xf32, #tpu.memory_space<vmem>>[vector<16xi32>, vector<16xi32>], vector<16xf32>,
      %mul3A_154 = arith.mulf %gather3A_152, %gather3A_153 : vector<16xf32>
      %add3A_155 = arith.addf %add3A_142, %mul3A_154 : vector<16xf32>
      %add3A_156 = arith.constant 1 : i32
      %add3A_157 = vector.broadcast %add3A_156 : i32 to vector<16xi32>
      %add3A_158 = arith.addi %select_n3A_151, %add3A_157 : vector<16xi32>
      %eq3A_159 = arith.constant 64 : i32
      %eq3A_160 = vector.broadcast %eq3A_159 : i32 to vector<16xi32>
      %eq3A_161 = arith.cmpi eq, %add3A_158, %eq3A_160 : vector<16xi32>
      %jit3A_162 = arith.constant 0 : i32
      %broadcast_in_dim3A_163 = vector.broadcast %jit3A_162 : i32 to vector<16xi32>
      %select_n3A_164 = arith.select %eq3A_161, %broadcast_in_dim3A_163, %add3A_158 : vector<16xi1>, vector<16xi32>
      %gather3A_165 = tpu.vector_load_idx %arg6[%select_n3A_164, %add3A_22] : memref<64x512xf32, #tpu.memory_space<vmem>>[vector<16xi32>, vector<16xi32>], vector<16xf32>,
      %gather3A_166 = tpu.vector_load_idx %arg7[%get3A_23, %select_n3A_164] : memref<72x64xf32, #tpu.memory_space<vmem>>[vector<16xi32>, vector<16xi32>], vector<16xf32>,
      %mul3A_167 = arith.mulf %gather3A_165, %gather3A_166 : vector<16xf32>
      %add3A_168 = arith.addf %add3A_155, %mul3A_167 : vector<16xf32>
      %add3A_169 = arith.constant 1 : i32
      %add3A_170 = vector.broadcast %add3A_169 : i32 to vector<16xi32>
      %add3A_171 = arith.addi %select_n3A_164, %add3A_170 : vector<16xi32>
      %eq3A_172 = arith.constant 64 : i32
      %eq3A_173 = vector.broadcast %eq3A_172 : i32 to vector<16xi32>
      %eq3A_174 = arith.cmpi eq, %add3A_171, %eq3A_173 : vector<16xi32>
      %jit3A_175 = arith.constant 0 : i32
      %broadcast_in_dim3A_176 = vector.broadcast %jit3A_175 : i32 to vector<16xi32>
      %select_n3A_177 = arith.select %eq3A_174, %broadcast_in_dim3A_176, %add3A_171 : vector<16xi1>, vector<16xi32>
      %gather3A_178 = tpu.vector_load_idx %arg6[%select_n3A_177, %add3A_22] : memref<64x512xf32, #tpu.memory_space<vmem>>[vector<16xi32>, vector<16xi32>], vector<16xf32>,
      %gather3A_179 = tpu.vector_load_idx %arg7[%get3A_23, %select_n3A_177] : memref<72x64xf32, #tpu.memory_space<vmem>>[vector<16xi32>, vector<16xi32>], vector<16xf32>,
      %mul3A_180 = arith.mulf %gather3A_178, %gather3A_179 : vector<16xf32>
      %add3A_181 = arith.addf %add3A_168, %mul3A_180 : vector<16xf32>
      %add3A_182 = arith.constant 1 : i32
      %add3A_183 = vector.broadcast %add3A_182 : i32 to vector<16xi32>
      %add3A_184 = arith.addi %select_n3A_177, %add3A_183 : vector<16xi32>
      %eq3A_185 = arith.constant 64 : i32
      %eq3A_186 = vector.broadcast %eq3A_185 : i32 to vector<16xi32>
      %eq3A_187 = arith.cmpi eq, %add3A_184, %eq3A_186 : vector<16xi32>
      %jit3A_188 = arith.constant 0 : i32
      %broadcast_in_dim3A_189 = vector.broadcast %jit3A_188 : i32 to vector<16xi32>
      %select_n3A_190 = arith.select %eq3A_187, %broadcast_in_dim3A_189, %add3A_184 : vector<16xi1>, vector<16xi32>
      %gather3A_191 = tpu.vector_load_idx %arg6[%select_n3A_190, %add3A_22] : memref<64x512xf32, #tpu.memory_space<vmem>>[vector<16xi32>, vector<16xi32>], vector<16xf32>,
      %gather3A_192 = tpu.vector_load_idx %arg7[%get3A_23, %select_n3A_190] : memref<72x64xf32, #tpu.memory_space<vmem>>[vector<16xi32>, vector<16xi32>], vector<16xf32>,
      %mul3A_193 = arith.mulf %gather3A_191, %gather3A_192 : vector<16xf32>
      %add3A_194 = arith.addf %add3A_181, %mul3A_193 : vector<16xf32>
      %add3A_195 = arith.constant 1 : i32
      %add3A_196 = vector.broadcast %add3A_195 : i32 to vector<16xi32>
      %add3A_197 = arith.addi %select_n3A_190, %add3A_196 : vector<16xi32>
      %eq3A_198 = arith.constant 64 : i32
      %eq3A_199 = vector.broadcast %eq3A_198 : i32 to vector<16xi32>
      %eq3A_200 = arith.cmpi eq, %add3A_197, %eq3A_199 : vector<16xi32>
      %jit3A_201 = arith.constant 0 : i32
      %broadcast_in_dim3A_202 = vector.broadcast %jit3A_201 : i32 to vector<16xi32>
      %select_n3A_203 = arith.select %eq3A_200, %broadcast_in_dim3A_202, %add3A_197 : vector<16xi1>, vector<16xi32>
      %gather3A_204 = tpu.vector_load_idx %arg6[%select_n3A_203, %add3A_22] : memref<64x512xf32, #tpu.memory_space<vmem>>[vector<16xi32>, vector<16xi32>], vector<16xf32>,
      %gather3A_205 = tpu.vector_load_idx %arg7[%get3A_23, %select_n3A_203] : memref<72x64xf32, #tpu.memory_space<vmem>>[vector<16xi32>, vector<16xi32>], vector<16xf32>,
      %mul3A_206 = arith.mulf %gather3A_204, %gather3A_205 : vector<16xf32>
      %add3A_207 = arith.addf %add3A_194, %mul3A_206 : vector<16xf32>
      %add3A_208 = arith.constant 1 : i32
      %add3A_209 = vector.broadcast %add3A_208 : i32 to vector<16xi32>
      %add3A_210 = arith.addi %select_n3A_203, %add3A_209 : vector<16xi32>
      %eq3A_211 = arith.constant 64 : i32
      %eq3A_212 = vector.broadcast %eq3A_211 : i32 to vector<16xi32>
      %eq3A_213 = arith.cmpi eq, %add3A_210, %eq3A_212 : vector<16xi32>
      %jit3A_214 = arith.constant 0 : i32
      %broadcast_in_dim3A_215 = vector.broadcast %jit3A_214 : i32 to vector<16xi32>
      %select_n3A_216 = arith.select %eq3A_213, %broadcast_in_dim3A_215, %add3A_210 : vector<16xi1>, vector<16xi32>
      %gather3A_217 = tpu.vector_load_idx %arg6[%select_n3A_216, %add3A_22] : memref<64x512xf32, #tpu.memory_space<vmem>>[vector<16xi32>, vector<16xi32>], vector<16xf32>,
      %gather3A_218 = tpu.vector_load_idx %arg7[%get3A_23, %select_n3A_216] : memref<72x64xf32, #tpu.memory_space<vmem>>[vector<16xi32>, vector<16xi32>], vector<16xf32>,
      %mul3A_219 = arith.mulf %gather3A_217, %gather3A_218 : vector<16xf32>
      %add3A_220 = arith.addf %add3A_207, %mul3A_219 : vector<16xf32>
      %add3A_221 = arith.constant 1 : i32
      %add3A_222 = vector.broadcast %add3A_221 : i32 to vector<16xi32>
      %add3A_223 = arith.addi %select_n3A_216, %add3A_222 : vector<16xi32>
      %eq3A_224 = arith.constant 64 : i32
      %eq3A_225 = vector.broadcast %eq3A_224 : i32 to vector<16xi32>
      %eq3A_226 = arith.cmpi eq, %add3A_223, %eq3A_225 : vector<16xi32>
      %jit3A_227 = arith.constant 0 : i32
      %broadcast_in_dim3A_228 = vector.broadcast %jit3A_227 : i32 to vector<16xi32>
      %select_n3A_229 = arith.select %eq3A_226, %broadcast_in_dim3A_228, %add3A_223 : vector<16xi1>, vector<16xi32>
      %gather3A_230 = tpu.vector_load_idx %arg6[%select_n3A_229, %add3A_22] : memref<64x512xf32, #tpu.memory_space<vmem>>[vector<16xi32>, vector<16xi32>], vector<16xf32>,
      %gather3A_231 = tpu.vector_load_idx %arg7[%get3A_23, %select_n3A_229] : memref<72x64xf32, #tpu.memory_space<vmem>>[vector<16xi32>, vector<16xi32>], vector<16xf32>,
      %mul3A_232 = arith.mulf %gather3A_230, %gather3A_231 : vector<16xf32>
      %add3A_233 = arith.addf %add3A_220, %mul3A_232 : vector<16xf32>
      %add3A_234 = arith.constant 1 : i32
      %add3A_235 = vector.broadcast %add3A_234 : i32 to vector<16xi32>
      %add3A_236 = arith.addi %select_n3A_229, %add3A_235 : vector<16xi32>
      %eq3A_237 = arith.constant 64 : i32
      %eq3A_238 = vector.broadcast %eq3A_237 : i32 to vector<16xi32>
      %eq3A_239 = arith.cmpi eq, %add3A_236, %eq3A_238 : vector<16xi32>
      %jit3A_240 = arith.constant 0 : i32
      %broadcast_in_dim3A_241 = vector.broadcast %jit3A_240 : i32 to vector<16xi32>
      %select_n3A_242 = arith.select %eq3A_239, %broadcast_in_dim3A_241, %add3A_236 : vector<16xi1>, vector<16xi32>
      %gather3A_243 = tpu.vector_load_idx %arg6[%select_n3A_242, %add3A_22] : memref<64x512xf32, #tpu.memory_space<vmem>>[vector<16xi32>, vector<16xi32>], vector<16xf32>,
      %gather3A_244 = tpu.vector_load_idx %arg7[%get3A_23, %select_n3A_242] : memref<72x64xf32, #tpu.memory_space<vmem>>[vector<16xi32>, vector<16xi32>], vector<16xf32>,
      %mul3A_245 = arith.mulf %gather3A_243, %gather3A_244 : vector<16xf32>
      %add3A_246 = arith.addf %add3A_233, %mul3A_245 : vector<16xf32>
      %add3A_247 = arith.constant 1 : i32
      %add3A_248 = vector.broadcast %add3A_247 : i32 to vector<16xi32>
      %add3A_249 = arith.addi %select_n3A_242, %add3A_248 : vector<16xi32>
      %eq3A_250 = arith.constant 64 : i32
      %eq3A_251 = vector.broadcast %eq3A_250 : i32 to vector<16xi32>
      %eq3A_252 = arith.cmpi eq, %add3A_249, %eq3A_251 : vector<16xi32>
      %jit3A_253 = arith.constant 0 : i32
      %broadcast_in_dim3A_254 = vector.broadcast %jit3A_253 : i32 to vector<16xi32>
      %select_n3A_255 = arith.select %eq3A_252, %broadcast_in_dim3A_254, %add3A_249 : vector<16xi1>, vector<16xi32>
      %gather3A_256 = tpu.vector_load_idx %arg6[%select_n3A_255, %add3A_22] : memref<64x512xf32, #tpu.memory_space<vmem>>[vector<16xi32>, vector<16xi32>], vector<16xf32>,
      %gather3A_257 = tpu.vector_load_idx %arg7[%get3A_23, %select_n3A_255] : memref<72x64xf32, #tpu.memory_space<vmem>>[vector<16xi32>, vector<16xi32>], vector<16xf32>,
      %mul3A_258 = arith.mulf %gather3A_256, %gather3A_257 : vector<16xf32>
      %add3A_259 = arith.addf %add3A_246, %mul3A_258 : vector<16xf32>
      %add3A_260 = arith.constant 1 : i32
      %add3A_261 = vector.broadcast %add3A_260 : i32 to vector<16xi32>
      %add3A_262 = arith.addi %select_n3A_255, %add3A_261 : vector<16xi32>
      %eq3A_263 = arith.constant 64 : i32
      %eq3A_264 = vector.broadcast %eq3A_263 : i32 to vector<16xi32>
      %eq3A_265 = arith.cmpi eq, %add3A_262, %eq3A_264 : vector<16xi32>
      %jit3A_266 = arith.constant 0 : i32
      %broadcast_in_dim3A_267 = vector.broadcast %jit3A_266 : i32 to vector<16xi32>
      %select_n3A_268 = arith.select %eq3A_265, %broadcast_in_dim3A_267, %add3A_262 : vector<16xi1>, vector<16xi32>
      %gather3A_269 = tpu.vector_load_idx %arg6[%select_n3A_268, %add3A_22] : memref<64x512xf32, #tpu.memory_space<vmem>>[vector<16xi32>, vector<16xi32>], vector<16xf32>,
      %gather3A_270 = tpu.vector_load_idx %arg7[%get3A_23, %select_n3A_268] : memref<72x64xf32, #tpu.memory_space<vmem>>[vector<16xi32>, vector<16xi32>], vector<16xf32>,
      %mul3A_271 = arith.mulf %gather3A_269, %gather3A_270 : vector<16xf32>
      %add3A_272 = arith.addf %add3A_259, %mul3A_271 : vector<16xf32>
      %add3A_273 = arith.constant 1 : i32
      %add3A_274 = vector.broadcast %add3A_273 : i32 to vector<16xi32>
      %add3A_275 = arith.addi %select_n3A_268, %add3A_274 : vector<16xi32>
      %eq3A_276 = arith.constant 64 : i32
      %eq3A_277 = vector.broadcast %eq3A_276 : i32 to vector<16xi32>
      %eq3A_278 = arith.cmpi eq, %add3A_275, %eq3A_277 : vector<16xi32>
      %jit3A_279 = arith.constant 0 : i32
      %broadcast_in_dim3A_280 = vector.broadcast %jit3A_279 : i32 to vector<16xi32>
      %select_n3A_281 = arith.select %eq3A_278, %broadcast_in_dim3A_280, %add3A_275 : vector<16xi1>, vector<16xi32>
      %gather3A_282 = tpu.vector_load_idx %arg6[%select_n3A_281, %add3A_22] : memref<64x512xf32, #tpu.memory_space<vmem>>[vector<16xi32>, vector<16xi32>], vector<16xf32>,
      %gather3A_283 = tpu.vector_load_idx %arg7[%get3A_23, %select_n3A_281] : memref<72x64xf32, #tpu.memory_space<vmem>>[vector<16xi32>, vector<16xi32>], vector<16xf32>,
      %mul3A_284 = arith.mulf %gather3A_282, %gather3A_283 : vector<16xf32>
      %add3A_285 = arith.addf %add3A_272, %mul3A_284 : vector<16xf32>
      %add3A_286 = arith.constant 1 : i32
      %add3A_287 = vector.broadcast %add3A_286 : i32 to vector<16xi32>
      %add3A_288 = arith.addi %select_n3A_281, %add3A_287 : vector<16xi32>
      %eq3A_289 = arith.constant 64 : i32
      %eq3A_290 = vector.broadcast %eq3A_289 : i32 to vector<16xi32>
      %eq3A_291 = arith.cmpi eq, %add3A_288, %eq3A_290 : vector<16xi32>
      %jit3A_292 = arith.constant 0 : i32
      %broadcast_in_dim3A_293 = vector.broadcast %jit3A_292 : i32 to vector<16xi32>
      %select_n3A_294 = arith.select %eq3A_291, %broadcast_in_dim3A_293, %add3A_288 : vector<16xi1>, vector<16xi32>
      %gather3A_295 = tpu.vector_load_idx %arg6[%select_n3A_294, %add3A_22] : memref<64x512xf32, #tpu.memory_space<vmem>>[vector<16xi32>, vector<16xi32>], vector<16xf32>,
      %gather3A_296 = tpu.vector_load_idx %arg7[%get3A_23, %select_n3A_294] : memref<72x64xf32, #tpu.memory_space<vmem>>[vector<16xi32>, vector<16xi32>], vector<16xf32>,
      %mul3A_297 = arith.mulf %gather3A_295, %gather3A_296 : vector<16xf32>
      %add3A_298 = arith.addf %add3A_285, %mul3A_297 : vector<16xf32>
      %add3A_299 = arith.constant 1 : i32
      %add3A_300 = vector.broadcast %add3A_299 : i32 to vector<16xi32>
      %add3A_301 = arith.addi %select_n3A_294, %add3A_300 : vector<16xi32>
      %eq3A_302 = arith.constant 64 : i32
      %eq3A_303 = vector.broadcast %eq3A_302 : i32 to vector<16xi32>
      %eq3A_304 = arith.cmpi eq, %add3A_301, %eq3A_303 : vector<16xi32>
      %jit3A_305 = arith.constant 0 : i32
      %broadcast_in_dim3A_306 = vector.broadcast %jit3A_305 : i32 to vector<16xi32>
      %select_n3A_307 = arith.select %eq3A_304, %broadcast_in_dim3A_306, %add3A_301 : vector<16xi1>, vector<16xi32>
      %gather3A_308 = tpu.vector_load_idx %arg6[%select_n3A_307, %add3A_22] : memref<64x512xf32, #tpu.memory_space<vmem>>[vector<16xi32>, vector<16xi32>], vector<16xf32>,
      %gather3A_309 = tpu.vector_load_idx %arg7[%get3A_23, %select_n3A_307] : memref<72x64xf32, #tpu.memory_space<vmem>>[vector<16xi32>, vector<16xi32>], vector<16xf32>,
      %mul3A_310 = arith.mulf %gather3A_308, %gather3A_309 : vector<16xf32>
      %add3A_311 = arith.addf %add3A_298, %mul3A_310 : vector<16xf32>
      %add3A_312 = arith.constant 1 : i32
      %add3A_313 = vector.broadcast %add3A_312 : i32 to vector<16xi32>
      %add3A_314 = arith.addi %select_n3A_307, %add3A_313 : vector<16xi32>
      %eq3A_315 = arith.constant 64 : i32
      %eq3A_316 = vector.broadcast %eq3A_315 : i32 to vector<16xi32>
      %eq3A_317 = arith.cmpi eq, %add3A_314, %eq3A_316 : vector<16xi32>
      %jit3A_318 = arith.constant 0 : i32
      %broadcast_in_dim3A_319 = vector.broadcast %jit3A_318 : i32 to vector<16xi32>
      %select_n3A_320 = arith.select %eq3A_317, %broadcast_in_dim3A_319, %add3A_314 : vector<16xi1>, vector<16xi32>
      %gather3A_321 = tpu.vector_load_idx %arg6[%select_n3A_320, %add3A_22] : memref<64x512xf32, #tpu.memory_space<vmem>>[vector<16xi32>, vector<16xi32>], vector<16xf32>,
      %gather3A_322 = tpu.vector_load_idx %arg7[%get3A_23, %select_n3A_320] : memref<72x64xf32, #tpu.memory_space<vmem>>[vector<16xi32>, vector<16xi32>], vector<16xf32>,
      %mul3A_323 = arith.mulf %gather3A_321, %gather3A_322 : vector<16xf32>
      %add3A_324 = arith.addf %add3A_311, %mul3A_323 : vector<16xf32>
      %add3A_325 = arith.constant 1 : i32
      %add3A_326 = vector.broadcast %add3A_325 : i32 to vector<16xi32>
      %add3A_327 = arith.addi %select_n3A_320, %add3A_326 : vector<16xi32>
      %eq3A_328 = arith.constant 64 : i32
      %eq3A_329 = vector.broadcast %eq3A_328 : i32 to vector<16xi32>
      %eq3A_330 = arith.cmpi eq, %add3A_327, %eq3A_329 : vector<16xi32>
      %jit3A_331 = arith.constant 0 : i32
      %broadcast_in_dim3A_332 = vector.broadcast %jit3A_331 : i32 to vector<16xi32>
      %select_n3A_333 = arith.select %eq3A_330, %broadcast_in_dim3A_332, %add3A_327 : vector<16xi1>, vector<16xi32>
      %gather3A_334 = tpu.vector_load_idx %arg6[%select_n3A_333, %add3A_22] : memref<64x512xf32, #tpu.memory_space<vmem>>[vector<16xi32>, vector<16xi32>], vector<16xf32>,
      %gather3A_335 = tpu.vector_load_idx %arg7[%get3A_23, %select_n3A_333] : memref<72x64xf32, #tpu.memory_space<vmem>>[vector<16xi32>, vector<16xi32>], vector<16xf32>,
      %mul3A_336 = arith.mulf %gather3A_334, %gather3A_335 : vector<16xf32>
      %add3A_337 = arith.addf %add3A_324, %mul3A_336 : vector<16xf32>
      %add3A_338 = arith.constant 1 : i32
      %add3A_339 = vector.broadcast %add3A_338 : i32 to vector<16xi32>
      %add3A_340 = arith.addi %select_n3A_333, %add3A_339 : vector<16xi32>
      %eq3A_341 = arith.constant 64 : i32
      %eq3A_342 = vector.broadcast %eq3A_341 : i32 to vector<16xi32>
      %eq3A_343 = arith.cmpi eq, %add3A_340, %eq3A_342 : vector<16xi32>
      %jit3A_344 = arith.constant 0 : i32
      %broadcast_in_dim3A_345 = vector.broadcast %jit3A_344 : i32 to vector<16xi32>
      %select_n3A_346 = arith.select %eq3A_343, %broadcast_in_dim3A_345, %add3A_340 : vector<16xi1>, vector<16xi32>
      %gather3A_347 = tpu.vector_load_idx %arg6[%select_n3A_346, %add3A_22] : memref<64x512xf32, #tpu.memory_space<vmem>>[vector<16xi32>, vector<16xi32>], vector<16xf32>,
      %gather3A_348 = tpu.vector_load_idx %arg7[%get3A_23, %select_n3A_346] : memref<72x64xf32, #tpu.memory_space<vmem>>[vector<16xi32>, vector<16xi32>], vector<16xf32>,
      %mul3A_349 = arith.mulf %gather3A_347, %gather3A_348 : vector<16xf32>
      %add3A_350 = arith.addf %add3A_337, %mul3A_349 : vector<16xf32>
      %add3A_351 = arith.constant 1 : i32
      %add3A_352 = vector.broadcast %add3A_351 : i32 to vector<16xi32>
      %add3A_353 = arith.addi %select_n3A_346, %add3A_352 : vector<16xi32>
      %eq3A_354 = arith.constant 64 : i32
      %eq3A_355 = vector.broadcast %eq3A_354 : i32 to vector<16xi32>
      %eq3A_356 = arith.cmpi eq, %add3A_353, %eq3A_355 : vector<16xi32>
      %jit3A_357 = arith.constant 0 : i32
      %broadcast_in_dim3A_358 = vector.broadcast %jit3A_357 : i32 to vector<16xi32>
      %select_n3A_359 = arith.select %eq3A_356, %broadcast_in_dim3A_358, %add3A_353 : vector<16xi1>, vector<16xi32>
      %gather3A_360 = tpu.vector_load_idx %arg6[%select_n3A_359, %add3A_22] : memref<64x512xf32, #tpu.memory_space<vmem>>[vector<16xi32>, vector<16xi32>], vector<16xf32>,
      %gather3A_361 = tpu.vector_load_idx %arg7[%get3A_23, %select_n3A_359] : memref<72x64xf32, #tpu.memory_space<vmem>>[vector<16xi32>, vector<16xi32>], vector<16xf32>,
      %mul3A_362 = arith.mulf %gather3A_360, %gather3A_361 : vector<16xf32>
      %add3A_363 = arith.addf %add3A_350, %mul3A_362 : vector<16xf32>
      %add3A_364 = arith.constant 1 : i32
      %add3A_365 = vector.broadcast %add3A_364 : i32 to vector<16xi32>
      %add3A_366 = arith.addi %select_n3A_359, %add3A_365 : vector<16xi32>
      %eq3A_367 = arith.constant 64 : i32
      %eq3A_368 = vector.broadcast %eq3A_367 : i32 to vector<16xi32>
      %eq3A_369 = arith.cmpi eq, %add3A_366, %eq3A_368 : vector<16xi32>
      %jit3A_370 = arith.constant 0 : i32
      %broadcast_in_dim3A_371 = vector.broadcast %jit3A_370 : i32 to vector<16xi32>
      %select_n3A_372 = arith.select %eq3A_369, %broadcast_in_dim3A_371, %add3A_366 : vector<16xi1>, vector<16xi32>
      %gather3A_373 = tpu.vector_load_idx %arg6[%select_n3A_372, %add3A_22] : memref<64x512xf32, #tpu.memory_space<vmem>>[vector<16xi32>, vector<16xi32>], vector<16xf32>,
      %gather3A_374 = tpu.vector_load_idx %arg7[%get3A_23, %select_n3A_372] : memref<72x64xf32, #tpu.memory_space<vmem>>[vector<16xi32>, vector<16xi32>], vector<16xf32>,
      %mul3A_375 = arith.mulf %gather3A_373, %gather3A_374 : vector<16xf32>
      %add3A_376 = arith.addf %add3A_363, %mul3A_375 : vector<16xf32>
      %add3A_377 = arith.constant 1 : i32
      %add3A_378 = vector.broadcast %add3A_377 : i32 to vector<16xi32>
      %add3A_379 = arith.addi %select_n3A_372, %add3A_378 : vector<16xi32>
      %eq3A_380 = arith.constant 64 : i32
      %eq3A_381 = vector.broadcast %eq3A_380 : i32 to vector<16xi32>
      %eq3A_382 = arith.cmpi eq, %add3A_379, %eq3A_381 : vector<16xi32>
      %jit3A_383 = arith.constant 0 : i32
      %broadcast_in_dim3A_384 = vector.broadcast %jit3A_383 : i32 to vector<16xi32>
      %select_n3A_385 = arith.select %eq3A_382, %broadcast_in_dim3A_384, %add3A_379 : vector<16xi1>, vector<16xi32>
      %gather3A_386 = tpu.vector_load_idx %arg6[%select_n3A_385, %add3A_22] : memref<64x512xf32, #tpu.memory_space<vmem>>[vector<16xi32>, vector<16xi32>], vector<16xf32>,
      %gather3A_387 = tpu.vector_load_idx %arg7[%get3A_23, %select_n3A_385] : memref<72x64xf32, #tpu.memory_space<vmem>>[vector<16xi32>, vector<16xi32>], vector<16xf32>,
      %mul3A_388 = arith.mulf %gather3A_386, %gather3A_387 : vector<16xf32>
      %add3A_389 = arith.addf %add3A_376, %mul3A_388 : vector<16xf32>
      %add3A_390 = arith.constant 1 : i32
      %add3A_391 = vector.broadcast %add3A_390 : i32 to vector<16xi32>
      %add3A_392 = arith.addi %select_n3A_385, %add3A_391 : vector<16xi32>
      %eq3A_393 = arith.constant 64 : i32
      %eq3A_394 = vector.broadcast %eq3A_393 : i32 to vector<16xi32>
      %eq3A_395 = arith.cmpi eq, %add3A_392, %eq3A_394 : vector<16xi32>
      %jit3A_396 = arith.constant 0 : i32
      %broadcast_in_dim3A_397 = vector.broadcast %jit3A_396 : i32 to vector<16xi32>
      %select_n3A_398 = arith.select %eq3A_395, %broadcast_in_dim3A_397, %add3A_392 : vector<16xi1>, vector<16xi32>
      %gather3A_399 = tpu.vector_load_idx %arg6[%select_n3A_398, %add3A_22] : memref<64x512xf32, #tpu.memory_space<vmem>>[vector<16xi32>, vector<16xi32>], vector<16xf32>,
      %gather3A_400 = tpu.vector_load_idx %arg7[%get3A_23, %select_n3A_398] : memref<72x64xf32, #tpu.memory_space<vmem>>[vector<16xi32>, vector<16xi32>], vector<16xf32>,
      %mul3A_401 = arith.mulf %gather3A_399, %gather3A_400 : vector<16xf32>
      %add3A_402 = arith.addf %add3A_389, %mul3A_401 : vector<16xf32>
      %add3A_403 = arith.constant 1 : i32
      %add3A_404 = vector.broadcast %add3A_403 : i32 to vector<16xi32>
      %add3A_405 = arith.addi %select_n3A_398, %add3A_404 : vector<16xi32>
      %eq3A_406 = arith.constant 64 : i32
      %eq3A_407 = vector.broadcast %eq3A_406 : i32 to vector<16xi32>
      %eq3A_408 = arith.cmpi eq, %add3A_405, %eq3A_407 : vector<16xi32>
      %jit3A_409 = arith.constant 0 : i32
      %broadcast_in_dim3A_410 = vector.broadcast %jit3A_409 : i32 to vector<16xi32>
      %select_n3A_411 = arith.select %eq3A_408, %broadcast_in_dim3A_410, %add3A_405 : vector<16xi1>, vector<16xi32>
      %gather3A_412 = tpu.vector_load_idx %arg6[%select_n3A_411, %add3A_22] : memref<64x512xf32, #tpu.memory_space<vmem>>[vector<16xi32>, vector<16xi32>], vector<16xf32>,
      %gather3A_413 = tpu.vector_load_idx %arg7[%get3A_23, %select_n3A_411] : memref<72x64xf32, #tpu.memory_space<vmem>>[vector<16xi32>, vector<16xi32>], vector<16xf32>,
      %mul3A_414 = arith.mulf %gather3A_412, %gather3A_413 : vector<16xf32>
      %add3A_415 = arith.addf %add3A_402, %mul3A_414 : vector<16xf32>
      %add3A_416 = arith.constant 1 : i32
      %add3A_417 = vector.broadcast %add3A_416 : i32 to vector<16xi32>
      %add3A_418 = arith.addi %select_n3A_411, %add3A_417 : vector<16xi32>
      %eq3A_419 = arith.constant 64 : i32
      %eq3A_420 = vector.broadcast %eq3A_419 : i32 to vector<16xi32>
      %eq3A_421 = arith.cmpi eq, %add3A_418, %eq3A_420 : vector<16xi32>
      %jit3A_422 = arith.constant 0 : i32
      %broadcast_in_dim3A_423 = vector.broadcast %jit3A_422 : i32 to vector<16xi32>
      %select_n3A_424 = arith.select %eq3A_421, %broadcast_in_dim3A_423, %add3A_418 : vector<16xi1>, vector<16xi32>
      %gather3A_425 = tpu.vector_load_idx %arg6[%select_n3A_424, %add3A_22] : memref<64x512xf32, #tpu.memory_space<vmem>>[vector<16xi32>, vector<16xi32>], vector<16xf32>,
      %gather3A_426 = tpu.vector_load_idx %arg7[%get3A_23, %select_n3A_424] : memref<72x64xf32, #tpu.memory_space<vmem>>[vector<16xi32>, vector<16xi32>], vector<16xf32>,
      %mul3A_427 = arith.mulf %gather3A_425, %gather3A_426 : vector<16xf32>
      %add3A_428 = arith.addf %add3A_415, %mul3A_427 : vector<16xf32>
      %add3A_429 = arith.constant 1 : i32
      %add3A_430 = vector.broadcast %add3A_429 : i32 to vector<16xi32>
      %add3A_431 = arith.addi %select_n3A_424, %add3A_430 : vector<16xi32>
      %eq3A_432 = arith.constant 64 : i32
      %eq3A_433 = vector.broadcast %eq3A_432 : i32 to vector<16xi32>
      %eq3A_434 = arith.cmpi eq, %add3A_431, %eq3A_433 : vector<16xi32>
      %jit3A_435 = arith.constant 0 : i32
      %broadcast_in_dim3A_436 = vector.broadcast %jit3A_435 : i32 to vector<16xi32>
      %select_n3A_437 = arith.select %eq3A_434, %broadcast_in_dim3A_436, %add3A_431 : vector<16xi1>, vector<16xi32>
      %gather3A_438 = tpu.vector_load_idx %arg6[%select_n3A_437, %add3A_22] : memref<64x512xf32, #tpu.memory_space<vmem>>[vector<16xi32>, vector<16xi32>], vector<16xf32>,
      %gather3A_439 = tpu.vector_load_idx %arg7[%get3A_23, %select_n3A_437] : memref<72x64xf32, #tpu.memory_space<vmem>>[vector<16xi32>, vector<16xi32>], vector<16xf32>,
      %mul3A_440 = arith.mulf %gather3A_438, %gather3A_439 : vector<16xf32>
      %add3A_441 = arith.addf %add3A_428, %mul3A_440 : vector<16xf32>
      %add3A_442 = arith.constant 1 : i32
      %add3A_443 = vector.broadcast %add3A_442 : i32 to vector<16xi32>
      %add3A_444 = arith.addi %select_n3A_437, %add3A_443 : vector<16xi32>
      %eq3A_445 = arith.constant 64 : i32
      %eq3A_446 = vector.broadcast %eq3A_445 : i32 to vector<16xi32>
      %eq3A_447 = arith.cmpi eq, %add3A_444, %eq3A_446 : vector<16xi32>
      %jit3A_448 = arith.constant 0 : i32
      %broadcast_in_dim3A_449 = vector.broadcast %jit3A_448 : i32 to vector<16xi32>
      %select_n3A_450 = arith.select %eq3A_447, %broadcast_in_dim3A_449, %add3A_444 : vector<16xi1>, vector<16xi32>
      %gather3A_451 = tpu.vector_load_idx %arg6[%select_n3A_450, %add3A_22] : memref<64x512xf32, #tpu.memory_space<vmem>>[vector<16xi32>, vector<16xi32>], vector<16xf32>,
      %gather3A_452 = tpu.vector_load_idx %arg7[%get3A_23, %select_n3A_450] : memref<72x64xf32, #tpu.memory_space<vmem>>[vector<16xi32>, vector<16xi32>], vector<16xf32>,
      %mul3A_453 = arith.mulf %gather3A_451, %gather3A_452 : vector<16xf32>
      %add3A_454 = arith.addf %add3A_441, %mul3A_453 : vector<16xf32>
      %add3A_455 = arith.constant 1 : i32
      %add3A_456 = vector.broadcast %add3A_455 : i32 to vector<16xi32>
      %add3A_457 = arith.addi %select_n3A_450, %add3A_456 : vector<16xi32>
      %eq3A_458 = arith.constant 64 : i32
      %eq3A_459 = vector.broadcast %eq3A_458 : i32 to vector<16xi32>
      %eq3A_460 = arith.cmpi eq, %add3A_457, %eq3A_459 : vector<16xi32>
      %jit3A_461 = arith.constant 0 : i32
      %broadcast_in_dim3A_462 = vector.broadcast %jit3A_461 : i32 to vector<16xi32>
      %select_n3A_463 = arith.select %eq3A_460, %broadcast_in_dim3A_462, %add3A_457 : vector<16xi1>, vector<16xi32>
      %gather3A_464 = tpu.vector_load_idx %arg6[%select_n3A_463, %add3A_22] : memref<64x512xf32, #tpu.memory_space<vmem>>[vector<16xi32>, vector<16xi32>], vector<16xf32>,
      %gather3A_465 = tpu.vector_load_idx %arg7[%get3A_23, %select_n3A_463] : memref<72x64xf32, #tpu.memory_space<vmem>>[vector<16xi32>, vector<16xi32>], vector<16xf32>,
      %mul3A_466 = arith.mulf %gather3A_464, %gather3A_465 : vector<16xf32>
      %add3A_467 = arith.addf %add3A_454, %mul3A_466 : vector<16xf32>
      %add3A_468 = arith.constant 1 : i32
      %add3A_469 = vector.broadcast %add3A_468 : i32 to vector<16xi32>
      %add3A_470 = arith.addi %select_n3A_463, %add3A_469 : vector<16xi32>
      %eq3A_471 = arith.constant 64 : i32
      %eq3A_472 = vector.broadcast %eq3A_471 : i32 to vector<16xi32>
      %eq3A_473 = arith.cmpi eq, %add3A_470, %eq3A_472 : vector<16xi32>
      %jit3A_474 = arith.constant 0 : i32
      %broadcast_in_dim3A_475 = vector.broadcast %jit3A_474 : i32 to vector<16xi32>
      %select_n3A_476 = arith.select %eq3A_473, %broadcast_in_dim3A_475, %add3A_470 : vector<16xi1>, vector<16xi32>
      %gather3A_477 = tpu.vector_load_idx %arg6[%select_n3A_476, %add3A_22] : memref<64x512xf32, #tpu.memory_space<vmem>>[vector<16xi32>, vector<16xi32>], vector<16xf32>,
      %gather3A_478 = tpu.vector_load_idx %arg7[%get3A_23, %select_n3A_476] : memref<72x64xf32, #tpu.memory_space<vmem>>[vector<16xi32>, vector<16xi32>], vector<16xf32>,
      %mul3A_479 = arith.mulf %gather3A_477, %gather3A_478 : vector<16xf32>
      %add3A_480 = arith.addf %add3A_467, %mul3A_479 : vector<16xf32>
      %add3A_481 = arith.constant 1 : i32
      %add3A_482 = vector.broadcast %add3A_481 : i32 to vector<16xi32>
      %add3A_483 = arith.addi %select_n3A_476, %add3A_482 : vector<16xi32>
      %eq3A_484 = arith.constant 64 : i32
      %eq3A_485 = vector.broadcast %eq3A_484 : i32 to vector<16xi32>
      %eq3A_486 = arith.cmpi eq, %add3A_483, %eq3A_485 : vector<16xi32>
      %jit3A_487 = arith.constant 0 : i32
      %broadcast_in_dim3A_488 = vector.broadcast %jit3A_487 : i32 to vector<16xi32>
      %select_n3A_489 = arith.select %eq3A_486, %broadcast_in_dim3A_488, %add3A_483 : vector<16xi1>, vector<16xi32>
      %gather3A_490 = tpu.vector_load_idx %arg6[%select_n3A_489, %add3A_22] : memref<64x512xf32, #tpu.memory_space<vmem>>[vector<16xi32>, vector<16xi32>], vector<16xf32>,
      %gather3A_491 = tpu.vector_load_idx %arg7[%get3A_23, %select_n3A_489] : memref<72x64xf32, #tpu.memory_space<vmem>>[vector<16xi32>, vector<16xi32>], vector<16xf32>,
      %mul3A_492 = arith.mulf %gather3A_490, %gather3A_491 : vector<16xf32>
      %add3A_493 = arith.addf %add3A_480, %mul3A_492 : vector<16xf32>
      %add3A_494 = arith.constant 1 : i32
      %add3A_495 = vector.broadcast %add3A_494 : i32 to vector<16xi32>
      %add3A_496 = arith.addi %select_n3A_489, %add3A_495 : vector<16xi32>
      %eq3A_497 = arith.constant 64 : i32
      %eq3A_498 = vector.broadcast %eq3A_497 : i32 to vector<16xi32>
      %eq3A_499 = arith.cmpi eq, %add3A_496, %eq3A_498 : vector<16xi32>
      %jit3A_500 = arith.constant 0 : i32
      %broadcast_in_dim3A_501 = vector.broadcast %jit3A_500 : i32 to vector<16xi32>
      %select_n3A_502 = arith.select %eq3A_499, %broadcast_in_dim3A_501, %add3A_496 : vector<16xi1>, vector<16xi32>
      %gather3A_503 = tpu.vector_load_idx %arg6[%select_n3A_502, %add3A_22] : memref<64x512xf32, #tpu.memory_space<vmem>>[vector<16xi32>, vector<16xi32>], vector<16xf32>,
      %gather3A_504 = tpu.vector_load_idx %arg7[%get3A_23, %select_n3A_502] : memref<72x64xf32, #tpu.memory_space<vmem>>[vector<16xi32>, vector<16xi32>], vector<16xf32>,
      %mul3A_505 = arith.mulf %gather3A_503, %gather3A_504 : vector<16xf32>
      %add3A_506 = arith.addf %add3A_493, %mul3A_505 : vector<16xf32>
      %add3A_507 = arith.constant 1 : i32
      %add3A_508 = vector.broadcast %add3A_507 : i32 to vector<16xi32>
      %add3A_509 = arith.addi %select_n3A_502, %add3A_508 : vector<16xi32>
      %eq3A_510 = arith.constant 64 : i32
      %eq3A_511 = vector.broadcast %eq3A_510 : i32 to vector<16xi32>
      %eq3A_512 = arith.cmpi eq, %add3A_509, %eq3A_511 : vector<16xi32>
      %jit3A_513 = arith.constant 0 : i32
      %broadcast_in_dim3A_514 = vector.broadcast %jit3A_513 : i32 to vector<16xi32>
      %select_n3A_515 = arith.select %eq3A_512, %broadcast_in_dim3A_514, %add3A_509 : vector<16xi1>, vector<16xi32>
      %gather3A_516 = tpu.vector_load_idx %arg6[%select_n3A_515, %add3A_22] : memref<64x512xf32, #tpu.memory_space<vmem>>[vector<16xi32>, vector<16xi32>], vector<16xf32>,
      %gather3A_517 = tpu.vector_load_idx %arg7[%get3A_23, %select_n3A_515] : memref<72x64xf32, #tpu.memory_space<vmem>>[vector<16xi32>, vector<16xi32>], vector<16xf32>,
      %mul3A_518 = arith.mulf %gather3A_516, %gather3A_517 : vector<16xf32>
      %add3A_519 = arith.addf %add3A_506, %mul3A_518 : vector<16xf32>
      %add3A_520 = arith.constant 1 : i32
      %add3A_521 = vector.broadcast %add3A_520 : i32 to vector<16xi32>
      %add3A_522 = arith.addi %select_n3A_515, %add3A_521 : vector<16xi32>
      %eq3A_523 = arith.constant 64 : i32
      %eq3A_524 = vector.broadcast %eq3A_523 : i32 to vector<16xi32>
      %eq3A_525 = arith.cmpi eq, %add3A_522, %eq3A_524 : vector<16xi32>
      %jit3A_526 = arith.constant 0 : i32
      %broadcast_in_dim3A_527 = vector.broadcast %jit3A_526 : i32 to vector<16xi32>
      %select_n3A_528 = arith.select %eq3A_525, %broadcast_in_dim3A_527, %add3A_522 : vector<16xi1>, vector<16xi32>
      %gather3A_529 = tpu.vector_load_idx %arg6[%select_n3A_528, %add3A_22] : memref<64x512xf32, #tpu.memory_space<vmem>>[vector<16xi32>, vector<16xi32>], vector<16xf32>,
      %gather3A_530 = tpu.vector_load_idx %arg7[%get3A_23, %select_n3A_528] : memref<72x64xf32, #tpu.memory_space<vmem>>[vector<16xi32>, vector<16xi32>], vector<16xf32>,
      %mul3A_531 = arith.mulf %gather3A_529, %gather3A_530 : vector<16xf32>
      %add3A_532 = arith.addf %add3A_519, %mul3A_531 : vector<16xf32>
      %add3A_533 = arith.constant 1 : i32
      %add3A_534 = vector.broadcast %add3A_533 : i32 to vector<16xi32>
      %add3A_535 = arith.addi %select_n3A_528, %add3A_534 : vector<16xi32>
      %eq3A_536 = arith.constant 64 : i32
      %eq3A_537 = vector.broadcast %eq3A_536 : i32 to vector<16xi32>
      %eq3A_538 = arith.cmpi eq, %add3A_535, %eq3A_537 : vector<16xi32>
      %jit3A_539 = arith.constant 0 : i32
      %broadcast_in_dim3A_540 = vector.broadcast %jit3A_539 : i32 to vector<16xi32>
      %select_n3A_541 = arith.select %eq3A_538, %broadcast_in_dim3A_540, %add3A_535 : vector<16xi1>, vector<16xi32>
      %gather3A_542 = tpu.vector_load_idx %arg6[%select_n3A_541, %add3A_22] : memref<64x512xf32, #tpu.memory_space<vmem>>[vector<16xi32>, vector<16xi32>], vector<16xf32>,
      %gather3A_543 = tpu.vector_load_idx %arg7[%get3A_23, %select_n3A_541] : memref<72x64xf32, #tpu.memory_space<vmem>>[vector<16xi32>, vector<16xi32>], vector<16xf32>,
      %mul3A_544 = arith.mulf %gather3A_542, %gather3A_543 : vector<16xf32>
      %add3A_545 = arith.addf %add3A_532, %mul3A_544 : vector<16xf32>
      %add3A_546 = arith.constant 1 : i32
      %add3A_547 = vector.broadcast %add3A_546 : i32 to vector<16xi32>
      %add3A_548 = arith.addi %select_n3A_541, %add3A_547 : vector<16xi32>
      %eq3A_549 = arith.constant 64 : i32
      %eq3A_550 = vector.broadcast %eq3A_549 : i32 to vector<16xi32>
      %eq3A_551 = arith.cmpi eq, %add3A_548, %eq3A_550 : vector<16xi32>
      %jit3A_552 = arith.constant 0 : i32
      %broadcast_in_dim3A_553 = vector.broadcast %jit3A_552 : i32 to vector<16xi32>
      %select_n3A_554 = arith.select %eq3A_551, %broadcast_in_dim3A_553, %add3A_548 : vector<16xi1>, vector<16xi32>
      %gather3A_555 = tpu.vector_load_idx %arg6[%select_n3A_554, %add3A_22] : memref<64x512xf32, #tpu.memory_space<vmem>>[vector<16xi32>, vector<16xi32>], vector<16xf32>,
      %gather3A_556 = tpu.vector_load_idx %arg7[%get3A_23, %select_n3A_554] : memref<72x64xf32, #tpu.memory_space<vmem>>[vector<16xi32>, vector<16xi32>], vector<16xf32>,
      %mul3A_557 = arith.mulf %gather3A_555, %gather3A_556 : vector<16xf32>
      %add3A_558 = arith.addf %add3A_545, %mul3A_557 : vector<16xf32>
      %add3A_559 = arith.constant 1 : i32
      %add3A_560 = vector.broadcast %add3A_559 : i32 to vector<16xi32>
      %add3A_561 = arith.addi %select_n3A_554, %add3A_560 : vector<16xi32>
      %eq3A_562 = arith.constant 64 : i32
      %eq3A_563 = vector.broadcast %eq3A_562 : i32 to vector<16xi32>
      %eq3A_564 = arith.cmpi eq, %add3A_561, %eq3A_563 : vector<16xi32>
      %jit3A_565 = arith.constant 0 : i32
      %broadcast_in_dim3A_566 = vector.broadcast %jit3A_565 : i32 to vector<16xi32>
      %select_n3A_567 = arith.select %eq3A_564, %broadcast_in_dim3A_566, %add3A_561 : vector<16xi1>, vector<16xi32>
      %gather3A_568 = tpu.vector_load_idx %arg6[%select_n3A_567, %add3A_22] : memref<64x512xf32, #tpu.memory_space<vmem>>[vector<16xi32>, vector<16xi32>], vector<16xf32>,
      %gather3A_569 = tpu.vector_load_idx %arg7[%get3A_23, %select_n3A_567] : memref<72x64xf32, #tpu.memory_space<vmem>>[vector<16xi32>, vector<16xi32>], vector<16xf32>,
      %mul3A_570 = arith.mulf %gather3A_568, %gather3A_569 : vector<16xf32>
      %add3A_571 = arith.addf %add3A_558, %mul3A_570 : vector<16xf32>
      %add3A_572 = arith.constant 1 : i32
      %add3A_573 = vector.broadcast %add3A_572 : i32 to vector<16xi32>
      %add3A_574 = arith.addi %select_n3A_567, %add3A_573 : vector<16xi32>
      %eq3A_575 = arith.constant 64 : i32
      %eq3A_576 = vector.broadcast %eq3A_575 : i32 to vector<16xi32>
      %eq3A_577 = arith.cmpi eq, %add3A_574, %eq3A_576 : vector<16xi32>
      %jit3A_578 = arith.constant 0 : i32
      %broadcast_in_dim3A_579 = vector.broadcast %jit3A_578 : i32 to vector<16xi32>
      %select_n3A_580 = arith.select %eq3A_577, %broadcast_in_dim3A_579, %add3A_574 : vector<16xi1>, vector<16xi32>
      %gather3A_581 = tpu.vector_load_idx %arg6[%select_n3A_580, %add3A_22] : memref<64x512xf32, #tpu.memory_space<vmem>>[vector<16xi32>, vector<16xi32>], vector<16xf32>,
      %gather3A_582 = tpu.vector_load_idx %arg7[%get3A_23, %select_n3A_580] : memref<72x64xf32, #tpu.memory_space<vmem>>[vector<16xi32>, vector<16xi32>], vector<16xf32>,
      %mul3A_583 = arith.mulf %gather3A_581, %gather3A_582 : vector<16xf32>
      %add3A_584 = arith.addf %add3A_571, %mul3A_583 : vector<16xf32>
      %add3A_585 = arith.constant 1 : i32
      %add3A_586 = vector.broadcast %add3A_585 : i32 to vector<16xi32>
      %add3A_587 = arith.addi %select_n3A_580, %add3A_586 : vector<16xi32>
      %eq3A_588 = arith.constant 64 : i32
      %eq3A_589 = vector.broadcast %eq3A_588 : i32 to vector<16xi32>
      %eq3A_590 = arith.cmpi eq, %add3A_587, %eq3A_589 : vector<16xi32>
      %jit3A_591 = arith.constant 0 : i32
      %broadcast_in_dim3A_592 = vector.broadcast %jit3A_591 : i32 to vector<16xi32>
      %select_n3A_593 = arith.select %eq3A_590, %broadcast_in_dim3A_592, %add3A_587 : vector<16xi1>, vector<16xi32>
      %gather3A_594 = tpu.vector_load_idx %arg6[%select_n3A_593, %add3A_22] : memref<64x512xf32, #tpu.memory_space<vmem>>[vector<16xi32>, vector<16xi32>], vector<16xf32>,
      %gather3A_595 = tpu.vector_load_idx %arg7[%get3A_23, %select_n3A_593] : memref<72x64xf32, #tpu.memory_space<vmem>>[vector<16xi32>, vector<16xi32>], vector<16xf32>,
      %mul3A_596 = arith.mulf %gather3A_594, %gather3A_595 : vector<16xf32>
      %add3A_597 = arith.addf %add3A_584, %mul3A_596 : vector<16xf32>
      %add3A_598 = arith.constant 1 : i32
      %add3A_599 = vector.broadcast %add3A_598 : i32 to vector<16xi32>
      %add3A_600 = arith.addi %select_n3A_593, %add3A_599 : vector<16xi32>
      %eq3A_601 = arith.constant 64 : i32
      %eq3A_602 = vector.broadcast %eq3A_601 : i32 to vector<16xi32>
      %eq3A_603 = arith.cmpi eq, %add3A_600, %eq3A_602 : vector<16xi32>
      %jit3A_604 = arith.constant 0 : i32
      %broadcast_in_dim3A_605 = vector.broadcast %jit3A_604 : i32 to vector<16xi32>
      %select_n3A_606 = arith.select %eq3A_603, %broadcast_in_dim3A_605, %add3A_600 : vector<16xi1>, vector<16xi32>
      %gather3A_607 = tpu.vector_load_idx %arg6[%select_n3A_606, %add3A_22] : memref<64x512xf32, #tpu.memory_space<vmem>>[vector<16xi32>, vector<16xi32>], vector<16xf32>,
      %gather3A_608 = tpu.vector_load_idx %arg7[%get3A_23, %select_n3A_606] : memref<72x64xf32, #tpu.memory_space<vmem>>[vector<16xi32>, vector<16xi32>], vector<16xf32>,
      %mul3A_609 = arith.mulf %gather3A_607, %gather3A_608 : vector<16xf32>
      %add3A_610 = arith.addf %add3A_597, %mul3A_609 : vector<16xf32>
      %add3A_611 = arith.constant 1 : i32
      %add3A_612 = vector.broadcast %add3A_611 : i32 to vector<16xi32>
      %add3A_613 = arith.addi %select_n3A_606, %add3A_612 : vector<16xi32>
      %eq3A_614 = arith.constant 64 : i32
      %eq3A_615 = vector.broadcast %eq3A_614 : i32 to vector<16xi32>
      %eq3A_616 = arith.cmpi eq, %add3A_613, %eq3A_615 : vector<16xi32>
      %jit3A_617 = arith.constant 0 : i32
      %broadcast_in_dim3A_618 = vector.broadcast %jit3A_617 : i32 to vector<16xi32>
      %select_n3A_619 = arith.select %eq3A_616, %broadcast_in_dim3A_618, %add3A_613 : vector<16xi1>, vector<16xi32>
      %gather3A_620 = tpu.vector_load_idx %arg6[%select_n3A_619, %add3A_22] : memref<64x512xf32, #tpu.memory_space<vmem>>[vector<16xi32>, vector<16xi32>], vector<16xf32>,
      %gather3A_621 = tpu.vector_load_idx %arg7[%get3A_23, %select_n3A_619] : memref<72x64xf32, #tpu.memory_space<vmem>>[vector<16xi32>, vector<16xi32>], vector<16xf32>,
      %mul3A_622 = arith.mulf %gather3A_620, %gather3A_621 : vector<16xf32>
      %add3A_623 = arith.addf %add3A_610, %mul3A_622 : vector<16xf32>
      %add3A_624 = arith.constant 1 : i32
      %add3A_625 = vector.broadcast %add3A_624 : i32 to vector<16xi32>
      %add3A_626 = arith.addi %select_n3A_619, %add3A_625 : vector<16xi32>
      %eq3A_627 = arith.constant 64 : i32
      %eq3A_628 = vector.broadcast %eq3A_627 : i32 to vector<16xi32>
      %eq3A_629 = arith.cmpi eq, %add3A_626, %eq3A_628 : vector<16xi32>
      %jit3A_630 = arith.constant 0 : i32
      %broadcast_in_dim3A_631 = vector.broadcast %jit3A_630 : i32 to vector<16xi32>
      %select_n3A_632 = arith.select %eq3A_629, %broadcast_in_dim3A_631, %add3A_626 : vector<16xi1>, vector<16xi32>
      %gather3A_633 = tpu.vector_load_idx %arg6[%select_n3A_632, %add3A_22] : memref<64x512xf32, #tpu.memory_space<vmem>>[vector<16xi32>, vector<16xi32>], vector<16xf32>,
      %gather3A_634 = tpu.vector_load_idx %arg7[%get3A_23, %select_n3A_632] : memref<72x64xf32, #tpu.memory_space<vmem>>[vector<16xi32>, vector<16xi32>], vector<16xf32>,
      %mul3A_635 = arith.mulf %gather3A_633, %gather3A_634 : vector<16xf32>
      %add3A_636 = arith.addf %add3A_623, %mul3A_635 : vector<16xf32>
      %add3A_637 = arith.constant 1 : i32
      %add3A_638 = vector.broadcast %add3A_637 : i32 to vector<16xi32>
      %add3A_639 = arith.addi %select_n3A_632, %add3A_638 : vector<16xi32>
      %eq3A_640 = arith.constant 64 : i32
      %eq3A_641 = vector.broadcast %eq3A_640 : i32 to vector<16xi32>
      %eq3A_642 = arith.cmpi eq, %add3A_639, %eq3A_641 : vector<16xi32>
      %jit3A_643 = arith.constant 0 : i32
      %broadcast_in_dim3A_644 = vector.broadcast %jit3A_643 : i32 to vector<16xi32>
      %select_n3A_645 = arith.select %eq3A_642, %broadcast_in_dim3A_644, %add3A_639 : vector<16xi1>, vector<16xi32>
      %gather3A_646 = tpu.vector_load_idx %arg6[%select_n3A_645, %add3A_22] : memref<64x512xf32, #tpu.memory_space<vmem>>[vector<16xi32>, vector<16xi32>], vector<16xf32>,
      %gather3A_647 = tpu.vector_load_idx %arg7[%get3A_23, %select_n3A_645] : memref<72x64xf32, #tpu.memory_space<vmem>>[vector<16xi32>, vector<16xi32>], vector<16xf32>,
      %mul3A_648 = arith.mulf %gather3A_646, %gather3A_647 : vector<16xf32>
      %add3A_649 = arith.addf %add3A_636, %mul3A_648 : vector<16xf32>
      %add3A_650 = arith.constant 1 : i32
      %add3A_651 = vector.broadcast %add3A_650 : i32 to vector<16xi32>
      %add3A_652 = arith.addi %select_n3A_645, %add3A_651 : vector<16xi32>
      %eq3A_653 = arith.constant 64 : i32
      %eq3A_654 = vector.broadcast %eq3A_653 : i32 to vector<16xi32>
      %eq3A_655 = arith.cmpi eq, %add3A_652, %eq3A_654 : vector<16xi32>
      %jit3A_656 = arith.constant 0 : i32
      %broadcast_in_dim3A_657 = vector.broadcast %jit3A_656 : i32 to vector<16xi32>
      %select_n3A_658 = arith.select %eq3A_655, %broadcast_in_dim3A_657, %add3A_652 : vector<16xi1>, vector<16xi32>
      %gather3A_659 = tpu.vector_load_idx %arg6[%select_n3A_658, %add3A_22] : memref<64x512xf32, #tpu.memory_space<vmem>>[vector<16xi32>, vector<16xi32>], vector<16xf32>,
      %gather3A_660 = tpu.vector_load_idx %arg7[%get3A_23, %select_n3A_658] : memref<72x64xf32, #tpu.memory_space<vmem>>[vector<16xi32>, vector<16xi32>], vector<16xf32>,
      %mul3A_661 = arith.mulf %gather3A_659, %gather3A_660 : vector<16xf32>
      %add3A_662 = arith.addf %add3A_649, %mul3A_661 : vector<16xf32>
      %add3A_663 = arith.constant 1 : i32
      %add3A_664 = vector.broadcast %add3A_663 : i32 to vector<16xi32>
      %add3A_665 = arith.addi %select_n3A_658, %add3A_664 : vector<16xi32>
      %eq3A_666 = arith.constant 64 : i32
      %eq3A_667 = vector.broadcast %eq3A_666 : i32 to vector<16xi32>
      %eq3A_668 = arith.cmpi eq, %add3A_665, %eq3A_667 : vector<16xi32>
      %jit3A_669 = arith.constant 0 : i32
      %broadcast_in_dim3A_670 = vector.broadcast %jit3A_669 : i32 to vector<16xi32>
      %select_n3A_671 = arith.select %eq3A_668, %broadcast_in_dim3A_670, %add3A_665 : vector<16xi1>, vector<16xi32>
      %gather3A_672 = tpu.vector_load_idx %arg6[%select_n3A_671, %add3A_22] : memref<64x512xf32, #tpu.memory_space<vmem>>[vector<16xi32>, vector<16xi32>], vector<16xf32>,
      %gather3A_673 = tpu.vector_load_idx %arg7[%get3A_23, %select_n3A_671] : memref<72x64xf32, #tpu.memory_space<vmem>>[vector<16xi32>, vector<16xi32>], vector<16xf32>,
      %mul3A_674 = arith.mulf %gather3A_672, %gather3A_673 : vector<16xf32>
      %add3A_675 = arith.addf %add3A_662, %mul3A_674 : vector<16xf32>
      %add3A_676 = arith.constant 1 : i32
      %add3A_677 = vector.broadcast %add3A_676 : i32 to vector<16xi32>
      %add3A_678 = arith.addi %select_n3A_671, %add3A_677 : vector<16xi32>
      %eq3A_679 = arith.constant 64 : i32
      %eq3A_680 = vector.broadcast %eq3A_679 : i32 to vector<16xi32>
      %eq3A_681 = arith.cmpi eq, %add3A_678, %eq3A_680 : vector<16xi32>
      %jit3A_682 = arith.constant 0 : i32
      %broadcast_in_dim3A_683 = vector.broadcast %jit3A_682 : i32 to vector<16xi32>
      %select_n3A_684 = arith.select %eq3A_681, %broadcast_in_dim3A_683, %add3A_678 : vector<16xi1>, vector<16xi32>
      %gather3A_685 = tpu.vector_load_idx %arg6[%select_n3A_684, %add3A_22] : memref<64x512xf32, #tpu.memory_space<vmem>>[vector<16xi32>, vector<16xi32>], vector<16xf32>,
      %gather3A_686 = tpu.vector_load_idx %arg7[%get3A_23, %select_n3A_684] : memref<72x64xf32, #tpu.memory_space<vmem>>[vector<16xi32>, vector<16xi32>], vector<16xf32>,
      %mul3A_687 = arith.mulf %gather3A_685, %gather3A_686 : vector<16xf32>
      %add3A_688 = arith.addf %add3A_675, %mul3A_687 : vector<16xf32>
      %add3A_689 = arith.constant 1 : i32
      %add3A_690 = vector.broadcast %add3A_689 : i32 to vector<16xi32>
      %add3A_691 = arith.addi %select_n3A_684, %add3A_690 : vector<16xi32>
      %eq3A_692 = arith.constant 64 : i32
      %eq3A_693 = vector.broadcast %eq3A_692 : i32 to vector<16xi32>
      %eq3A_694 = arith.cmpi eq, %add3A_691, %eq3A_693 : vector<16xi32>
      %jit3A_695 = arith.constant 0 : i32
      %broadcast_in_dim3A_696 = vector.broadcast %jit3A_695 : i32 to vector<16xi32>
      %select_n3A_697 = arith.select %eq3A_694, %broadcast_in_dim3A_696, %add3A_691 : vector<16xi1>, vector<16xi32>
      %gather3A_698 = tpu.vector_load_idx %arg6[%select_n3A_697, %add3A_22] : memref<64x512xf32, #tpu.memory_space<vmem>>[vector<16xi32>, vector<16xi32>], vector<16xf32>,
      %gather3A_699 = tpu.vector_load_idx %arg7[%get3A_23, %select_n3A_697] : memref<72x64xf32, #tpu.memory_space<vmem>>[vector<16xi32>, vector<16xi32>], vector<16xf32>,
      %mul3A_700 = arith.mulf %gather3A_698, %gather3A_699 : vector<16xf32>
      %add3A_701 = arith.addf %add3A_688, %mul3A_700 : vector<16xf32>
      %add3A_702 = arith.constant 1 : i32
      %add3A_703 = vector.broadcast %add3A_702 : i32 to vector<16xi32>
      %add3A_704 = arith.addi %select_n3A_697, %add3A_703 : vector<16xi32>
      %eq3A_705 = arith.constant 64 : i32
      %eq3A_706 = vector.broadcast %eq3A_705 : i32 to vector<16xi32>
      %eq3A_707 = arith.cmpi eq, %add3A_704, %eq3A_706 : vector<16xi32>
      %jit3A_708 = arith.constant 0 : i32
      %broadcast_in_dim3A_709 = vector.broadcast %jit3A_708 : i32 to vector<16xi32>
      %select_n3A_710 = arith.select %eq3A_707, %broadcast_in_dim3A_709, %add3A_704 : vector<16xi1>, vector<16xi32>
      %gather3A_711 = tpu.vector_load_idx %arg6[%select_n3A_710, %add3A_22] : memref<64x512xf32, #tpu.memory_space<vmem>>[vector<16xi32>, vector<16xi32>], vector<16xf32>,
      %gather3A_712 = tpu.vector_load_idx %arg7[%get3A_23, %select_n3A_710] : memref<72x64xf32, #tpu.memory_space<vmem>>[vector<16xi32>, vector<16xi32>], vector<16xf32>,
      %mul3A_713 = arith.mulf %gather3A_711, %gather3A_712 : vector<16xf32>
      %add3A_714 = arith.addf %add3A_701, %mul3A_713 : vector<16xf32>
      %add3A_715 = arith.constant 1 : i32
      %add3A_716 = vector.broadcast %add3A_715 : i32 to vector<16xi32>
      %add3A_717 = arith.addi %select_n3A_710, %add3A_716 : vector<16xi32>
      %eq3A_718 = arith.constant 64 : i32
      %eq3A_719 = vector.broadcast %eq3A_718 : i32 to vector<16xi32>
      %eq3A_720 = arith.cmpi eq, %add3A_717, %eq3A_719 : vector<16xi32>
      %jit3A_721 = arith.constant 0 : i32
      %broadcast_in_dim3A_722 = vector.broadcast %jit3A_721 : i32 to vector<16xi32>
      %select_n3A_723 = arith.select %eq3A_720, %broadcast_in_dim3A_722, %add3A_717 : vector<16xi1>, vector<16xi32>
      %gather3A_724 = tpu.vector_load_idx %arg6[%select_n3A_723, %add3A_22] : memref<64x512xf32, #tpu.memory_space<vmem>>[vector<16xi32>, vector<16xi32>], vector<16xf32>,
      %gather3A_725 = tpu.vector_load_idx %arg7[%get3A_23, %select_n3A_723] : memref<72x64xf32, #tpu.memory_space<vmem>>[vector<16xi32>, vector<16xi32>], vector<16xf32>,
      %mul3A_726 = arith.mulf %gather3A_724, %gather3A_725 : vector<16xf32>
      %add3A_727 = arith.addf %add3A_714, %mul3A_726 : vector<16xf32>
      %add3A_728 = arith.constant 1 : i32
      %add3A_729 = vector.broadcast %add3A_728 : i32 to vector<16xi32>
      %add3A_730 = arith.addi %select_n3A_723, %add3A_729 : vector<16xi32>
      %eq3A_731 = arith.constant 64 : i32
      %eq3A_732 = vector.broadcast %eq3A_731 : i32 to vector<16xi32>
      %eq3A_733 = arith.cmpi eq, %add3A_730, %eq3A_732 : vector<16xi32>
      %jit3A_734 = arith.constant 0 : i32
      %broadcast_in_dim3A_735 = vector.broadcast %jit3A_734 : i32 to vector<16xi32>
      %select_n3A_736 = arith.select %eq3A_733, %broadcast_in_dim3A_735, %add3A_730 : vector<16xi1>, vector<16xi32>
      %gather3A_737 = tpu.vector_load_idx %arg6[%select_n3A_736, %add3A_22] : memref<64x512xf32, #tpu.memory_space<vmem>>[vector<16xi32>, vector<16xi32>], vector<16xf32>,
      %gather3A_738 = tpu.vector_load_idx %arg7[%get3A_23, %select_n3A_736] : memref<72x64xf32, #tpu.memory_space<vmem>>[vector<16xi32>, vector<16xi32>], vector<16xf32>,
      %mul3A_739 = arith.mulf %gather3A_737, %gather3A_738 : vector<16xf32>
      %add3A_740 = arith.addf %add3A_727, %mul3A_739 : vector<16xf32>
      %add3A_741 = arith.constant 1 : i32
      %add3A_742 = vector.broadcast %add3A_741 : i32 to vector<16xi32>
      %add3A_743 = arith.addi %select_n3A_736, %add3A_742 : vector<16xi32>
      %eq3A_744 = arith.constant 64 : i32
      %eq3A_745 = vector.broadcast %eq3A_744 : i32 to vector<16xi32>
      %eq3A_746 = arith.cmpi eq, %add3A_743, %eq3A_745 : vector<16xi32>
      %jit3A_747 = arith.constant 0 : i32
      %broadcast_in_dim3A_748 = vector.broadcast %jit3A_747 : i32 to vector<16xi32>
      %select_n3A_749 = arith.select %eq3A_746, %broadcast_in_dim3A_748, %add3A_743 : vector<16xi1>, vector<16xi32>
      %gather3A_750 = tpu.vector_load_idx %arg6[%select_n3A_749, %add3A_22] : memref<64x512xf32, #tpu.memory_space<vmem>>[vector<16xi32>, vector<16xi32>], vector<16xf32>,
      %gather3A_751 = tpu.vector_load_idx %arg7[%get3A_23, %select_n3A_749] : memref<72x64xf32, #tpu.memory_space<vmem>>[vector<16xi32>, vector<16xi32>], vector<16xf32>,
      %mul3A_752 = arith.mulf %gather3A_750, %gather3A_751 : vector<16xf32>
      %add3A_753 = arith.addf %add3A_740, %mul3A_752 : vector<16xf32>
      %add3A_754 = arith.constant 1 : i32
      %add3A_755 = vector.broadcast %add3A_754 : i32 to vector<16xi32>
      %add3A_756 = arith.addi %select_n3A_749, %add3A_755 : vector<16xi32>
      %eq3A_757 = arith.constant 64 : i32
      %eq3A_758 = vector.broadcast %eq3A_757 : i32 to vector<16xi32>
      %eq3A_759 = arith.cmpi eq, %add3A_756, %eq3A_758 : vector<16xi32>
      %jit3A_760 = arith.constant 0 : i32
      %broadcast_in_dim3A_761 = vector.broadcast %jit3A_760 : i32 to vector<16xi32>
      %select_n3A_762 = arith.select %eq3A_759, %broadcast_in_dim3A_761, %add3A_756 : vector<16xi1>, vector<16xi32>
      %gather3A_763 = tpu.vector_load_idx %arg6[%select_n3A_762, %add3A_22] : memref<64x512xf32, #tpu.memory_space<vmem>>[vector<16xi32>, vector<16xi32>], vector<16xf32>,
      %gather3A_764 = tpu.vector_load_idx %arg7[%get3A_23, %select_n3A_762] : memref<72x64xf32, #tpu.memory_space<vmem>>[vector<16xi32>, vector<16xi32>], vector<16xf32>,
      %mul3A_765 = arith.mulf %gather3A_763, %gather3A_764 : vector<16xf32>
      %add3A_766 = arith.addf %add3A_753, %mul3A_765 : vector<16xf32>
      %add3A_767 = arith.constant 1 : i32
      %add3A_768 = vector.broadcast %add3A_767 : i32 to vector<16xi32>
      %add3A_769 = arith.addi %select_n3A_762, %add3A_768 : vector<16xi32>
      %eq3A_770 = arith.constant 64 : i32
      %eq3A_771 = vector.broadcast %eq3A_770 : i32 to vector<16xi32>
      %eq3A_772 = arith.cmpi eq, %add3A_769, %eq3A_771 : vector<16xi32>
      %jit3A_773 = arith.constant 0 : i32
      %broadcast_in_dim3A_774 = vector.broadcast %jit3A_773 : i32 to vector<16xi32>
      %select_n3A_775 = arith.select %eq3A_772, %broadcast_in_dim3A_774, %add3A_769 : vector<16xi1>, vector<16xi32>
      %gather3A_776 = tpu.vector_load_idx %arg6[%select_n3A_775, %add3A_22] : memref<64x512xf32, #tpu.memory_space<vmem>>[vector<16xi32>, vector<16xi32>], vector<16xf32>,
      %gather3A_777 = tpu.vector_load_idx %arg7[%get3A_23, %select_n3A_775] : memref<72x64xf32, #tpu.memory_space<vmem>>[vector<16xi32>, vector<16xi32>], vector<16xf32>,
      %mul3A_778 = arith.mulf %gather3A_776, %gather3A_777 : vector<16xf32>
      %add3A_779 = arith.addf %add3A_766, %mul3A_778 : vector<16xf32>
      %add3A_780 = arith.constant 1 : i32
      %add3A_781 = vector.broadcast %add3A_780 : i32 to vector<16xi32>
      %add3A_782 = arith.addi %select_n3A_775, %add3A_781 : vector<16xi32>
      %eq3A_783 = arith.constant 64 : i32
      %eq3A_784 = vector.broadcast %eq3A_783 : i32 to vector<16xi32>
      %eq3A_785 = arith.cmpi eq, %add3A_782, %eq3A_784 : vector<16xi32>
      %jit3A_786 = arith.constant 0 : i32
      %broadcast_in_dim3A_787 = vector.broadcast %jit3A_786 : i32 to vector<16xi32>
      %select_n3A_788 = arith.select %eq3A_785, %broadcast_in_dim3A_787, %add3A_782 : vector<16xi1>, vector<16xi32>
      %gather3A_789 = tpu.vector_load_idx %arg6[%select_n3A_788, %add3A_22] : memref<64x512xf32, #tpu.memory_space<vmem>>[vector<16xi32>, vector<16xi32>], vector<16xf32>,
      %gather3A_790 = tpu.vector_load_idx %arg7[%get3A_23, %select_n3A_788] : memref<72x64xf32, #tpu.memory_space<vmem>>[vector<16xi32>, vector<16xi32>], vector<16xf32>,
      %mul3A_791 = arith.mulf %gather3A_789, %gather3A_790 : vector<16xf32>
      %add3A_792 = arith.addf %add3A_779, %mul3A_791 : vector<16xf32>
      %add3A_793 = arith.constant 1 : i32
      %add3A_794 = vector.broadcast %add3A_793 : i32 to vector<16xi32>
      %add3A_795 = arith.addi %select_n3A_788, %add3A_794 : vector<16xi32>
      %eq3A_796 = arith.constant 64 : i32
      %eq3A_797 = vector.broadcast %eq3A_796 : i32 to vector<16xi32>
      %eq3A_798 = arith.cmpi eq, %add3A_795, %eq3A_797 : vector<16xi32>
      %jit3A_799 = arith.constant 0 : i32
      %broadcast_in_dim3A_800 = vector.broadcast %jit3A_799 : i32 to vector<16xi32>
      %select_n3A_801 = arith.select %eq3A_798, %broadcast_in_dim3A_800, %add3A_795 : vector<16xi1>, vector<16xi32>
      %gather3A_802 = tpu.vector_load_idx %arg6[%select_n3A_801, %add3A_22] : memref<64x512xf32, #tpu.memory_space<vmem>>[vector<16xi32>, vector<16xi32>], vector<16xf32>,
      %gather3A_803 = tpu.vector_load_idx %arg7[%get3A_23, %select_n3A_801] : memref<72x64xf32, #tpu.memory_space<vmem>>[vector<16xi32>, vector<16xi32>], vector<16xf32>,
      %mul3A_804 = arith.mulf %gather3A_802, %gather3A_803 : vector<16xf32>
      %add3A_805 = arith.addf %add3A_792, %mul3A_804 : vector<16xf32>
      %add3A_806 = arith.constant 1 : i32
      %add3A_807 = vector.broadcast %add3A_806 : i32 to vector<16xi32>
      %add3A_808 = arith.addi %select_n3A_801, %add3A_807 : vector<16xi32>
      %eq3A_809 = arith.constant 64 : i32
      %eq3A_810 = vector.broadcast %eq3A_809 : i32 to vector<16xi32>
      %eq3A_811 = arith.cmpi eq, %add3A_808, %eq3A_810 : vector<16xi32>
      %jit3A_812 = arith.constant 0 : i32
      %broadcast_in_dim3A_813 = vector.broadcast %jit3A_812 : i32 to vector<16xi32>
      %select_n3A_814 = arith.select %eq3A_811, %broadcast_in_dim3A_813, %add3A_808 : vector<16xi1>, vector<16xi32>
      %gather3A_815 = tpu.vector_load_idx %arg6[%select_n3A_814, %add3A_22] : memref<64x512xf32, #tpu.memory_space<vmem>>[vector<16xi32>, vector<16xi32>], vector<16xf32>,
      %gather3A_816 = tpu.vector_load_idx %arg7[%get3A_23, %select_n3A_814] : memref<72x64xf32, #tpu.memory_space<vmem>>[vector<16xi32>, vector<16xi32>], vector<16xf32>,
      %mul3A_817 = arith.mulf %gather3A_815, %gather3A_816 : vector<16xf32>
      %add3A_818 = arith.addf %add3A_805, %mul3A_817 : vector<16xf32>
      %add3A_819 = arith.constant 1 : i32
      %add3A_820 = vector.broadcast %add3A_819 : i32 to vector<16xi32>
      %add3A_821 = arith.addi %select_n3A_814, %add3A_820 : vector<16xi32>
      %eq3A_822 = arith.constant 64 : i32
      %eq3A_823 = vector.broadcast %eq3A_822 : i32 to vector<16xi32>
      %eq3A_824 = arith.cmpi eq, %add3A_821, %eq3A_823 : vector<16xi32>
      %jit3A_825 = arith.constant 0 : i32
      %broadcast_in_dim3A_826 = vector.broadcast %jit3A_825 : i32 to vector<16xi32>
      %select_n3A_827 = arith.select %eq3A_824, %broadcast_in_dim3A_826, %add3A_821 : vector<16xi1>, vector<16xi32>
      %gather3A_828 = tpu.vector_load_idx %arg6[%select_n3A_827, %add3A_22] : memref<64x512xf32, #tpu.memory_space<vmem>>[vector<16xi32>, vector<16xi32>], vector<16xf32>,
      %gather3A_829 = tpu.vector_load_idx %arg7[%get3A_23, %select_n3A_827] : memref<72x64xf32, #tpu.memory_space<vmem>>[vector<16xi32>, vector<16xi32>], vector<16xf32>,
      %mul3A_830 = arith.mulf %gather3A_828, %gather3A_829 : vector<16xf32>
      %add3A_831 = arith.addf %add3A_818, %mul3A_830 : vector<16xf32>
      %add3A_832 = arith.constant 1 : i32
      %add3A_833 = vector.broadcast %add3A_832 : i32 to vector<16xi32>
      %add3A_834 = arith.addi %select_n3A_827, %add3A_833 : vector<16xi32>
      %eq3A_835 = arith.constant 64 : i32
      %eq3A_836 = vector.broadcast %eq3A_835 : i32 to vector<16xi32>
      %eq3A_837 = arith.cmpi eq, %add3A_834, %eq3A_836 : vector<16xi32>
      %jit3A_838 = arith.constant 0 : i32
      %broadcast_in_dim3A_839 = vector.broadcast %jit3A_838 : i32 to vector<16xi32>
      %select_n3A_840 = arith.select %eq3A_837, %broadcast_in_dim3A_839, %add3A_834 : vector<16xi1>, vector<16xi32>
      %gather3A_841 = tpu.vector_load_idx %arg6[%select_n3A_840, %add3A_22] : memref<64x512xf32, #tpu.memory_space<vmem>>[vector<16xi32>, vector<16xi32>], vector<16xf32>,
      %gather3A_842 = tpu.vector_load_idx %arg7[%get3A_23, %select_n3A_840] : memref<72x64xf32, #tpu.memory_space<vmem>>[vector<16xi32>, vector<16xi32>], vector<16xf32>,
      %mul3A_843 = arith.mulf %gather3A_841, %gather3A_842 : vector<16xf32>
      %add3A_844 = arith.addf %add3A_831, %mul3A_843 : vector<16xf32>
      %add3A_845 = arith.constant 1 : i32
      %add3A_846 = vector.broadcast %add3A_845 : i32 to vector<16xi32>
      %add3A_847 = arith.addi %select_n3A_840, %add3A_846 : vector<16xi32>
      %eq3A_848 = arith.constant 64 : i32
      %eq3A_849 = vector.broadcast %eq3A_848 : i32 to vector<16xi32>
      %eq3A_850 = arith.cmpi eq, %add3A_847, %eq3A_849 : vector<16xi32>
      %jit3A_851 = arith.constant 0 : i32
      %broadcast_in_dim3A_852 = vector.broadcast %jit3A_851 : i32 to vector<16xi32>
      %select_n3A_853 = arith.select %eq3A_850, %broadcast_in_dim3A_852, %add3A_847 : vector<16xi1>, vector<16xi32>
      %swap3A = arith.index_cast %mul3A_20 : i32 to index
      %swap3A_854 = tpu.vector_load %arg9[%swap3A] {strides = array<i32>} : memref<512xf32, #tpu.memory_space<vmem>>, vector<16xf32>,
      tpu.vector_store %arg9[%swap3A], %add3A_844 {strides = array<i32>} : memref<512xf32, #tpu.memory_space<vmem>>, vector<16xf32>,
    }
    %scan3A_17 = arith.constant 32 : i32
    "tpu.region"() ({
      %run_scoped3A = tpu.sem_alloc : memref<!tpu.dma_semaphore, #tpu.memory_space<semaphore_mem>>
      %dma_start3A_18 = tpu.memref_slice %arg5[%mul3A_2] : memref<8192xf32, #tpu.memory_space<hbm>> -> memref<512xf32, #tpu.memory_space<hbm>>
      %dma_start3A_19 = tpu.memref_slice %arg5[%mul3A_2] : memref<8192xf32, #tpu.memory_space<hbm>> -> memref<512xf32, #tpu.memory_space<hbm>>
      tpu.enqueue_dma source(%arg9 : memref<512xf32, #tpu.memory_space<vmem>>) target(%dma_start3A_19 : memref<512xf32, #tpu.memory_space<hbm>>) target_semaphore(%run_scoped3A : memref<!tpu.dma_semaphore, #tpu.memory_space<semaphore_mem>>)
      %dma_wait3A_20 = tpu.memref_slice %arg5[%mul3A_2] : memref<8192xf32, #tpu.memory_space<hbm>> -> memref<512xf32, #tpu.memory_space<hbm>>
      %dma_wait3A_21 = tpu.memref_slice %arg5[%mul3A_2] : memref<8192xf32, #tpu.memory_space<hbm>> -> memref<512xf32, #tpu.memory_space<hbm>>
      tpu.wait_dma2 semaphore(%run_scoped3A : memref<!tpu.dma_semaphore, #tpu.memory_space<semaphore_mem>>) src(%arg9 : memref<512xf32, #tpu.memory_space<vmem>>) dst(%dma_wait3A_21 : memref<512xf32, #tpu.memory_space<hbm>>)
      tpu.yield
    }) : () -> ()
    return
  }
}

module attributes {stable_mosaic.version = 14 : i64} {
  func.func @_blend_body(%arg0: memref<8192xf32, #tpu.memory_space<vmem>>, %arg1: memref<8192xf32, #tpu.memory_space<vmem>>, %arg2: memref<1x8192xf32, #tpu.memory_space<vmem>>, %arg3: memref<8192xf32, #tpu.memory_space<vmem>>) attributes {dimension_semantics = [], scalar_prefetch = 0 : i64, scratch_operands = 0 : i64, tpu.core_type = #tpu.core_type<tc>} {
    %get3A = arith.constant 0 : index
    %get3A_0 = vector.load %arg0[%get3A] : memref<8192xf32, #tpu.memory_space<vmem>>, vector<8192xf32>
    %get3A_1 = arith.constant 0 : index
    %get3A_2 = vector.load %arg1[%get3A_1] : memref<8192xf32, #tpu.memory_space<vmem>>, vector<8192xf32>
    %get3A_3 = arith.constant 0 : index
    %get3A_4 = arith.constant 0 : index
    %get3A_5 = vector.load %arg2[%get3A_3, %get3A_4] : memref<1x8192xf32, #tpu.memory_space<vmem>>, vector<1x8192xf32>
    %reshape3A = vector.shape_cast %get3A_5 : vector<1x8192xf32> to vector<8192xf32>
    %sub3A = arith.subf %reshape3A, %get3A_0 : vector<8192xf32>
    %mul3A = arith.mulf %get3A_2, %sub3A : vector<8192xf32>
    %add3A = arith.addf %get3A_0, %mul3A : vector<8192xf32>
    %swap3A = arith.constant 0 : index
    %swap3A_6 = vector.load %arg3[%swap3A] : memref<8192xf32, #tpu.memory_space<vmem>>, vector<8192xf32>
    tpu.vector_store %arg3[%swap3A], %add3A {strides = array<i32>} : memref<8192xf32, #tpu.memory_space<vmem>>, vector<8192xf32>,
    return
  }
}

module attributes {stable_mosaic.version = 14 : i64} {
  func.func @_tcbig_body(%arg0: i32, %arg1: memref<1024x1024xf32, #tpu.memory_space<vmem>>, %arg2: memref<1x1024xf32, #tpu.memory_space<vmem>>, %arg3: memref<1x1xf32, #tpu.memory_space<vmem>>, %arg4: memref<1024xf32, #tpu.memory_space<vmem>>) attributes {dimension_semantics = [#tpu.dimension_semantics<arbitrary>], iteration_bounds = array<i64: 8>, scalar_prefetch = 0 : i64, scratch_operands = 0 : i64, tpu.core_type = #tpu.core_type<tc>, window_params = [{transform_indices = @transform_0, window_bounds = array<i64: 1024, 1024>}, {pipeline_mode = #tpu.pipeline_mode<synchronous>, transform_indices = @transform_1, window_bounds = array<i64: 1, 1024>}, {pipeline_mode = #tpu.pipeline_mode<synchronous>, transform_indices = @transform_2, window_bounds = array<i64: 1, 1>}, {transform_indices = @transform_3, window_bounds = array<i64: 1024>}]} {
    %get3A = arith.constant 0 : index
    %get3A_0 = arith.constant 0 : index
    %get3A_1 = vector.load %arg1[%get3A, %get3A_0] : memref<1024x1024xf32, #tpu.memory_space<vmem>>, vector<1024x1024xf32>
    %get3A_2 = arith.constant 0 : index
    %get3A_3 = arith.constant 0 : index
    %get3A_4 = vector.load %arg2[%get3A_2, %get3A_3] : memref<1x1024xf32, #tpu.memory_space<vmem>>, vector<1x1024xf32>
    %dot_general3A = arith.constant dense<0.000000e+00> : vector<1x1024xf32>
    %dot_general3A_5 = tpu.matmul %get3A_4, %get3A_1, %dot_general3A {dimension_numbers = #tpu.dot_dimension_numbers<[1], [1], [0], [0], [0, 0, 1, 0], [], []>, transpose_lhs_hint = false} : vector<1x1024xf32>, vector<1024x1024xf32>, vector<1x1024xf32> -> vector<1x1024xf32>
    %get3A_6 = arith.constant 0 : index
    %get3A_7 = arith.constant 0 : index
    %get3A_8 = vector.load %arg3[%get3A_6, %get3A_7] : memref<1x1xf32, #tpu.memory_space<vmem>>, vector<1x1xf32>
    %get3A_9 = vector.extract %get3A_8[0, 0] : f32 from vector<1x1xf32>
    %add3A = vector.broadcast %get3A_9 : f32 to vector<1x1024xf32>
    %add3A_10 = arith.addf %dot_general3A_5, %add3A : vector<1x1024xf32>
    %logistic3A = arith.negf %add3A_10 : vector<1x1024xf32>
    %logistic3A_11 = math.exp %logistic3A : vector<1x1024xf32>
    %logistic3A_12 = arith.constant 1.000000e+00 : f32
    %logistic3A_13 = vector.broadcast %logistic3A_12 : f32 to vector<1x1024xf32>
    %logistic3A_14 = arith.addf %logistic3A_13, %logistic3A_11 : vector<1x1024xf32>
    %logistic3A_15 = arith.divf %logistic3A_13, %logistic3A_14 : vector<1x1024xf32>
    %reshape3A = vector.shape_cast %logistic3A_15 : vector<1x1024xf32> to vector<1024xf32>
    %swap3A = arith.constant 0 : index
    %swap3A_16 = vector.load %arg4[%swap3A] : memref<1024xf32, #tpu.memory_space<vmem>>, vector<1024xf32>
    tpu.vector_store %arg4[%swap3A], %reshape3A {strides = array<i32>} : memref<1024xf32, #tpu.memory_space<vmem>>, vector<1024xf32>,
    return
  }
  func.func @transform_0(%arg0: i32) -> (i32, i32) {
    %c0_i32 = arith.constant 0 : i32
    %c0_i32_0 = arith.constant 0 : i32
    return %arg0, %c0_i32 : i32, i32
  }
  func.func @transform_1(%arg0: i32) -> (i32, i32) {
    %c0_i32 = arith.constant 0 : i32
    %c0_i32_0 = arith.constant 0 : i32
    %c0_i32_1 = arith.constant 0 : i32
    return %c0_i32, %c0_i32_0 : i32, i32
  }
  func.func @transform_2(%arg0: i32) -> (i32, i32) {
    %c0_i32 = arith.constant 0 : i32
    %c0_i32_0 = arith.constant 0 : i32
    %c0_i32_1 = arith.constant 0 : i32
    return %c0_i32, %c0_i32_0 : i32, i32
  }
  func.func @transform_3(%arg0: i32) -> i32 {
    %c0_i32 = arith.constant 0 : i32
    return %arg0 : i32
  }
}

module attributes {stable_mosaic.version = 14 : i64} {
  func.func @_tc1_body(%arg0: i32, %arg1: memref<8192x128xf32, #tpu.memory_space<vmem>>, %arg2: memref<64x128xf32, #tpu.memory_space<vmem>>, %arg3: memref<2x64x64xf32, #tpu.memory_space<vmem>>, %arg4: memref<2x64xf32, #tpu.memory_space<vmem>>, %arg5: memref<2x64xf32, #tpu.memory_space<vmem>>, %arg6: memref<8192xi32, #tpu.memory_space<vmem>>, %arg7: memref<72x64xf32, #tpu.memory_space<vmem>>) attributes {dimension_semantics = [#tpu.dimension_semantics<arbitrary>], iteration_bounds = array<i64: 1>, scalar_prefetch = 0 : i64, scratch_operands = 0 : i64, tpu.core_type = #tpu.core_type<tc>, window_params = [{transform_indices = @transform_0, window_bounds = array<i64: 8192, 128>}, {pipeline_mode = #tpu.pipeline_mode<synchronous>, transform_indices = @transform_1, window_bounds = array<i64: 64, 128>}, {pipeline_mode = #tpu.pipeline_mode<synchronous>, transform_indices = @transform_2, window_bounds = array<i64: 2, 64, 64>}, {pipeline_mode = #tpu.pipeline_mode<synchronous>, transform_indices = @transform_3, window_bounds = array<i64: 2, 64>}, {pipeline_mode = #tpu.pipeline_mode<synchronous>, transform_indices = @transform_4, window_bounds = array<i64: 2, 64>}, {transform_indices = @transform_5, window_bounds = array<i64: 8192>}, {pipeline_mode = #tpu.pipeline_mode<synchronous>, transform_indices = @transform_6, window_bounds = array<i64: 72, 64>}]} {
    %get3A = arith.constant 0 : index
    %get3A_0 = arith.constant 0 : index
    %get3A_1 = vector.load %arg1[%get3A, %get3A_0] : memref<8192x128xf32, #tpu.memory_space<vmem>>, vector<8192x128xf32>
    %get3A_2 = arith.constant 0 : index
    %get3A_3 = arith.constant 0 : index
    %get3A_4 = vector.load %arg2[%get3A_2, %get3A_3] : memref<64x128xf32, #tpu.memory_space<vmem>>, vector<64x128xf32>
    %mul3A = arith.mulf %get3A_4, %get3A_4 : vector<64x128xf32>
    %reduce_sum3A = arith.constant dense<0.000000e+00> : vector<64xf32>
    %reduce_sum3A_5 = vector.multi_reduction <add>, %mul3A, %reduce_sum3A [1] : vector<64x128xf32> to vector<64xf32>
    %dot_general3A = arith.constant dense<0.000000e+00> : vector<64x8192xf32>
    %dot_general3A_6 = tpu.matmul %get3A_4, %get3A_1, %dot_general3A {dimension_numbers = #tpu.dot_dimension_numbers<[1], [1], [0], [0], [0, 0, 1, 0], [], []>, transpose_lhs_hint = false} : vector<64x128xf32>, vector<8192x128xf32>, vector<64x8192xf32> -> vector<64x8192xf32>
    %broadcast_in_dim3A = vector.shape_cast %reduce_sum3A_5 : vector<64xf32> to vector<64x1xf32>
    %mul3A_7 = arith.constant 2.000000e+00 : f32
    %mul3A_8 = vector.broadcast %mul3A_7 : f32 to vector<64x8192xf32>
    %mul3A_9 = arith.mulf %mul3A_8, %dot_general3A_6 : vector<64x8192xf32>
    %sub3A = vector.broadcast %broadcast_in_dim3A : vector<64x1xf32> to vector<64x8192xf32>
    %sub3A_10 = arith.subf %sub3A, %mul3A_9 : vector<64x8192xf32>
    %reduce_min3A = arith.constant dense<0x7F800000> : vector<8192xf32>
    %reduce_min3A_11 = vector.multi_reduction <minimumf>, %sub3A_10, %reduce_min3A [0] : vector<64x8192xf32> to vector<8192xf32>
    %iota3A = tpu.iota {dimensions = array<i32: 0>} : vector<64x8192xi32>
    %broadcast_in_dim3A_12 = vector.shape_cast %reduce_min3A_11 : vector<8192xf32> to vector<1x8192xf32>
    %le3A = vector.broadcast %broadcast_in_dim3A_12 : vector<1x8192xf32> to vector<64x8192xf32>
    %le3A_13 = arith.cmpf ole, %sub3A_10, %le3A : vector<64x8192xf32>
    %jit3A = arith.constant 64 : i32
    %broadcast_in_dim3A_14 = vector.broadcast %jit3A : i32 to vector<64x8192xi32>
    %select_n3A = arith.select %le3A_13, %iota3A, %broadcast_in_dim3A_14 : vector<64x8192xi1>, vector<64x8192xi32>
    %reduce_min3A_15 = arith.constant dense<2147483647> : vector<8192xi32>
    %reduce_min3A_16 = vector.multi_reduction <minsi>, %select_n3A, %reduce_min3A_15 [0] : vector<64x8192xi32> to vector<8192xi32>
    %swap3A = arith.constant 0 : index
    %swap3A_17 = vector.load %arg6[%swap3A] : memref<8192xi32, #tpu.memory_space<vmem>>, vector<8192xi32>
    tpu.vector_store %arg6[%swap3A], %reduce_min3A_16 {strides = array<i32>} : memref<8192xi32, #tpu.memory_space<vmem>>, vector<8192xi32>,
    %get3A_18 = arith.constant 0 : index
    %get3A_19 = arith.constant 0 : index
    %get3A_20 = arith.constant 0 : index
    %get3A_21 = vector.load %arg3[%get3A_18, %get3A_19, %get3A_20] : memref<2x64x64xf32, #tpu.memory_space<vmem>>, vector<2x64x64xf32>
    %get3A_22 = arith.constant 0 : index
    %get3A_23 = arith.constant 0 : index
    %get3A_24 = vector.load %arg4[%get3A_22, %get3A_23] : memref<2x64xf32, #tpu.memory_space<vmem>>, vector<2x64xf32>
    %get3A_25 = arith.constant 0 : index
    %get3A_26 = arith.constant 0 : index
    %get3A_27 = vector.load %arg5[%get3A_25, %get3A_26] : memref<2x64xf32, #tpu.memory_space<vmem>>, vector<2x64xf32>
    %broadcast_in_dim3A_28 = arith.constant 0.000000e+00 : f32
    %broadcast_in_dim3A_29 = vector.broadcast %broadcast_in_dim3A_28 : f32 to vector<64x64xf32>
    %broadcast_in_dim3A_30 = arith.constant 0.000000e+00 : f32
    %broadcast_in_dim3A_31 = vector.broadcast %broadcast_in_dim3A_30 : f32 to vector<64xf32>
    %slice3A = vector.extract_strided_slice %get3A_27 {offsets = [0, 0], sizes = [1, 64], strides = [1, 1]} : vector<2x64xf32> to vector<1x64xf32>
    %squeeze3A = vector.shape_cast %slice3A : vector<1x64xf32> to vector<64xf32>
    %broadcast_in_dim3A_32 = vector.shape_cast %squeeze3A : vector<64xf32> to vector<64x1xf32>
    %slice3A_33 = vector.extract_strided_slice %get3A_21 {offsets = [0, 0, 0], sizes = [1, 64, 64], strides = [1, 1, 1]} : vector<2x64x64xf32> to vector<1x64x64xf32>
    %squeeze3A_34 = vector.shape_cast %slice3A_33 : vector<1x64x64xf32> to vector<64x64xf32>
    %mul3A_35 = vector.broadcast %broadcast_in_dim3A_32 : vector<64x1xf32> to vector<64x64xf32>
    %mul3A_36 = arith.mulf %mul3A_35, %squeeze3A_34 : vector<64x64xf32>
    %add3A = arith.addf %broadcast_in_dim3A_29, %mul3A_36 : vector<64x64xf32>
    %slice3A_37 = vector.extract_strided_slice %get3A_27 {offsets = [0, 0], sizes = [1, 64], strides = [1, 1]} : vector<2x64xf32> to vector<1x64xf32>
    %squeeze3A_38 = vector.shape_cast %slice3A_37 : vector<1x64xf32> to vector<64xf32>
    %slice3A_39 = vector.extract_strided_slice %get3A_24 {offsets = [0, 0], sizes = [1, 64], strides = [1, 1]} : vector<2x64xf32> to vector<1x64xf32>
    %squeeze3A_40 = vector.shape_cast %slice3A_39 : vector<1x64xf32> to vector<64xf32>
    %mul3A_41 = arith.mulf %squeeze3A_38, %squeeze3A_40 : vector<64xf32>
    %add3A_42 = arith.addf %broadcast_in_dim3A_31, %mul3A_41 : vector<64xf32>
    %slice3A_43 = vector.extract_strided_slice %get3A_27 {offsets = [1, 0], sizes = [1, 64], strides = [1, 1]} : vector<2x64xf32> to vector<1x64xf32>
    %squeeze3A_44 = vector.shape_cast %slice3A_43 : vector<1x64xf32> to vector<64xf32>
    %broadcast_in_dim3A_45 = vector.shape_cast %squeeze3A_44 : vector<64xf32> to vector<64x1xf32>
    %slice3A_46 = vector.extract_strided_slice %get3A_21 {offsets = [1, 0, 0], sizes = [1, 64, 64], strides = [1, 1, 1]} : vector<2x64x64xf32> to vector<1x64x64xf32>
    %squeeze3A_47 = vector.shape_cast %slice3A_46 : vector<1x64x64xf32> to vector<64x64xf32>
    %mul3A_48 = vector.broadcast %broadcast_in_dim3A_45 : vector<64x1xf32> to vector<64x64xf32>
    %mul3A_49 = arith.mulf %mul3A_48, %squeeze3A_47 : vector<64x64xf32>
    %add3A_50 = arith.addf %add3A, %mul3A_49 : vector<64x64xf32>
    %slice3A_51 = vector.extract_strided_slice %get3A_27 {offsets = [1, 0], sizes = [1, 64], strides = [1, 1]} : vector<2x64xf32> to vector<1x64xf32>
    %squeeze3A_52 = vector.shape_cast %slice3A_51 : vector<1x64xf32> to vector<64xf32>
    %slice3A_53 = vector.extract_strided_slice %get3A_24 {offsets = [1, 0], sizes = [1, 64], strides = [1, 1]} : vector<2x64xf32> to vector<1x64xf32>
    %squeeze3A_54 = vector.shape_cast %slice3A_53 : vector<1x64xf32> to vector<64xf32>
    %mul3A_55 = arith.mulf %squeeze3A_52, %squeeze3A_54 : vector<64xf32>
    %add3A_56 = arith.addf %add3A_42, %mul3A_55 : vector<64xf32>
    %broadcast_in_dim3A_57 = vector.shape_cast %add3A_56 : vector<64xf32> to vector<1x64xf32>
    %broadcast_in_dim3A_58 = arith.constant 0.000000e+00 : f32
    %broadcast_in_dim3A_59 = vector.broadcast %broadcast_in_dim3A_58 : f32 to vector<7x64xf32>
    %concatenate3A = tpu.concatenate %add3A_50, %broadcast_in_dim3A_57, %broadcast_in_dim3A_59 in 0 : vector<64x64xf32>, vector<1x64xf32>, vector<7x64xf32> -> vector<72x64xf32>
    %swap3A_60 = arith.constant 0 : index
    %swap3A_61 = arith.constant 0 : index
    %swap3A_62 = vector.load %arg7[%swap3A_60, %swap3A_61] : memref<72x64xf32, #tpu.memory_space<vmem>>, vector<72x64xf32>
    tpu.vector_store %arg7[%swap3A_60, %swap3A_61], %concatenate3A {strides = array<i32>} : memref<72x64xf32, #tpu.memory_space<vmem>>, vector<72x64xf32>,
    return
  }
  func.func @transform_0(%arg0: i32) -> (i32, i32) {
    %c0_i32 = arith.constant 0 : i32
    %c0_i32_0 = arith.constant 0 : i32
    return %arg0, %c0_i32 : i32, i32
  }
  func.func @transform_1(%arg0: i32) -> (i32, i32) {
    %c0_i32 = arith.constant 0 : i32
    %c0_i32_0 = arith.constant 0 : i32
    %c0_i32_1 = arith.constant 0 : i32
    return %c0_i32, %c0_i32_0 : i32, i32
  }
  func.func @transform_2(%arg0: i32) -> (i32, i32, i32) {
    %c0_i32 = arith.constant 0 : i32
    %c0_i32_0 = arith.constant 0 : i32
    %c0_i32_1 = arith.constant 0 : i32
    %c0_i32_2 = arith.constant 0 : i32
    return %c0_i32, %c0_i32_0, %c0_i32_1 : i32, i32, i32
  }
  func.func @transform_3(%arg0: i32) -> (i32, i32) {
    %c0_i32 = arith.constant 0 : i32
    %c0_i32_0 = arith.constant 0 : i32
    %c0_i32_1 = arith.constant 0 : i32
    return %c0_i32, %c0_i32_0 : i32, i32
  }
  func.func @transform_4(%arg0: i32) -> (i32, i32) {
    %c0_i32 = arith.constant 0 : i32
    %c0_i32_0 = arith.constant 0 : i32
    %c0_i32_1 = arith.constant 0 : i32
    return %c0_i32, %c0_i32_0 : i32, i32
  }
  func.func @transform_5(%arg0: i32) -> i32 {
    %c0_i32 = arith.constant 0 : i32
    return %arg0 : i32
  }
  func.func @transform_6(%arg0: i32) -> (i32, i32) {
    %c0_i32 = arith.constant 0 : i32
    %c0_i32_0 = arith.constant 0 : i32
    %c0_i32_1 = arith.constant 0 : i32
    return %c0_i32, %c0_i32_0 : i32, i32
  }
}

</mosaic_0001>

<sc_bundles>
// kernel: kernel.6.cloned.1.call-start
scs
__scs_entry_jumppad:
0x0: {  	(pc) =	sbr.rel $0x88, $3  }
0x1: {  	(tag) =	ssettag $0x0;
	lr =	simm.s32 $0x1  }
0x2: {  	[smem:$0x3F97] =	sst lr;
	_ =	strace $0xD0000000  }
0x3: {  	_ = 	snop  }
0x4: {  	_ = 	snop  }
0x5: {  	_ = 	snop  }
0x6: {  	_ = 	snop  }
0x7: {  	_ = 	snop  }
__scs_overlays_trampoline_lowered:
0x8: {  	[smem:$0x3FA6] =	sst s0  }
0x9: {  	[smem:$0x3FA7] =	sst s1  }
0xa: {  	[smem:$0x3FA8] =	sst s2  }
0xb: {  	[smem:$0x3FA9] =	sst s3  }
0xc: {  	[smem:$0x3FAA] =	sst s4  }
0xd: {  	[smem:$0x3FAB] =	sst s5  }
0xe: {  	[smem:$0x3FAC] =	sst s6  }
0xf: {  	[smem:$0x3FAD] =	sst s7  }
0x10: {  	[smem:$0x3FAE] =	sst s8  }
0x11: {  	[smem:$0x3FAF] =	sst s9;
	s0 =	simm.s32 @!p0 $0x0  }
0x12: {  	s1 =	sld [smem:$0x3F95];
	s0 =	simm.s32 @p0 $0x1  }
0x13: {  	[smem:$0x3FB0] =	sst s0;
	s0 =	simm.s32 @!p1 $0x0  }
0x14: {  	s2 =	sld [smem:$0x3F94];
	s0 =	simm.s32 @p1 $0x1  }
0x15: {  	[smem:$0x3FB1] =	sst s0;
	s0 =	simm.s32 @!p2 $0x0  }
0x16: {  	s3 =	sld [smem:$0x3FDB];
	s0 =	simm.s32 @p2 $0x1  }
0x17: {  	s4 =	simm.s32 $0x1BF5;
	[smem:$0x3FB3] =	sst s0  }
0x18: {  	s0 =	sld [smem:$0x3F96];
	_ =	swait.ge [sflag:s4], $0x0  }
0x19: {  	s7 =	sld [smem:$0x3F97]  }
0x1a: {  	s8 =	sadd.s32 $0xFFFFE003, lr  }
0x1b: {  	s9 =	sadd.s32 $0xFFFFFEF7, lr;
	s5 =	simm.s32 $0xFFFFFFFF;
	p2 =	slt.u32 s8, $0xFFFFF086  }
0x1c: {  	p1 =	slt.u32 s9, $0xF7A;
	s5 =	simm.s32 @!p2 $0x0  }
0x1d: {  	s5 =	simm.s32 @p1 $0x1;
	p0 =	seq.s32 s7, s2  }
0x1e: {  	s7 =	smul.u32 @!p0 $0xF7A, s2;
	p2 =	seq.s32 @!p0 s5, $0x0  }
0x1f: {  	s9 =	smul.u32 $0xF7A, s1;
	s8 =	simm.s32 @!p0 $0x1BF5;
	p2 =	por !p2, p0  }
0x20: {  	[sflag:s8] =	ssyncset.s32 @!p0 $0xFFFFF086;
	s6 =	sadd.s32 @!p0 s3, s7;
	s7 =	simm.s32 @!p0 $0x108  }
0x21: {  	s3 =	sadd.s32 s3, s9;
	s6 =	sadd.s32 @!p0 $0x88, s6;
	s7 =	simm.s32 @p2 $0x1082  }
0x22: {  	[simem:s7], [sflag:s8] =	dma.local @!p0 [hbm:s6], $0xF7A  }
0x23: {  	s9 =	sor.u32 $0xD0000000, s2;
	s6 =	simm.s32 $0x108;
	_ =	swait.ge @!p0 [sflag:s8], $0x0  }
0x24: {  	s3 =	sadd.s32 $0x88, s3;
	s6 =	simm.s32 @!p1 $0x1082;
	[sflag:s4] =	ssyncset.s32 $0xFFFFF086  }
0x25: {  	[simem:s6], [sflag:s4] =	dma.local [hbm:s3], $0xF7A  }
0x26: {  	[smem:$0x3F97] =	sst s1;
	(tag) =	ssettag s2;
	_ =	strace s9  }
0x27: {  	s1 =	sld [smem:$0x3FA7]  }
0x28: {  	s2 =	sld [smem:$0x3FA8]  }
0x29: {  	s4 =	sld [smem:$0x3FAA]  }
0x2a: {  	p0 =	seq.s32 s5, $0x0;
	s5 =	sld [smem:$0x3FAB]  }
0x2b: {  	s6 =	sld [smem:$0x3FAC]  }
0x2c: {  	s7 =	sld [smem:$0x3FAD]  }
0x2d: {  	s3 =	simm.s32 $0x108;
	s8 =	sld [smem:$0x3FAE]  }
0x2e: {  	s3 =	simm.s32 @!p0 $0x1082;
	s9 =	sld [smem:$0x3FAF]  }
0x2f: {  	lr =	sadd.s32 s0, s3;
	s0 =	sld [smem:$0x3FA6]  }
0x30: {  	s3 =	sld [smem:$0x3FA9]  }
0x31: {  	[smem:$0x3FB2] =	sst s10  }
0x32: {  	s10 =	sld [smem:$0x3FB0];
	_ =	sdelay $0x3  }
0x33: {  	p0 =	seq.s32 s10, $0x1;
	s10 =	sld [smem:$0x3FB2];
	_ =	sdelay $0x3  }
0x34: {  	[smem:$0x3FB2] =	sst s10  }
0x35: {  	s10 =	sld [smem:$0x3FB1];
	_ =	sdelay $0x3  }
0x36: {  	p1 =	seq.s32 s10, $0x1;
	s10 =	sld [smem:$0x3FB2];
	_ =	sdelay $0x3  }
0x37: {  	[smem:$0x3FB2] =	sst s10  }
0x38: {  	s10 =	sld [smem:$0x3FB3]  }
0x39: {  	_ = 	snop;
	(pc) =	sbr.ind lr, $3  }
0x3a: {  	_ = 	snop  }
0x3b: {  	_ = 	snop  }
0x3c: {  	p2 =	seq.s32 s10, $0x1;
	s10 =	sld [smem:$0x3FB2]  }
0x3d: {  	_ =	shalt  }
0x3e: {  	_ =	shalt  }
0x3f: {  	_ =	shalt  }
0x40: {  	_ =	shalt  }
0x41: {  	_ =	shalt  }
0x42: {  	_ =	shalt  }
0x43: {  	_ =	shalt  }
0x44: {  	_ =	shalt  }
0x45: {  	_ =	shalt  }
0x46: {  	_ =	shalt  }
0x47: {  	_ =	shalt  }
0x48: {  	_ =	shalt  }
0x49: {  	_ =	shalt  }
0x4a: {  	_ =	shalt  }
0x4b: {  	_ =	shalt  }
0x4c: {  	_ =	shalt  }
0x4d: {  	_ =	shalt  }
0x4e: {  	_ =	shalt  }
0x4f: {  	_ =	shalt  }
0x50: {  	_ =	shalt  }
0x51: {  	_ =	shalt  }
0x52: {  	_ =	shalt  }
0x53: {  	_ =	shalt  }
0x54: {  	_ =	shalt  }
0x55: {  	_ =	shalt  }
0x56: {  	_ =	shalt  }
0x57: {  	_ =	shalt  }
0x58: {  	_ =	shalt  }
0x59: {  	_ =	shalt  }
0x5a: {  	_ =	shalt  }
0x5b: {  	_ =	shalt  }
0x5c: {  	_ =	shalt  }
0x5d: {  	_ =	shalt  }
0x5e: {  	_ =	shalt  }
0x5f: {  	_ =	shalt  }
0x60: {  	_ =	shalt  }
0x61: {  	_ =	shalt  }
0x62: {  	_ =	shalt  }
0x63: {  	_ =	shalt  }
0x64: {  	_ =	shalt  }
0x65: {  	_ =	shalt  }
0x66: {  	_ =	shalt  }
0x67: {  	_ =	shalt  }
0x68: {  	_ =	shalt  }
0x69: {  	_ =	shalt  }
0x6a: {  	_ =	shalt  }
0x6b: {  	_ =	shalt  }
0x6c: {  	_ =	shalt  }
0x6d: {  	_ =	shalt  }
0x6e: {  	_ =	shalt  }
0x6f: {  	_ =	shalt  }
0x70: {  	_ =	shalt  }
0x71: {  	_ =	shalt  }
0x72: {  	_ =	shalt  }
0x73: {  	_ =	shalt  }
0x74: {  	_ =	shalt  }
0x75: {  	_ =	shalt  }
0x76: {  	_ =	shalt  }
0x77: {  	_ =	shalt  }
0x78: {  	_ =	shalt  }
0x79: {  	_ =	shalt  }
0x7a: {  	_ =	shalt  }
0x7b: {  	_ =	shalt  }
0x7c: {  	_ =	shalt  }
0x7d: {  	_ =	shalt  }
0x7e: {  	_ =	shalt  }
0x7f: {  	_ =	shalt  }
0x80: {  	_ =	shalt  }
0x81: {  	_ =	shalt  }
0x82: {  	_ =	shalt  }
0x83: {  	_ =	shalt  }
0x84: {  	_ =	shalt  }
0x85: {  	_ =	shalt  }
0x86: {  	_ =	shalt  }
0x87: {  	_ =	shalt  }
.Lfunc_end0:
.L_simem_size_0:
called_computation_lowered:
.L_overlay_start_0:
0x88: {  	s0 =	sld [smem:$0x3FD9]  }
0x89: {  	s1 =	sld [smem:$0x3FFE];
	_ =	sdelay $0x3  }
0x8a: {  	s0 =	sadd.s32 s1, s0  }
0x8b: {  	[smem:$0x3FBE] =	sst s0  }
0x8c: {  	_ = 	snop  }
0x8d: {  	s0 =	sld [smem:$0x3FC8]  }
0x8e: {  	s16 =	sld [smem:$0x3FD0];
	(tm) =	ssettm $0x1  }
0x8f: {  	s2 =	sld [smem:$0x3FFB];
	_ =	sdelay $0x3  }
0x90: {  	_ =	strace s2  }
0x91: {  	s2 =	sld [smem:$0x3FFC];
	_ =	sdelay $0x3  }
0x92: {  	_ =	strace s2  }
0x93: {  	s2 =	sld [smem:$0x3FFD];
	_ =	sdelay $0x3  }
0x94: {  	_ =	strace s2  }
0x95: {  	_ =	strace $0x8FFFFFFF  }
0x96: {  	s17 =	sld [smem:$0x3FDB];
	_ =	sdelay $0x1  }
0x97: {  	s3 =	simm.s32 $_scs_section_size  }
0x98: {  	s4 =	simm.s32 $_size__tile_overlayer_lowered;
	s5 =	simm.s32 $_tile_overlayer_lowered  }
0x99: {  	s20 =	simm.s32 $0x1BFF;
	s19 =	sshll.u32 s5, $0x1;
	s2 =	sadd.s32 s3, s17  }
0x9a: {  	s6 =	simm.s32 $0x0;
	s18 =	sshll.u32 s4, $0x1;
	s4 =	sadd.s32 s19, s2  }
0x9b: {  	[timem:s6], [sflag:s20] =	dma.local [hbm:s4], s18  }
0x9c: {  	_ =	swait.ge [sflag:s20], s18  }
0x9d: {  	s3 =	ssub.s32 $0x0, s18;
	[sflag:s20] =	ssyncset.done $0x0  }
0x9e: {  	[sflag:s20] =	ssyncadd.s32 s3;
	_ =	sdelay $0x1  }
0x9f: {  	s21 =	simm.s32 $0x1B8B  }
0xa0: {  	_ =	swait.ge [sflag:s21], $0x1  }
0xa1: {  	[sflag:s21] =	ssyncset.done $0x0  }
0xa2: {  	s23 =	simm.s32 $0x1B8E;
	s22 =	sld [smem:$0x3FFE];
	[sflag:s21] =	ssyncadd.s32 $0xFFFFFFFF  }
0xa3: {  	s24 =	simm.s32 $execute0_lowered;
	[smem:$0x3FD2] =	sst s23  }
0xa4: {  	s4 =	sshll.u32 s24, $0x1;
	_ =	strace $0x80000046;
	[dreg:$0x1] =	wrdreg $0xFFFFFFFF  }
0xa5: {  	s25 =	simm.s32 $_size_execute0_lowered;
	s2 =	sadd.s32 s2, s4;
	[dreg:$0x0] =	wrdreg $0x0  }
0xa6: {  	s4 =	sshll.u32 s25, $0x1;
	[dreg:$0x2] =	wrdreg s2  }
0xa7: {  	[dreg:$0x3] =	wrdreg s4  }
0xa8: {  	[dreg:$0x4] =	wrdreg $0xC0  }
0xa9: {  	_ =	task [dreg:s6], $0x5FFFF  }
0xaa: {  	[dreg:$0x1] =	wrdreg $0xFFFFFFFF  }
0xab: {  	[dreg:$0x0] =	wrdreg $0x60  }
0xac: {  	[dreg:$0x2] =	wrdreg s0  }
0xad: {  	[dreg:$0x3] =	wrdreg s22  }
0xae: {  	[dreg:$0x4] =	wrdreg s16  }
0xaf: {  	[dreg:$0x5] =	wrdreg $0x9  }
0xb0: {  	_ =	task.clear_ibuf [dreg:s6], $0x6FFFF;
	_ =	strace $0x90000046  }
0xb1: {  	s26 =	simm.s32 $0x9;
	_ =	strace $0x80000048  }
0xb2: {  	_ =	swait.ge [sflag:s26], $0x1  }
0xb3: {  	[sflag:s26] =	ssyncadd.s32 $0xFFFFFFFF  }
0xb4: {  	_ =	strace $0x90000048  }
0xb5: {  	_ =	sfence  }
0xb6: {  	s28 =	sld [smem:$0x0];
	_ =	sdelay $0x1  }
0xb7: {  	s29 =	srdreg.scid  }
0xb8: {  	s30 =	sshll.u32 s29, $0xD;
	s31 =	sshrl.u32 s29, $0x2  }
0xb9: {  	s1 =	sand.u32 $0x1, s29;
	s2 =	sand.u32 $0x4000, s30;
	s0 =	sadd.s32 s31, s28  }
0xba: {  	s1 =	sor.u32 s2, s1;
	s0 =	sshll.u32 s0, $0x11  }
0xbb: {  	s0 =	sor.u32 s0, s1  }
0xbc: {  	s0 =	sadd.s32 $0x8F2B, s0  }
0xbd: {  	[sflag:s0] =	ssyncadd.remote.s32 $0x1  }
0xbe: {  	_ =	sfence.sel $0xFFFF  }
0xbf: {  	[dreg:$0x0] =	wrdreg $0xFFFFFFFF;
	(pc) =	sbr.abs _section_cstart, $3  }
0xc0: {  	[dreg:$0x1] =	wrdreg $0xFFFFFFFF  }
0xc1: {  	_ =	task.clear_ibuf [dreg:s6], $0x2FFFF;
	_ =	strace $0x9FFFFFFF  }
0xc2: {  	(tm) =	ssettm $0x7FFFFFFF  }
0xc3: {  	_ =	shalt  }
tec
execute0_lowered:
.L_overlay_start_1:
0x0: {  	(tag) =	ssettag $0x1  }
0x1: {  	vm14 =	vcmask $0x300  }
0x2: {  	v0 =	vimm.s32 $0x1380;
	vm13 =	vcmask $0x704;
	vm12 =	vcmask $0xB08  }
0x3: {  	vm11 =	vcmask $0xF0C;
	vm10 =	vcmask $0x1310;
	vm9 =	vcmask $0x1714  }
0x4: {  	vm8 =	vcmask $0x1B18;
	vm7 =	vcmask $0x1F1C;
	v0 =	vsel vm14, $0x0, v0  }
0x5: {  	vm6 =	vcmask $0x2320;
	vm5 =	vcmask $0x2724;
	v0 =	vsel vm13, $0x80, v0  }
0x6: {  	v40 =	vlaneseq.u32;
	vm4 =	vcmask $0x2B28;
	v0 =	vsel vm12, $0x100, v0  }
0x7: {  	vm3 =	vcmask $0x2F2C;
	v1 =	vimm.s32 $0x2000;
	v0 =	vsel vm11, $0x180, v0  }
0x8: {  	vm2 =	vcmask $0x3330;
	vm0 =	vcmask $0x3734;
	v0 =	vsel vm10, $0x200, v0  }
0x9: {  	v2 =	vimm.s32 $0x2080;
	vm1 =	vcmask $0x3B38;
	v0 =	vsel vm9, $0x280, v0  }
0xa: {  	v53 =	vimm.s32 $0x4300;
	v60 =	vimm.s32 $0x4380;
	v0 =	vsel vm8, $0x300, v0  }
0xb: {  	v1 =	vsel vm14, $0x80, v1;
	v2 =	vsel vm14, $0x100, v2;
	v0 =	vsel vm7, $0x380, v0  }
0xc: {  	v6 =	vadd.s32 $0x1, v40;
	v9 =	vadd.s32 $0x2, v40;
	v0 =	vsel vm6, $0x1000, v0  }
0xd: {  	v11 =	vadd.s32 $0x3, v40;
	v13 =	vadd.s32 $0x4, v40;
	v0 =	vsel vm5, $0x1080, v0  }
0xe: {  	v51 =	vadd.s32 $0x5, v40;
	v16 =	vadd.s32 $0x6, v40;
	v0 =	vsel vm4, $0x1100, v0  }
0xf: {  	v18 =	vadd.s32 $0x7, v40;
	v1 =	vsel vm13, $0x100, v1;
	v0 =	vsel vm3, $0x1180, v0  }
0x10: {  	v20 =	vadd.s32 $0x8, v40;
	v1 =	vsel vm12, $0x180, v1;
	v0 =	vsel vm2, $0x1200, v0  }
0x11: {  	v22 =	vadd.s32 $0x9, v40;
	v1 =	vsel vm11, $0x200, v1;
	v0 =	vsel vm0, $0x1280, v0  }
0x12: {  	v5 =	vsel vm1, $0x1300, v0;
	v0 =	vsel vm10, $0x280, v1;
	v1 =	vsel vm13, $0x180, v2  }
0x13: {  	v2 =	vimm.s32 $0x2100;
	v0 =	vsel vm9, $0x300, v0;
	v1 =	vsel vm12, $0x200, v1  }
0x14: {  	v2 =	vsel vm14, $0x180, v2;
	v0 =	vsel vm8, $0x380, v0;
	v1 =	vsel vm11, $0x280, v1  }
0x15: {  	v2 =	vsel vm13, $0x200, v2;
	v0 =	vsel vm7, $0x1000, v0;
	v1 =	vsel vm10, $0x300, v1  }
0x16: {  	v2 =	vsel vm12, $0x280, v2;
	v0 =	vsel vm6, $0x1080, v0;
	v1 =	vsel vm9, $0x380, v1  }
0x17: {  	v2 =	vsel vm11, $0x300, v2;
	v0 =	vsel vm5, $0x1100, v0;
	v1 =	vsel vm8, $0x1000, v1  }
0x18: {  	v2 =	vsel vm10, $0x380, v2;
	v0 =	vsel vm4, $0x1180, v0;
	v1 =	vsel vm7, $0x1080, v1  }
0x19: {  	v2 =	vsel vm9, $0x1000, v2;
	v0 =	vsel vm3, $0x1200, v0;
	v1 =	vsel vm6, $0x1100, v1  }
0x1a: {  	v2 =	vsel vm8, $0x1080, v2;
	v0 =	vsel vm2, $0x1280, v0;
	v1 =	vsel vm5, $0x1180, v1  }
0x1b: {  	v2 =	vsel vm7, $0x1100, v2;
	v0 =	vsel vm0, $0x1300, v0;
	v1 =	vsel vm4, $0x1200, v1  }
0x1c: {  	v7 =	vsel vm1, $0x1380, v0;
	v0 =	vsel vm3, $0x1280, v1;
	v1 =	vsel vm6, $0x1180, v2  }
0x1d: {  	v24 =	vadd.s32 $0xA, v40;
	v0 =	vsel vm2, $0x1300, v0;
	v1 =	vsel vm5, $0x1200, v1  }
0x1e: {  	v2 =	vimm.s32 $0x2180;
	v0 =	vsel vm0, $0x1380, v0;
	v1 =	vsel vm4, $0x1280, v1  }
0x1f: {  	v8 =	vsel vm1, $0x2000, v0;
	v0 =	vsel vm3, $0x1300, v1;
	v1 =	vsel vm14, $0x200, v2  }
0x20: {  	v26 =	vadd.s32 $0xB, v40;
	v0 =	vsel vm2, $0x1380, v0;
	v1 =	vsel vm13, $0x280, v1  }
0x21: {  	v2 =	vimm.s32 $0x2200;
	v0 =	vsel vm0, $0x2000, v0;
	v1 =	vsel vm12, $0x300, v1  }
0x22: {  	v10 =	vsel vm1, $0x2080, v0;
	v0 =	vsel vm11, $0x380, v1;
	v1 =	vsel vm14, $0x280, v2  }
0x23: {  	v28 =	vadd.s32 $0xC, v40;
	v0 =	vsel vm10, $0x1000, v0;
	v1 =	vsel vm13, $0x300, v1  }
0x24: {  	v2 =	vimm.s32 $0x2280;
	v0 =	vsel vm9, $0x1080, v0;
	v1 =	vsel vm12, $0x380, v1  }
0x25: {  	v2 =	vsel vm14, $0x300, v2;
	v0 =	vsel vm8, $0x1100, v0;
	v1 =	vsel vm11, $0x1000, v1  }
0x26: {  	v2 =	vsel vm13, $0x380, v2;
	v0 =	vsel vm7, $0x1180, v0;
	v1 =	vsel vm10, $0x1080, v1  }
0x27: {  	v2 =	vsel vm12, $0x1000, v2;
	v0 =	vsel vm6, $0x1200, v0;
	v1 =	vsel vm9, $0x1100, v1  }
0x28: {  	v2 =	vsel vm11, $0x1080, v2;
	v0 =	vsel vm5, $0x1280, v0;
	v1 =	vsel vm8, $0x1180, v1  }
0x29: {  	v2 =	vsel vm10, $0x1100, v2;
	v0 =	vsel vm4, $0x1300, v0;
	v1 =	vsel vm7, $0x1200, v1  }
0x2a: {  	v2 =	vsel vm9, $0x1180, v2;
	v0 =	vsel vm3, $0x1380, v0;
	v1 =	vsel vm6, $0x1280, v1  }
0x2b: {  	v2 =	vsel vm8, $0x1200, v2;
	v0 =	vsel vm2, $0x2000, v0;
	v1 =	vsel vm5, $0x1300, v1  }
0x2c: {  	v2 =	vsel vm7, $0x1280, v2;
	v0 =	vsel vm0, $0x2080, v0;
	v1 =	vsel vm4, $0x1380, v1  }
0x2d: {  	v12 =	vsel vm1, $0x2100, v0;
	v0 =	vsel vm3, $0x2000, v1;
	v1 =	vsel vm6, $0x1300, v2  }
0x2e: {  	v30 =	vadd.s32 $0xD, v40;
	v0 =	vsel vm2, $0x2080, v0;
	v1 =	vsel vm5, $0x1380, v1  }
0x2f: {  	v2 =	vimm.s32 $0x2300;
	v0 =	vsel vm0, $0x2100, v0;
	v1 =	vsel vm4, $0x2000, v1  }
0x30: {  	v14 =	vsel vm1, $0x2180, v0;
	v0 =	vsel vm3, $0x2080, v1;
	v1 =	vsel vm14, $0x380, v2  }
0x31: {  	v32 =	vadd.s32 $0xE, v40;
	v0 =	vsel vm2, $0x2100, v0;
	v1 =	vsel vm13, $0x1000, v1  }
0x32: {  	v2 =	vimm.s32 $0x2380;
	v0 =	vsel vm0, $0x2180, v0;
	v1 =	vsel vm12, $0x1080, v1  }
0x33: {  	v17 =	vsel vm1, $0x2200, v0;
	v0 =	vsel vm11, $0x1100, v1;
	v1 =	vsel vm14, $0x1000, v2  }
0x34: {  	v34 =	vadd.s32 $0xF, v40;
	v0 =	vsel vm10, $0x1180, v0;
	v1 =	vsel vm13, $0x1080, v1  }
0x35: {  	v2 =	vimm.s32 $0x3000;
	v0 =	vsel vm9, $0x1200, v0;
	v1 =	vsel vm12, $0x1100, v1  }
0x36: {  	v2 =	vsel vm14, $0x1080, v2;
	v0 =	vsel vm8, $0x1280, v0;
	v1 =	vsel vm11, $0x1180, v1  }
0x37: {  	v2 =	vsel vm13, $0x1100, v2;
	v0 =	vsel vm7, $0x1300, v0;
	v1 =	vsel vm10, $0x1200, v1  }
0x38: {  	v2 =	vsel vm12, $0x1180, v2;
	v0 =	vsel vm6, $0x1380, v0;
	v1 =	vsel vm9, $0x1280, v1  }
0x39: {  	v2 =	vsel vm11, $0x1200, v2;
	v0 =	vsel vm5, $0x2000, v0;
	v1 =	vsel vm8, $0x1300, v1  }
0x3a: {  	v2 =	vsel vm10, $0x1280, v2;
	v0 =	vsel vm4, $0x2080, v0;
	v1 =	vsel vm7, $0x1380, v1  }
0x3b: {  	v2 =	vsel vm9, $0x1300, v2;
	v0 =	vsel vm3, $0x2100, v0;
	v1 =	vsel vm6, $0x2000, v1  }
0x3c: {  	v2 =	vsel vm8, $0x1380, v2;
	v0 =	vsel vm2, $0x2180, v0;
	v1 =	vsel vm5, $0x2080, v1  }
0x3d: {  	v2 =	vsel vm7, $0x2000, v2;
	v0 =	vsel vm0, $0x2200, v0;
	v1 =	vsel vm4, $0x2100, v1  }
0x3e: {  	v19 =	vsel vm1, $0x2280, v0;
	v0 =	vsel vm3, $0x2180, v1;
	v1 =	vsel vm6, $0x2080, v2  }
0x3f: {  	v37 =	vor.u32 $0x10, v40;
	v0 =	vsel vm2, $0x2200, v0;
	v1 =	vsel vm5, $0x2100, v1  }
0x40: {  	v2 =	vimm.s32 $0x3080;
	v0 =	vsel vm0, $0x2280, v0;
	v1 =	vsel vm4, $0x2180, v1  }
0x41: {  	v21 =	vsel vm1, $0x2300, v0;
	v0 =	vsel vm3, $0x2200, v1;
	v1 =	vsel vm14, $0x1100, v2  }
0x42: {  	v39 =	vadd.s32 $0x11, v40;
	v0 =	vsel vm2, $0x2280, v0;
	v1 =	vsel vm13, $0x1180, v1  }
0x43: {  	v2 =	vimm.s32 $0x3100;
	v0 =	vsel vm0, $0x2300, v0;
	v1 =	vsel vm12, $0x1200, v1  }
0x44: {  	v23 =	vsel vm1, $0x2380, v0;
	v0 =	vsel vm11, $0x1280, v1;
	v1 =	vsel vm14, $0x1180, v2  }
0x45: {  	v42 =	vadd.s32 $0x12, v40;
	v0 =	vsel vm10, $0x1300, v0;
	v1 =	vsel vm13, $0x1200, v1  }
0x46: {  	v2 =	vimm.s32 $0x3180;
	v0 =	vsel vm9, $0x1380, v0;
	v1 =	vsel vm12, $0x1280, v1  }
0x47: {  	v2 =	vsel vm14, $0x1200, v2;
	v0 =	vsel vm8, $0x2000, v0;
	v1 =	vsel vm11, $0x1300, v1  }
0x48: {  	v2 =	vsel vm13, $0x1280, v2;
	v0 =	vsel vm7, $0x2080, v0;
	v1 =	vsel vm10, $0x1380, v1  }
0x49: {  	v2 =	vsel vm12, $0x1300, v2;
	v0 =	vsel vm6, $0x2100, v0;
	v1 =	vsel vm9, $0x2000, v1  }
0x4a: {  	v2 =	vsel vm11, $0x1380, v2;
	v0 =	vsel vm5, $0x2180, v0;
	v1 =	vsel vm8, $0x2080, v1  }
0x4b: {  	v2 =	vsel vm10, $0x2000, v2;
	v0 =	vsel vm4, $0x2200, v0;
	v1 =	vsel vm7, $0x2100, v1  }
0x4c: {  	v2 =	vsel vm9, $0x2080, v2;
	v0 =	vsel vm3, $0x2280, v0;
	v1 =	vsel vm6, $0x2180, v1  }
0x4d: {  	v2 =	vsel vm8, $0x2100, v2;
	v0 =	vsel vm2, $0x2300, v0;
	v1 =	vsel vm5, $0x2200, v1  }
0x4e: {  	v2 =	vsel vm7, $0x2180, v2;
	v0 =	vsel vm0, $0x2380, v0;
	v1 =	vsel vm4, $0x2280, v1  }
0x4f: {  	v25 =	vsel vm1, $0x3000, v0;
	v0 =	vsel vm3, $0x2300, v1;
	v1 =	vsel vm6, $0x2200, v2  }
0x50: {  	v44 =	vadd.s32 $0x13, v40;
	v0 =	vsel vm2, $0x2380, v0;
	v1 =	vsel vm5, $0x2280, v1  }
0x51: {  	v2 =	vimm.s32 $0x3200;
	v0 =	vsel vm0, $0x3000, v0;
	v1 =	vsel vm4, $0x2300, v1  }
0x52: {  	v27 =	vsel vm1, $0x3080, v0;
	v0 =	vsel vm3, $0x2380, v1;
	v1 =	vsel vm14, $0x1280, v2  }
0x53: {  	v46 =	vadd.s32 $0x14, v40;
	v0 =	vsel vm2, $0x3000, v0;
	v1 =	vsel vm13, $0x1300, v1  }
0x54: {  	v2 =	vimm.s32 $0x3280;
	v0 =	vsel vm0, $0x3080, v0;
	v1 =	vsel vm12, $0x1380, v1  }
0x55: {  	s2 =	simm.s32 $0x0;
	v29 =	vsel vm1, $0x3100, v0;
	v0 =	vsel vm11, $0x2000, v1;
	v1 =	vsel vm14, $0x1300, v2  }
0x56: {  	v4 =	vor.u32 s2, v40;
	v0 =	vsel vm10, $0x2080, v0;
	v1 =	vsel vm13, $0x1380, v1  }
0x57: {  	v2 =	vimm.s32 $0x3300;
	v0 =	vsel vm9, $0x2100, v0;
	v1 =	vsel vm12, $0x2000, v1  }
0x58: {  	v2 =	vsel vm14, $0x1380, v2;
	v0 =	vsel vm8, $0x2180, v0;
	v1 =	vsel vm11, $0x2080, v1  }
0x59: {  	s3 =	rddreg [dreg:$0x0];
	v2 =	vsel vm13, $0x2000, v2;
	v0 =	vsel vm7, $0x2200, v0;
	v1 =	vsel vm10, $0x2100, v1  }
0x5a: {  	s5 =	rddreg [dreg:$0x1];
	v2 =	vsel vm12, $0x2080, v2;
	v0 =	vsel vm6, $0x2280, v0;
	v1 =	vsel vm9, $0x2180, v1  }
0x5b: {  	s6 =	rddreg [dreg:$0x2];
	v2 =	vsel vm11, $0x2100, v2;
	v0 =	vsel vm5, $0x2300, v0;
	v1 =	vsel vm8, $0x2200, v1  }
0x5c: {  	s0 =	rddreg [dreg:$0x3];
	s1 =	stileid.u32;
	v2 =	vsel vm10, $0x2180, v2;
	v0 =	vsel vm4, $0x2380, v0;
	v1 =	vsel vm7, $0x2280, v1  }
0x5d: {  	s25 =	simm.s32 $0x1000;
	[smem:$0x7FF] =	sst s2;
	s4 =	sshll.u32 s1, $0x9;
	v2 =	vsel vm9, $0x2200, v2;
	v0 =	vsel vm3, $0x3000, v0;
	v1 =	vsel vm6, $0x2300, v1  }
0x5e: {  	s7 =	simm.s32 $0x10000;
	_ =	strace $0x80000047;
	s3 =	sadd.s32 s3, s4;
	v2 =	vsel vm8, $0x2280, v2;
	v0 =	vsel vm2, $0x3080, v0;
	v1 =	vsel vm5, $0x2380, v1  }
0x5f: {  	[tilespmem:s2], [sflag:$0x1] =	stream.strided.gather [hbm4b:s3+s25], $0x8000, s7, s25, $0x38;
	v2 =	vsel vm7, $0x2300, v2;
	v0 =	vsel vm0, $0x3100, v0;
	v1 =	vsel vm4, $0x3000, v1;
	[tilespmem:$0xA800] =	vst v63  }
0x60: {  	s26 =	sadd.s32 $0x1A00, s5;
	s4 =	simm.s32 $0x8000;
	s3 =	sshll.u32 s1, $0x6;
	v31 =	vsel vm1, $0x3180, v0;
	v0 =	vsel vm3, $0x3080, v1;
	v1 =	vsel vm6, $0x2380, v2  }
0x61: {  	v47 =	vadd.s32 $0x15, v40;
	[tilespmem:s4], [sflag:$0x2] =	stream.linear.gather [hbm4b:s26+s2], $0x2400, $0x38;
	v0 =	vsel vm2, $0x3100, v0;
	v1 =	vsel vm5, $0x3000, v1;
	[tilespmem:$0xA800] =	vst v63  }
0x62: {  	s28 =	simm.s32 $0xA400;
	s29 =	simm.s32 $0x2;
	s6 =	sadd.s32 s6, s3;
	v2 =	vimm.s32 $0x3380;
	v0 =	vsel vm0, $0x3180, v0;
	v1 =	vsel vm4, $0x3080, v1  }
0x63: {  	[tilespmem:s28], [sflag:$0x3] =	stream.linear.gather [hbm4b:s6+s2], $0x200, $0x38;
	v33 =	vsel vm1, $0x3200, v0;
	v0 =	vsel vm3, $0x3100, v1;
	v1 =	vsel vm14, $0x2000, v2;
	[tilespmem:$0xA800] =	vst v63  }
0x64: {  	v50 =	vadd.s32 $0x16, v40;
	_ =	swait.ge [sflag:s29], $0x2400;
	v0 =	vsel vm2, $0x3180, v0;
	v1 =	vsel vm13, $0x2080, v1  }
0x65: {  	[sflag:s29] =	ssyncset.done $0x0;
	v2 =	vimm.s32 $0x4000;
	v0 =	vsel vm0, $0x3200, v0;
	v1 =	vsel vm12, $0x2100, v1  }
0x66: {  	s30 =	simm.s32 $0x3;
	[sflag:s29] =	ssyncadd.s32 $0xFFFFDC00;
	v35 =	vsel vm1, $0x3280, v0;
	v0 =	vsel vm11, $0x2180, v1;
	v1 =	vsel vm14, $0x2080, v2  }
0x67: {  	v4 =	vand.u32 $0x7F, v4;
	_ =	swait.ge [sflag:s30], $0x200;
	v0 =	vsel vm10, $0x2200, v0;
	v1 =	vsel vm13, $0x2100, v1  }
0x68: {  	[sflag:s30] =	ssyncset.done $0x0;
	v2 =	vimm.s32 $0x4080;
	v0 =	vsel vm9, $0x2280, v0;
	v1 =	vsel vm12, $0x2180, v1  }
0x69: {  	s31 =	simm.s32 $0x1;
	[sflag:s30] =	ssyncadd.s32 $0xFFFFFE00;
	v2 =	vsel vm14, $0x2100, v2;
	v0 =	vsel vm8, $0x2300, v0;
	v1 =	vsel vm11, $0x2200, v1  }
0x6a: {  	_ =	swait.ge [sflag:s31], $0x8000;
	v2 =	vsel vm13, $0x2180, v2;
	v0 =	vsel vm7, $0x2380, v0;
	v1 =	vsel vm10, $0x2280, v1  }
0x6b: {  	[sflag:s31] =	ssyncset.done $0x0;
	v2 =	vsel vm12, $0x2200, v2;
	v0 =	vsel vm6, $0x3000, v0;
	v1 =	vsel vm9, $0x2300, v1  }
0x6c: {  	[sflag:s31] =	ssyncadd.s32 $0xFFFF8000;
	v2 =	vsel vm11, $0x2280, v2;
	v0 =	vsel vm5, $0x3080, v0;
	v1 =	vsel vm8, $0x2380, v1  }
0x6d: {  	v3 =	vld [tilespmem:s28+$0x0];
	v2 =	vsel vm10, $0x2300, v2;
	v0 =	vsel vm4, $0x3100, v0;
	v1 =	vsel vm7, $0x3000, v1  }
0x6e: {  	v2 =	vsel vm9, $0x2380, v2;
	v0 =	vsel vm3, $0x3180, v0;
	v1 =	vsel vm6, $0x3080, v1  }
0x6f: {  	v2 =	vsel vm8, $0x3000, v2;
	v0 =	vsel vm2, $0x3200, v0;
	v1 =	vsel vm5, $0x3100, v1  }
0x70: {  	v2 =	vsel vm7, $0x3080, v2;
	v0 =	vsel vm0, $0x3280, v0;
	v1 =	vsel vm4, $0x3180, v1  }
0x71: {  	v36 =	vsel vm1, $0x3300, v0;
	v0 =	vsel vm3, $0x3200, v1;
	v1 =	vsel vm6, $0x3100, v2  }
0x72: {  	v52 =	vshll.u32 v3, $0x7;
	v0 =	vsel vm2, $0x3280, v0;
	v1 =	vsel vm5, $0x3180, v1  }
0x73: {  	v2 =	vimm.s32 $0x4100;
	v0 =	vsel vm0, $0x3300, v0;
	v1 =	vsel vm4, $0x3200, v1  }
0x74: {  	v38 =	vsel vm1, $0x3380, v0;
	v0 =	vsel vm3, $0x3280, v1;
	v1 =	vsel vm14, $0x2180, v2  }
0x75: {  	v3 =	vadd.s32 $0x2000, v3;
	v0 =	vsel vm2, $0x3300, v0;
	v1 =	vsel vm13, $0x2200, v1  }
0x76: {  	v2 =	vimm.s32 $0x4180;
	v0 =	vsel vm0, $0x3380, v0;
	v1 =	vsel vm12, $0x2280, v1  }
0x77: {  	v41 =	vsel vm1, $0x4000, v0;
	v0 =	vsel vm11, $0x2300, v1;
	v1 =	vsel vm14, $0x2200, v2  }
0x78: {  	v54 =	vor.u32 v40, v52;
	v0 =	vsel vm10, $0x2380, v0;
	v1 =	vsel vm13, $0x2280, v1  }
0x79: {  	[tilespmem:$0x1FB20] =	vst v6;
	v6 =	vor.u32 v6, v52;
	v0 =	vsel vm9, $0x3000, v0;
	v1 =	vsel vm12, $0x2300, v1  }
0x7a: {  	v2 =	vimm.s32 $0x4200;
	v0 =	vsel vm8, $0x3080, v0;
	v1 =	vsel vm11, $0x2380, v1  }
0x7b: {  	v2 =	vsel vm14, $0x2280, v2;
	v0 =	vsel vm7, $0x3100, v0;
	v1 =	vsel vm10, $0x3000, v1  }
0x7c: {  	v2 =	vsel vm13, $0x2300, v2;
	v0 =	vsel vm6, $0x3180, v0;
	v1 =	vsel vm9, $0x3080, v1  }
0x7d: {  	v2 =	vsel vm12, $0x2380, v2;
	v0 =	vsel vm5, $0x3200, v0;
	v1 =	vsel vm8, $0x3100, v1  }
0x7e: {  	v2 =	vsel vm11, $0x3000, v2;
	v0 =	vsel vm4, $0x3280, v0;
	v1 =	vsel vm7, $0x3180, v1  }
0x7f: {  	v2 =	vsel vm10, $0x3080, v2;
	v0 =	vsel vm3, $0x3300, v0;
	v1 =	vsel vm6, $0x3200, v1  }
0x80: {  	v2 =	vsel vm9, $0x3100, v2;
	v0 =	vsel vm2, $0x3380, v0;
	v1 =	vsel vm5, $0x3280, v1  }
0x81: {  	v2 =	vsel vm8, $0x3180, v2;
	v0 =	vsel vm0, $0x4000, v0;
	v1 =	vsel vm4, $0x3300, v1  }
0x82: {  	v2 =	vsel vm7, $0x3200, v2;
	v43 =	vsel vm1, $0x4080, v0;
	v0 =	vsel vm3, $0x3380, v1  }
0x83: {  	v56 =	vor.u32 v9, v52;
	v1 =	vsel vm6, $0x3280, v2;
	v0 =	vsel vm2, $0x4000, v0  }
0x84: {  	v58 =	vor.u32 v11, v52;
	v1 =	vsel vm5, $0x3300, v1;
	v0 =	vsel vm0, $0x4080, v0  }
0x85: {  	v2 =	vimm.s32 $0x4280;
	v1 =	vsel vm4, $0x3380, v1;
	v45 =	vsel vm1, $0x4100, v0  }
0x86: {  	v0 =	vsel vm3, $0x4000, v1;
	v1 =	vsel vm14, $0x2300, v2;
	v2 =	vmov s2  }
0x87: {  	[tilespmem:$0x1FB60] =	vst v11;
	v61 =	vor.u32 v13, v52;
	v11 =	vsel vm14, $0x3000, v60;
	v2 =	vshll.u32 v2, $0x3  }
0x88: {  	v63 =	vor.u32 v51, v52;
	v1 =	vsel vm13, $0x2380, v1;
	v2 =	vand.u32 $0xC00, v2  }
0x89: {  	[tilespmem:$0x1FBC0] =	vst v16;
	v16 =	vor.u32 v16, v52;
	v1 =	vsel vm12, $0x3000, v1;
	v15 =	vor.u32 v2, v4  }
0x8a: {  	v0 =	vsel vm2, $0x4080, v0;
	v1 =	vsel vm11, $0x3080, v1;
	v2 =	vor.u32 v5, v15  }
0x8b: {  	v60 =	vor.u32 v20, v52;
	v0 =	vsel vm0, $0x4100, v0;
	v1 =	vsel vm10, $0x3100, v1  }
0x8c: {  	[tilespmem:$0x1FD20] =	vst v39;
	v3 =	vld.idx.msk [tilespmem:v3+s4+$0x0], $0xffff;
	v48 =	vsel vm1, $0x4180, v0;
	v0 =	vsel vm9, $0x3180, v1;
	v1 =	vor.u32 v7, v15  }
0x8d: {  	[tilespmem:$0x1FD40] =	vst v42;
	v39 =	vor.u32 v39, v52;
	v42 =	vor.u32 v42, v52;
	v6 =	vld.idx.msk [tilespmem:v6+s4+$0x0], $0xffff;
	v0 =	vsel vm8, $0x3200, v0  }
0x8e: {  	[tilespmem:$0x1FB10] =	vst v5;
	v11 =	vsel vm13, $0x3080, v11;
	v55 =	vor.u32 v8, v15;
	v5 =	vld.idx.msk [tilespmem:v54+s4+$0x0], $0xffff;
	v0 =	vsel vm7, $0x3280, v0  }
0x8f: {  	[tilespmem:$0x1FBA0] =	vst v51;
	v4 =	vsel vm14, $0x2380, v53;
	v57 =	vor.u32 v10, v15;
	v0 =	vsel vm6, $0x3300, v0;
	v2 =	vld.idx.msk [tilespmem:v2+s2+$0x0], $0xffff  }
0x90: {  	v51 =	vsel vm12, $0x3100, v11;
	[tilespmem:$0x1FB30] =	vst v8;
	v4 =	vsel vm13, $0x3000, v4;
	v8 =	vld.idx.msk [tilespmem:v56+s4+$0x0], $0xffff;
	v0 =	vsel vm5, $0x3380, v0  }
0x91: {  	v59 =	vor.u32 v12, v15;
	v62 =	vor.u32 v14, v15;
	v0 =	vsel vm4, $0x4000, v0;
	v1 =	vld.idx.msk [tilespmem:v1+s2+$0x0], $0xffff  }
0x92: {  	[tilespmem:$0x1FB00] =	vst v7;
	v53 =	vor.u32 v17, v15;
	v54 =	vld.idx.msk [tilespmem:v61+s4+$0x0], $0xffff;
	v4 =	vsel vm12, $0x3080, v4;
	v0 =	vsel vm3, $0x4080, v0  }
0x93: {  	[tilespmem:$0x1FBB0] =	vst v17;
	v17 =	vor.u32 v22, v52;
	v4 =	vsel vm11, $0x3100, v4;
	v7 =	vld.idx.msk [tilespmem:v55+s2+$0x0], $0xffff;
	v0 =	vsel vm2, $0x4100, v0  }
0x94: {  	[tilespmem:$0x1FB40] =	vst v9;
	v4 =	vsel vm10, $0x3180, v4;
	v9 =	vld.idx.msk [tilespmem:v57+s2+$0x0], $0xffff;
	v0 =	vsel vm0, $0x4180, v0;
	v2 =	vmul.f32 v5, v2  }
0x95: {  	v57 =	vor.u32 v18, v52;
	v49 =	vsel vm1, $0x4200, v0;
	v0 =	vsel vm9, $0x3200, v4;
	v4 =	vld.idx.msk [tilespmem:v58+s4+$0x0], $0xffff  }
0x96: {  	v61 =	vld.idx.msk [tilespmem:v16+s4+$0x0], $0xffff;
	v0 =	vsel vm8, $0x3280, v0;
	v1 =	vmul.f32 v6, v1;
	v2 =	vadd.f32 v2, v3  }
0x97: {  	[tilespmem:$0x1FB50] =	vst v10;
	v10 =	vld.idx.msk [tilespmem:v59+s2+$0x0], $0xffff;
	v55 =	vor.u32 v19, v15;
	v59 =	vor.u32 v21, v15;
	v0 =	vsel vm7, $0x3300, v0  }
0x98: {  	v56 =	vld.idx.msk [tilespmem:v62+s2+$0x0], $0xffff;
	v3 =	vsel vm11, $0x3180, v51;
	v1 =	vadd.f32 v1, v2;
	v2 =	vmul.f32 v8, v7  }
0x99: {  	v62 =	vor.u32 v23, v15;
	v58 =	vld.idx.msk [tilespmem:v63+s4+$0x0], $0xffff;
	v0 =	vsel vm6, $0x3380, v0;
	v3 =	vsel vm10, $0x3200, v3  }
0x9a: {  	v11 =	vld.idx.msk [tilespmem:v53+s2+$0x0], $0xffff;
	v0 =	vsel vm5, $0x4000, v0;
	v1 =	vadd.f32 v2, v1;
	v2 =	vmul.f32 v4, v9  }
0x9b: {  	v53 =	vor.u32 v24, v52;
	v63 =	vld.idx.msk [tilespmem:v57+s4+$0x0], $0xffff;
	v3 =	vsel vm9, $0x3280, v3;
	v0 =	vsel vm4, $0x4080, v0  }
0x9c: {  	v6 =	vld.idx.msk [tilespmem:v55+s2+$0x0], $0xffff;
	v0 =	vsel vm3, $0x4100, v0;
	v1 =	vadd.f32 v2, v1;
	v2 =	vmul.f32 v54, v10  }
0x9d: {  	[tilespmem:$0x1FB80] =	vst v13;
	v51 =	vor.u32 v25, v15;
	v3 =	vsel vm8, $0x3300, v3;
	v0 =	vsel vm2, $0x4180, v0  }
0x9e: {  	[tilespmem:$0x1FCC0] =	vst v32;
	v8 =	vld.idx.msk [tilespmem:v59+s2+$0x0], $0xffff;
	v0 =	vsel vm0, $0x4200, v0;
	v1 =	vadd.f32 v2, v1;
	v2 =	vmul.f32 v58, v56  }
0x9f: {  	[tilespmem:$0x1FCB0] =	vst v33;
	v55 =	vor.u32 v26, v52;
	v16 =	vsel vm1, $0x4280, v0;
	v0 =	vsel vm7, $0x3380, v3;
	v3 =	vld.idx.msk [tilespmem:v60+s4+$0x0], $0xffff  }
0xa0: {  	v57 =	vld.idx.msk [tilespmem:v17+s4+$0x0], $0xffff;
	v54 =	vor.u32 v27, v15;
	v1 =	vadd.f32 v2, v1;
	v2 =	vmul.f32 v61, v11  }
0xa1: {  	v9 =	vld.idx.msk [tilespmem:v62+s2+$0x0], $0xffff;
	v5 =	vmul.f32 v63, v6;
	v63 =	vor.u32 v33, v15;
	v58 =	vor.u32 v29, v15  }
0xa2: {  	v59 =	vld.idx.msk [tilespmem:v53+s4+$0x0], $0xffff;
	v33 =	vor.u32 v34, v52;
	v1 =	vadd.f32 v2, v1;
	v2 =	vor.u32 v28, v52  }
0xa3: {  	[tilespmem:$0x1FCE0] =	vst v34;
	v10 =	vld.idx.msk [tilespmem:v51+s2+$0x0], $0xffff;
	v60 =	vor.u32 v31, v15;
	v0 =	vsel vm6, $0x4000, v0;
	v56 =	vimm.s32 $0x5000  }
0xa4: {  	v62 =	vld.idx.msk [tilespmem:v55+s4+$0x0], $0xffff;
	v61 =	vor.u32 v30, v52;
	v3 =	vmul.f32 v3, v8;
	v1 =	vadd.f32 v5, v1  }
0xa5: {  	[tilespmem:$0x1FB90] =	vst v14;
	v34 =	vor.u32 v36, v15;
	v0 =	vsel vm5, $0x4080, v0;
	v4 =	vsel vm14, $0x3080, v56;
	v7 =	vld.idx.msk [tilespmem:v54+s2+$0x0], $0xffff  }
0xa6: {  	v9 =	vmul.f32 v57, v9;
	v14 =	vld.idx.msk [tilespmem:v58+s2+$0x0], $0xffff;
	v1 =	vadd.f32 v3, v1;
	v3 =	vor.u32 v32, v52  }
0xa7: {  	[tilespmem:$0x1FCF0] =	vst v36;
	v36 =	vor.u32 v37, v52;
	v0 =	vsel vm4, $0x4100, v0;
	v4 =	vsel vm13, $0x3100, v4;
	v2 =	vld.idx.msk [tilespmem:v2+s4+$0x0], $0xffff  }
0xa8: {  	[tilespmem:$0x1FCD0] =	vst v35;
	v0 =	vsel vm3, $0x4180, v0;
	v6 =	vmul.f32 v59, v10;
	v13 =	vld.idx.msk [tilespmem:v60+s2+$0x0], $0xffff;
	v1 =	vadd.f32 v9, v1  }
0xa9: {  	[tilespmem:$0x1FD30] =	vst v41;
	v41 =	vor.u32 v41, v15;
	v4 =	vsel vm12, $0x3180, v4;
	v0 =	vsel vm2, $0x4200, v0;
	v5 =	vld.idx.msk [tilespmem:v61+s4+$0x0], $0xffff  }
0xaa: {  	v32 =	vor.u32 v35, v15;
	v35 =	vld.idx.msk [tilespmem:v63+s2+$0x0], $0xffff;
	v7 =	vmul.f32 v62, v7;
	v1 =	vadd.f32 v6, v1  }
0xab: {  	[tilespmem:$0x1FD50] =	vst v43;
	v43 =	vor.u32 v43, v15;
	v4 =	vsel vm11, $0x3200, v4;
	v0 =	vsel vm0, $0x4280, v0;
	v3 =	vld.idx.msk [tilespmem:v3+s4+$0x0], $0xffff  }
0xac: {  	[tilespmem:$0x1FD00] =	vst v37;
	v4 =	vsel vm10, $0x3280, v4;
	v1 =	vadd.f32 v7, v1;
	v2 =	vmul.f32 v2, v14  }
0xad: {  	[tilespmem:$0x1FD10] =	vst v38;
	v37 =	vor.u32 v38, v15;
	v8 =	vld.idx.msk [tilespmem:v36+s4+$0x0], $0xffff;
	v38 =	vsel vm1, $0x4300, v0;
	v0 =	vsel vm9, $0x3300, v4  }
0xae: {  	v0 =	vsel vm8, $0x3380, v0;
	v9 =	vld.idx.msk [tilespmem:v33+s4+$0x0], $0xffff;
	v5 =	vmul.f32 v5, v13;
	v1 =	vadd.f32 v2, v1  }
0xaf: {  	v17 =	vadd.s32 $0x17, v40;
	v53 =	vor.u32 v50, v52;
	v0 =	vsel vm7, $0x4000, v0;
	v11 =	vld.idx.msk [tilespmem:v32+s2+$0x0], $0xffff  }
0xb0: {  	v0 =	vsel vm6, $0x4080, v0;
	v6 =	vld.idx.msk [tilespmem:v34+s2+$0x0], $0xffff;
	v1 =	vadd.f32 v5, v1;
	v3 =	vmul.f32 v3, v35  }
0xb1: {  	v51 =	vor.u32 v49, v15;
	v55 =	vor.u32 v16, v15;
	v4 =	vld.idx.msk [tilespmem:v39+s4+$0x0], $0xffff;
	v0 =	vsel vm5, $0x4100, v0  }
0xb2: {  	v7 =	vld.idx.msk [tilespmem:v37+s2+$0x0], $0xffff;
	v2 =	vimm.s32 $0x5080;
	v1 =	vadd.f32 v3, v1;
	v3 =	vor.u32 v44, v52  }
0xb3: {  	v54 =	vadd.s32 $0x18, v40;
	v0 =	vsel vm4, $0x4180, v0;
	v2 =	vsel vm14, $0x3100, v2  }
0xb4: {  	[tilespmem:$0x1FB70] =	vst v12;
	v12 =	vld.idx.msk [tilespmem:v41+s2+$0x0], $0xffff;
	v0 =	vsel vm3, $0x4200, v0;
	v2 =	vsel vm13, $0x3180, v2;
	v9 =	vmul.f32 v9, v11  }
0xb5: {  	[tilespmem:$0x1FD60] =	vst v44;
	v6 =	vmul.f32 v8, v6;
	v5 =	vld.idx.msk [tilespmem:v42+s4+$0x0], $0xffff;
	v2 =	vsel vm12, $0x3200, v2;
	v44 =	vor.u32 v45, v15  }
0xb6: {  	[tilespmem:$0x1FD70] =	vst v45;
	v10 =	vld.idx.msk [tilespmem:v43+s2+$0x0], $0xffff;
	v2 =	vsel vm11, $0x3280, v2;
	v45 =	vor.u32 v46, v52;
	v1 =	vadd.f32 v9, v1  }
0xb7: {  	[tilespmem:$0x1FD80] =	vst v46;
	v4 =	vmul.f32 v4, v7;
	v46 =	vor.u32 v48, v15;
	v2 =	vsel vm10, $0x3300, v2;
	v3 =	vld.idx.msk [tilespmem:v3+s4+$0x0], $0xffff  }
0xb8: {  	[tilespmem:$0x1FD90] =	vst v48;
	v48 =	vor.u32 v47, v52;
	v2 =	vsel vm9, $0x3380, v2;
	v1 =	vadd.f32 v6, v1  }
0xb9: {  	v59 =	vadd.s32 $0x19, v40;
	v0 =	vsel vm2, $0x4280, v0;
	v7 =	vld.idx.msk [tilespmem:v51+s2+$0x0], $0xffff;
	v2 =	vsel vm8, $0x4000, v2  }
0xba: {  	v5 =	vmul.f32 v5, v12;
	v2 =	vsel vm7, $0x4080, v2;
	v11 =	vld.idx.msk [tilespmem:v44+s2+$0x0], $0xffff;
	v1 =	vadd.f32 v4, v1  }
0xbb: {  	v58 =	vor.u32 v54, v52;
	v0 =	vsel vm0, $0x4300, v0;
	v9 =	vld.idx.msk [tilespmem:v45+s4+$0x0], $0xffff;
	v2 =	vsel vm6, $0x4100, v2  }
0xbc: {  	v8 =	vld.idx.msk [tilespmem:v46+s2+$0x0], $0xffff;
	v2 =	vsel vm5, $0x4180, v2;
	v1 =	vadd.f32 v5, v1;
	v3 =	vmul.f32 v3, v10  }
0xbd: {  	v56 =	vsel vm1, $0x4380, v0;
	v6 =	vld.idx.msk [tilespmem:v48+s4+$0x0], $0xffff;
	v0 =	vsel vm4, $0x4200, v2;
	v2 =	vor.u32 v17, v52  }
0xbe: {  	v57 =	vor.u32 v38, v15;
	v4 =	vld.idx.msk [tilespmem:v53+s4+$0x0], $0xffff;
	v1 =	vadd.f32 v3, v1;
	v3 =	vimm.s32 $0x5100  }
0xbf: {  	v62 =	vor.u32 v59, v52;
	v12 =	vadd.s32 $0x1A, v40;
	v3 =	vsel vm14, $0x3180, v3  }
0xc0: {  	v14 =	vor.u32 v12, v52;
	v0 =	vsel vm3, $0x4280, v0;
	v3 =	vsel vm13, $0x3200, v3  }
0xc1: {  	v5 =	vld.idx.msk [tilespmem:v55+s2+$0x0], $0xffff;
	v0 =	vsel vm2, $0x4300, v0;
	v9 =	vmul.f32 v9, v11;
	v3 =	vsel vm12, $0x3280, v3  }
0xc2: {  	v6 =	vmul.f32 v6, v8;
	v0 =	vsel vm0, $0x4380, v0;
	v2 =	vld.idx.msk [tilespmem:v2+s4+$0x0], $0xffff;
	v3 =	vsel vm11, $0x3300, v3  }
0xc3: {  	v4 =	vmul.f32 v4, v7;
	v1 =	vadd.f32 v9, v1;
	v3 =	vsel vm10, $0x3380, v3  }
0xc4: {  	v63 =	vld.idx.msk [tilespmem:v58+s4+$0x0], $0xffff;
	v60 =	vsel vm1, $0x5000, v0;
	v0 =	vsel vm9, $0x4000, v3;
	v3 =	vor.u32 v56, v15  }
0xc5: {  	v61 =	vld.idx.msk [tilespmem:v57+s2+$0x0], $0xffff;
	v13 =	vor.u32 v60, v15;
	v1 =	vadd.f32 v6, v1;
	v0 =	vsel vm8, $0x4080, v0  }
0xc6: {  	v0 =	vsel vm7, $0x4100, v0  }
0xc7: {  	v7 =	vld.idx.msk [tilespmem:v62+s4+$0x0], $0xffff;
	v2 =	vmul.f32 v2, v5;
	v1 =	vadd.f32 v4, v1;
	v0 =	vsel vm6, $0x4180, v0  }
0xc8: {  	[tilespmem:$0x1FDC0] =	vst v50;
	v50 =	vadd.s32 $0x1F, v40;
	v34 =	vadd.s32 $0x1B, v40;
	v5 =	vld.idx.msk [tilespmem:v14+s4+$0x0], $0xffff;
	v0 =	vsel vm5, $0x4200, v0  }
0xc9: {  	v32 =	vimm.s32 $0x5180;
	v1 =	vadd.f32 v2, v1;
	v0 =	vsel vm4, $0x4280, v0;
	v2 =	vld.idx.msk [tilespmem:v3+s2+$0x0], $0xffff  }
0xca: {  	v6 =	vsel vm14, $0x3200, v32;
	v4 =	vld.idx.msk [tilespmem:v13+s2+$0x0], $0xffff;
	v3 =	vmul.f32 v63, v61;
	v0 =	vsel vm3, $0x4300, v0  }
0xcb: {  	v35 =	vor.u32 v34, v52;
	v6 =	vsel vm13, $0x3280, v6;
	v0 =	vsel vm2, $0x4380, v0  }
0xcc: {  	v1 =	vadd.f32 v3, v1;
	v3 =	vimm.s32 $0x5200;
	v0 =	vsel vm0, $0x5000, v0  }
0xcd: {  	v6 =	vsel vm12, $0x3300, v6;
	v3 =	vsel vm14, $0x3280, v3;
	v33 =	vsel vm1, $0x5080, v0  }
0xce: {  	v0 =	vsel vm11, $0x3380, v6;
	v3 =	vsel vm13, $0x3300, v3;
	v2 =	vmul.f32 v7, v2  }
0xcf: {  	v4 =	vmul.f32 v5, v4;
	v0 =	vsel vm10, $0x4000, v0;
	v3 =	vsel vm12, $0x3380, v3  }
0xd0: {  	v0 =	vsel vm9, $0x4080, v0;
	v3 =	vsel vm11, $0x4000, v3;
	v1 =	vadd.f32 v2, v1  }
0xd1: {  	v2 =	vor.u32 v33, v15;
	v0 =	vsel vm8, $0x4100, v0;
	v3 =	vsel vm10, $0x4080, v3  }
0xd2: {  	v36 =	vimm.s32 $0x5280;
	v3 =	vsel vm9, $0x4100, v3;
	v0 =	vsel vm7, $0x4180, v0  }
0xd3: {  	v1 =	vadd.f32 v4, v1;
	v3 =	vsel vm8, $0x4180, v3;
	v4 =	vsel vm14, $0x3300, v36  }
0xd4: {  	v0 =	vsel vm6, $0x4200, v0;
	v3 =	vsel vm7, $0x4200, v3;
	v4 =	vsel vm13, $0x3380, v4  }
0xd5: {  	v5 =	vld.idx.msk [tilespmem:v35+s4+$0x0], $0xffff;
	v0 =	vsel vm5, $0x4280, v0;
	v3 =	vsel vm6, $0x4280, v3;
	v4 =	vsel vm12, $0x4000, v4  }
0xd6: {  	v0 =	vsel vm4, $0x4300, v0;
	v2 =	vld.idx.msk [tilespmem:v2+s2+$0x0], $0xffff;
	v3 =	vsel vm5, $0x4300, v3;
	v4 =	vsel vm11, $0x4080, v4  }
0xd7: {  	v0 =	vsel vm3, $0x4380, v0;
	v3 =	vsel vm4, $0x4380, v3;
	v4 =	vsel vm10, $0x4100, v4  }
0xd8: {  	v0 =	vsel vm2, $0x5000, v0;
	v3 =	vsel vm3, $0x5000, v3;
	v4 =	vsel vm9, $0x4180, v4  }
0xd9: {  	v0 =	vsel vm0, $0x5080, v0;
	v3 =	vsel vm2, $0x5080, v3;
	v4 =	vsel vm8, $0x4200, v4  }
0xda: {  	v37 =	vsel vm1, $0x5100, v0;
	v0 =	vsel vm0, $0x5100, v3;
	v3 =	vsel vm7, $0x4280, v4  }
0xdb: {  	[tilespmem:$0x1FDF0] =	vst v38;
	v38 =	vimm.s32 $0x5300;
	v3 =	vsel vm6, $0x4300, v3;
	v2 =	vmul.f32 v5, v2  }
0xdc: {  	v39 =	vsel vm1, $0x5180, v0;
	v0 =	vsel vm5, $0x4380, v3;
	v3 =	vsel vm14, $0x3380, v38  }
0xdd: {  	v43 =	vadd.s32 $0x1C, v40;
	v3 =	vsel vm13, $0x4000, v3;
	v1 =	vadd.f32 v2, v1  }
0xde: {  	v2 =	vimm.s32 $0x5380;
	v0 =	vsel vm4, $0x5000, v0;
	v3 =	vsel vm12, $0x4080, v3  }
0xdf: {  	v2 =	vsel vm14, $0x4000, v2;
	v0 =	vsel vm3, $0x5080, v0;
	v3 =	vsel vm11, $0x4100, v3  }
0xe0: {  	v2 =	vsel vm13, $0x4080, v2;
	v0 =	vsel vm2, $0x5100, v0;
	v3 =	vsel vm10, $0x4180, v3  }
0xe1: {  	v2 =	vsel vm12, $0x4100, v2;
	v0 =	vsel vm0, $0x5180, v0;
	v3 =	vsel vm9, $0x4200, v3  }
0xe2: {  	v2 =	vsel vm11, $0x4180, v2;
	v41 =	vsel vm1, $0x5200, v0;
	v0 =	vsel vm8, $0x4280, v3  }
0xe3: {  	v44 =	vor.u32 v37, v15;
	v2 =	vsel vm10, $0x4200, v2;
	v0 =	vsel vm7, $0x4300, v0  }
0xe4: {  	v3 =	vimm.s32 $0x6000;
	v2 =	vsel vm9, $0x4280, v2;
	v0 =	vsel vm6, $0x4380, v0  }
0xe5: {  	v3 =	vsel vm14, $0x4080, v3;
	v2 =	vsel vm8, $0x4300, v2;
	v0 =	vsel vm5, $0x5000, v0  }
0xe6: {  	v3 =	vsel vm13, $0x4100, v3;
	v2 =	vsel vm7, $0x4380, v2;
	v0 =	vsel vm4, $0x5080, v0  }
0xe7: {  	v3 =	vsel vm12, $0x4180, v3;
	v2 =	vsel vm6, $0x5000, v2;
	v0 =	vsel vm3, $0x5100, v0  }
0xe8: {  	v3 =	vsel vm11, $0x4200, v3;
	v2 =	vsel vm5, $0x5080, v2;
	v0 =	vsel vm2, $0x5180, v0  }
0xe9: {  	v3 =	vsel vm10, $0x4280, v3;
	v2 =	vsel vm4, $0x5100, v2;
	v0 =	vsel vm0, $0x5200, v0  }
0xea: {  	v3 =	vsel vm9, $0x4300, v3;
	v2 =	vsel vm3, $0x5180, v2;
	v42 =	vsel vm1, $0x5280, v0  }
0xeb: {  	v0 =	vsel vm2, $0x5200, v2;
	v2 =	vsel vm8, $0x4380, v3;
	v3 =	vimm.s32 $0x6080  }
0xec: {  	v5 =	vor.u32 v43, v52;
	v2 =	vsel vm7, $0x5000, v2;
	v3 =	vsel vm14, $0x4100, v3  }
0xed: {  	v0 =	vsel vm0, $0x5280, v0;
	v2 =	vsel vm6, $0x5080, v2;
	v3 =	vsel vm13, $0x4180, v3  }
0xee: {  	v45 =	vsel vm1, $0x5300, v0;
	v0 =	vsel vm5, $0x5100, v2;
	v2 =	vsel vm12, $0x4200, v3  }
0xef: {  	v46 =	vadd.s32 $0x1D, v40;
	v3 =	vor.u32 v39, v15;
	v2 =	vsel vm11, $0x4280, v2  }
0xf0: {  	[tilespmem:$0x1FDA0] =	vst v47;
	v47 =	vadd.s32 $0x1E, v40;
	v6 =	vor.u32 v46, v52;
	v2 =	vsel vm10, $0x4300, v2  }
0xf1: {  	[tilespmem:$0x1FDB0] =	vst v49;
	v49 =	vor.u32 v47, v52;
	v4 =	vld.idx.msk [tilespmem:v44+s2+$0x0], $0xffff;
	v48 =	vor.u32 v41, v15;
	v2 =	vsel vm9, $0x4380, v2  }
0xf2: {  	v55 =	vadd.s32 $0x21, v40;
	v11 =	vor.u32 v50, v52;
	v5 =	vld.idx.msk [tilespmem:v5+s4+$0x0], $0xffff;
	v2 =	vsel vm8, $0x5000, v2  }
0xf3: {  	v9 =	vor.u32 v42, v15;
	v0 =	vsel vm4, $0x5180, v0;
	v2 =	vsel vm7, $0x5080, v2  }
0xf4: {  	v0 =	vsel vm3, $0x5200, v0;
	v51 =	vld.idx.msk [tilespmem:v3+s2+$0x0], $0xffff;
	v3 =	vor.u32 $0x20, v40;
	v2 =	vsel vm6, $0x5100, v2  }
0xf5: {  	[tilespmem:$0x1FE00] =	vst v54;
	v6 =	vld.idx.msk [tilespmem:v6+s4+$0x0], $0xffff;
	v0 =	vsel vm2, $0x5280, v0;
	v53 =	vor.u32 v3, v52;
	v2 =	vsel vm5, $0x5180, v2  }
0xf6: {  	[tilespmem:$0x1FE40] =	vst v12;
	v7 =	vld.idx.msk [tilespmem:v48+s2+$0x0], $0xffff;
	v12 =	vor.u32 v45, v15;
	v0 =	vsel vm0, $0x5300, v0;
	v2 =	vsel vm4, $0x5200, v2  }
0xf7: {  	v4 =	vmul.f32 v5, v4;
	[tilespmem:$0x1FF00] =	vst v3;
	v3 =	vsel vm1, $0x5380, v0;
	v0 =	vsel vm3, $0x5280, v2;
	v2 =	vld.idx.msk [tilespmem:v49+s4+$0x0], $0xffff  }
0xf8: {  	[tilespmem:$0x1FE20] =	vst v59;
	v57 =	vor.u32 v55, v52;
	v11 =	vld.idx.msk [tilespmem:v11+s4+$0x0], $0xffff  }
0xf9: {  	[tilespmem:$0x1FE10] =	vst v56;
	v1 =	vadd.f32 v4, v1;
	v54 =	vld.idx.msk [tilespmem:v9+s2+$0x0], $0xffff;
	v56 =	vor.u32 v3, v15;
	v0 =	vsel vm2, $0x5300, v0  }
0xfa: {  	[tilespmem:$0x1FF10] =	vst v3;
	v3 =	vadd.s32 $0x22, v40;
	v6 =	vmul.f32 v6, v51;
	v0 =	vsel vm0, $0x5380, v0;
	v59 =	vld.idx.msk [tilespmem:v53+s4+$0x0], $0xffff  }
0xfb: {  	v61 =	vor.u32 v3, v52;
	v58 =	vsel vm1, $0x6000, v0;
	v0 =	vld.idx.msk [tilespmem:v12+s2+$0x0], $0xffff  }
0xfc: {  	[tilespmem:$0x1FE30] =	vst v60;
	v1 =	vadd.f32 v6, v1;
	v60 =	vor.u32 v58, v15;
	v2 =	vmul.f32 v2, v7;
	_ =	sdelay $0x1  }
0xfd: {  	v63 =	vld.idx.msk [tilespmem:v57+s4+$0x0], $0xffff;
	v1 =	vadd.f32 v2, v1;
	v2 =	vmul.f32 v11, v54  }
0xfe: {  	vm15 =	vcmask $0x1F10;
	[tilespmem:$0x1FF20] =	vst v55;
	v55 =	vadd.s32 $0x26, v40;
	v62 =	vld.idx.msk [tilespmem:v56+s2+$0x0], $0xffff  }
0xff: {  	v13 =	vimm.s32 $0x6180;
	v6 =	vld.idx.msk [tilespmem:v61+s4+$0x0], $0xffff;
	v0 =	vmul.f32 v59, v0;
	v1 =	vadd.f32 v2, v1  }
0x100: {  	[tilespmem:$0x1FC10] =	vst v23;
	v23 =	vor.u32 v55, v52;
	v8 =	vsel vm14, $0x4200, v13;
	v12 =	vimm.s32 $0x6100;
	v2 =	vld.idx.msk [tilespmem:v60+s2+$0x0], $0xffff  }
0x101: {  	v14 =	vsel vm13, $0x4280, v8;
	v0 =	vadd.f32 v0, v1;
	v1 =	vsel vm14, $0x4180, v12  }
0x102: {  	v32 =	vsel vm12, $0x4300, v14;
	v35 =	vimm.s32 $0x6280;
	v1 =	vsel vm13, $0x4200, v1  }
0x103: {  	[tilespmem:$0x1FE70] =	vst v37;
	v37 =	vimm.s32 $0x6300;
	v7 =	vmul.f32 v63, v62;
	v1 =	vsel vm12, $0x4280, v1  }
0x104: {  	[tilespmem:$0x1FE50] =	vst v33;
	v33 =	vimm.s32 $0x6200;
	v8 =	vsel vm14, $0x4380, v37;
	v1 =	vsel vm11, $0x4300, v1  }
0x105: {  	v0 =	vadd.f32 v7, v0;
	v2 =	vmul.f32 v6, v2;
	v1 =	vsel vm10, $0x4380, v1  }
0x106: {  	v8 =	vsel vm13, $0x5000, v8;
	v6 =	vsel vm11, $0x4380, v32;
	v1 =	vsel vm9, $0x5000, v1  }
0x107: {  	v0 =	vadd.f32 v2, v0;
	v2 =	vsel vm10, $0x5000, v6;
	v1 =	vsel vm8, $0x5080, v1  }
0x108: {  	v8 =	vsel vm12, $0x5080, v8;
	v2 =	vsel vm9, $0x5080, v2;
	v1 =	vsel vm7, $0x5100, v1  }
0x109: {  	v6 =	vsel vm14, $0x4280, v33;
	v2 =	vsel vm8, $0x5100, v2;
	v1 =	vsel vm6, $0x5180, v1  }
0x10a: {  	v6 =	vsel vm13, $0x4300, v6;
	v2 =	vsel vm7, $0x5180, v2;
	v1 =	vsel vm5, $0x5200, v1  }
0x10b: {  	v6 =	vsel vm12, $0x4380, v6;
	v2 =	vsel vm6, $0x5200, v2;
	v1 =	vsel vm4, $0x5280, v1  }
0x10c: {  	v6 =	vsel vm11, $0x5000, v6;
	v2 =	vsel vm5, $0x5280, v2;
	v1 =	vsel vm3, $0x5300, v1  }
0x10d: {  	v6 =	vsel vm10, $0x5080, v6;
	v2 =	vsel vm4, $0x5300, v2;
	v1 =	vsel vm2, $0x5380, v1  }
0x10e: {  	[tilespmem:$0x1FE60] =	vst v34;
	v34 =	vsel vm9, $0x5100, v6;
	v2 =	vsel vm3, $0x5380, v2;
	v1 =	vsel vm0, $0x6000, v1  }
0x10f: {  	[tilespmem:$0x1FF40] =	vst v3;
	v3 =	vsel vm1, $0x6080, v1;
	v1 =	vsel vm2, $0x6000, v2;
	v2 =	vsel vm8, $0x5180, v34  }
0x110: {  	v38 =	vsel vm11, $0x5100, v8;
	v1 =	vsel vm0, $0x6080, v1;
	v2 =	vsel vm7, $0x5200, v2  }
0x111: {  	v36 =	vsel vm1, $0x6100, v1;
	v1 =	vsel vm6, $0x5280, v2;
	v2 =	vsel vm14, $0x4300, v35  }
0x112: {  	v44 =	vimm.s32 $0x7000;
	v1 =	vsel vm5, $0x5300, v1;
	v2 =	vsel vm13, $0x4380, v2  }
0x113: {  	v10 =	vsel vm14, $0x5080, v44;
	v1 =	vsel vm4, $0x5380, v1;
	v2 =	vsel vm12, $0x5000, v2  }
0x114: {  	[tilespmem:$0x1FEC0] =	vst v47;
	v47 =	vsel vm13, $0x5100, v10;
	v1 =	vsel vm3, $0x6000, v1;
	v2 =	vsel vm11, $0x5080, v2  }
0x115: {  	[tilespmem:$0x1FEB0] =	vst v41;
	v41 =	vimm.s32 $0x6380;
	v1 =	vsel vm2, $0x6080, v1;
	v2 =	vsel vm10, $0x5100, v2  }
0x116: {  	[tilespmem:$0x1FEF0] =	vst v45;
	v45 =	vadd.s32 $0x23, v40;
	v1 =	vsel vm0, $0x6100, v1;
	v2 =	vsel vm9, $0x5180, v2  }
0x117: {  	[tilespmem:$0x1FE90] =	vst v39;
	v39 =	vsel vm1, $0x6180, v1;
	v1 =	vsel vm8, $0x5200, v2;
	v2 =	vsel vm10, $0x5180, v38  }
0x118: {  	v48 =	vor.u32 v45, v52;
	v1 =	vsel vm7, $0x5280, v1;
	v2 =	vsel vm9, $0x5200, v2  }
0x119: {  	v9 =	vsel vm14, $0x5000, v41;
	v1 =	vsel vm6, $0x5300, v1;
	v2 =	vsel vm8, $0x5280, v2  }
0x11a: {  	v9 =	vsel vm13, $0x5080, v9;
	v1 =	vsel vm5, $0x5380, v1;
	v2 =	vsel vm7, $0x5300, v2  }
0x11b: {  	[tilespmem:$0x1FC00] =	vst v20;
	v9 =	vsel vm12, $0x5100, v9;
	v1 =	vsel vm4, $0x6000, v1;
	v2 =	vsel vm6, $0x5380, v2  }
0x11c: {  	[tilespmem:$0x1FC20] =	vst v22;
	v9 =	vsel vm11, $0x5180, v9;
	v1 =	vsel vm3, $0x6080, v1;
	v2 =	vsel vm5, $0x6000, v2  }
0x11d: {  	[tilespmem:$0x1FE80] =	vst v43;
	v9 =	vsel vm10, $0x5200, v9;
	v1 =	vsel vm2, $0x6100, v1;
	v2 =	vsel vm4, $0x6080, v2  }
0x11e: {  	[tilespmem:$0x1FED0] =	vst v42;
	v42 =	vsel vm9, $0x5280, v9;
	v1 =	vsel vm0, $0x6180, v1;
	v2 =	vsel vm3, $0x6100, v2  }
0x11f: {  	[tilespmem:$0x1FEA0] =	vst v46;
	v43 =	vsel vm1, $0x6200, v1;
	v1 =	vsel vm2, $0x6180, v2;
	v2 =	vsel vm8, $0x5300, v42  }
0x120: {  	[tilespmem:$0x1FF50] =	vst v3;
	v46 =	vor.u32 v3, v15;
	v3 =	vadd.s32 $0x24, v40;
	v2 =	vsel vm7, $0x5380, v2  }
0x121: {  	[tilespmem:$0x1FF80] =	vst v3;
	v3 =	vor.u32 v3, v52;
	v1 =	vsel vm0, $0x6200, v1;
	v2 =	vsel vm6, $0x6000, v2  }
0x122: {  	[tilespmem:$0x1FC50] =	vst v27;
	v49 =	vsel vm1, $0x6280, v1;
	v1 =	vsel vm5, $0x6080, v2;
	v2 =	vsel vm12, $0x5180, v47  }
0x123: {  	[tilespmem:$0x1FFC0] =	vst v55;
	v55 =	vimm.s32 $0x34333231;
	v57 =	vadd.s32 $0x28, v40;
	v2 =	vsel vm11, $0x5200, v2  }
0x124: {  	[tilespmem:$0x1FEE0] =	vst v50;
	v27 =	vor.u32 v57, v52;
	v50 =	vor.u32 v36, v15;
	v2 =	vsel vm10, $0x5280, v2  }
0x125: {  	[tilespmem:$0x1FC40] =	vst v24;
	v53 =	vadd.s32 $0x25, v40;
	v54 =	vld.idx.msk [tilespmem:v48+s4+$0x0], $0xffff;
	v5 =	vor.u32 v39, v15;
	v2 =	vsel vm9, $0x5300, v2  }
0x126: {  	[tilespmem:$0x1FDE0] =	vst v17;
	v17 =	vmovc v57;
	v57 =	vunpack.c.0.s8.s32 v55;
	v20 =	vor.u32 v53, v52;
	v51 =	vld.idx.msk [tilespmem:v46+s2+$0x0], $0xffff;
	v2 =	vsel vm8, $0x5380, v2  }
0x127: {  	[tilespmem:$0x1FC60] =	vst v26;
	v24 =	vld.idx.msk [tilespmem:v3+s4+$0x0], $0xffff;
	v3 =	vadd.s32 $0x27, v40;
	v1 =	vsel vm4, $0x6100, v1;
	v2 =	vsel vm7, $0x6000, v2  }
0x128: {  	[tilespmem:$0x1FBF0] =	vst v21;
	v21 =	vor.u32 v43, v15;
	v1 =	vsel vm3, $0x6180, v1;
	v2 =	vsel vm6, $0x6080, v2  }
0x129: {  	v22 =	vld.idx.msk [tilespmem:v50+s2+$0x0], $0xffff;
	[tilespmem:$0x1FFE0] =	vst v3;
	v3 =	vor.u32 v3, v52;
	v1 =	vsel vm2, $0x6200, v1;
	v2 =	vsel vm5, $0x6100, v2  }
0x12a: {  	[tilespmem:$0x1FC30] =	vst v25;
	v26 =	vld.idx.msk [tilespmem:v5+s2+$0x0], $0xffff;
	v25 =	vor.u32 v49, v15;
	v1 =	vsel vm0, $0x6280, v1;
	v2 =	vsel vm4, $0x6180, v2  }
0x12b: {  	v44 =	vimm.s32 $0x80;
	v56 =	vsel vm1, $0x6300, v1;
	v1 =	vsel vm3, $0x6200, v2;
	v2 =	vld.idx.msk [tilespmem:v20+s4+$0x0], $0xffff  }
0x12c: {  	v23 =	vld.idx.msk [tilespmem:v23+s4+$0x0], $0xffff;
	v48 =	vimm.s32 $0x3F3E3D3C;
	v46 =	vimm.s32 $0x3020100;
	v4 =	vmul.f32 v54, v51  }
0x12d: {  	[tilespmem:$0x1FF70] =	vst v36;
	v36 =	vunpack.c.0.s8.s32 v46;
	v20 =	vld.idx.msk [tilespmem:v21+s2+$0x0], $0xffff;
	v21 =	vor.u32 v56, v15;
	v1 =	vsel vm2, $0x6280, v1  }
0x12e: {  	v0 =	vadd.f32 v4, v0;
	v22 =	vmul.f32 v24, v22;
	v24 =	vld.idx.msk [tilespmem:v3+s4+$0x0], $0xffff;
	v1 =	vsel vm0, $0x6300, v1  }
0x12f: {  	[tilespmem:$0x1FF30] =	vst v58;
	v50 =	vimm.s32 $0x3B3A3938;
	v3 =	vadd.s32 $0x29, v40;
	v58 =	vsel vm1, $0x6380, v1;
	v1 =	vld.idx.msk [tilespmem:v25+s2+$0x0], $0xffff  }
0x130: {  	v0 =	vadd.f32 v22, v0;
	v22 =	vor.u32 v3, v52;
	v2 =	vmul.f32 v2, v26  }
0x131: {  	[tilespmem:$0x1FFD0] =	vst v49;
	v49 =	vimm.s32 $0x37363534;
	v25 =	vor.u32 v58, v15;
	v26 =	vimm.s32 $0x7080  }
0x132: {  	v21 =	vld.idx.msk [tilespmem:v21+s2+$0x0], $0xffff;
	v0 =	vadd.f32 v2, v0;
	v2 =	vmul.f32 v23, v20;
	v20 =	vsel vm14, $0x5100, v26  }
0x133: {  	[tilespmem:$0x1FF90] =	vst v39;
	v39 =	vunpack.c.0.s8.s32 v50;
	v51 =	vunpack.c.0.s8.s32 v49;
	v23 =	vld.idx.msk [tilespmem:v27+s4+$0x0], $0xffff;
	v20 =	vsel vm13, $0x5180, v20  }
0x134: {  	v1 =	vmul.f32 v24, v1;
	v0 =	vadd.f32 v2, v0;
	v2 =	vsel vm12, $0x5200, v20  }
0x135: {  	v38 =	vimm.s32 $0x0;
	v22 =	vld.idx.msk [tilespmem:v22+s4+$0x0], $0xffff;
	v54 =	vsel vm15, v39, v51;
	v2 =	vsel vm11, $0x5280, v2  }
0x136: {  	[tilespmem:$0x1FDD0] =	vst v16;
	v16 =	vmovc v56;
	v56 =	vimm.s32 $0x38373635;
	v20 =	vld.idx.msk [tilespmem:v25+s2+$0x0], $0xffff;
	v0 =	vadd.f32 v1, v0;
	v1 =	vsel vm10, $0x5300, v2  }
0x137: {  	[tilespmem:$0x1FBD0] =	vst v19;
	v19 =	vmovc v58;
	v58 =	vunpack.c.0.s8.s32 v56;
	v2 =	vimm.s32 $0x7100;
	v1 =	vsel vm9, $0x5380, v1  }
0x138: {  	v21 =	vmul.f32 v23, v21;
	v2 =	vsel vm14, $0x5180, v2;
	v1 =	vsel vm8, $0x6000, v1  }
0x139: {  	v56 =	vimm.s32 $0x3E3D3C3B;
	v2 =	vsel vm13, $0x5200, v2;
	v1 =	vsel vm7, $0x6080, v1  }
0x13a: {  	v0 =	vadd.f32 v21, v0;
	v2 =	vsel vm12, $0x5280, v2;
	v1 =	vsel vm6, $0x6100, v1  }
0x13b: {  	v20 =	vmul.f32 v22, v20;
	v2 =	vsel vm11, $0x5300, v2;
	v1 =	vsel vm5, $0x6180, v1  }
0x13c: {  	v56 =	vunpack.c.0.s8.s32 v56;
	v2 =	vsel vm10, $0x5380, v2;
	v1 =	vsel vm4, $0x6200, v1  }
0x13d: {  	v0 =	vadd.f32 v20, v0;
	v2 =	vsel vm9, $0x6000, v2;
	v1 =	vsel vm3, $0x6280, v1  }
0x13e: {  	v20 =	vimm.s32 $0x7180;
	v2 =	vsel vm8, $0x6080, v2;
	v1 =	vsel vm2, $0x6300, v1  }
0x13f: {  	v20 =	vsel vm14, $0x5200, v20;
	v2 =	vsel vm7, $0x6100, v2;
	v1 =	vsel vm0, $0x6380, v1  }
0x140: {  	v21 =	vsel vm13, $0x5280, v20;
	v2 =	vsel vm6, $0x6180, v2;
	v20 =	vsel vm1, $0x7000, v1  }
0x141: {  	v1 =	vsel vm5, $0x6200, v2;
	v2 =	vsel vm12, $0x5300, v21;
	v21 =	vimm.s32 $0x7200  }
0x142: {  	v1 =	vsel vm4, $0x6280, v1;
	v2 =	vsel vm11, $0x5380, v2;
	v21 =	vsel vm14, $0x5280, v21  }
0x143: {  	v25 =	vor.u32 v20, v15;
	v1 =	vsel vm3, $0x6300, v1;
	v2 =	vsel vm10, $0x6000, v2  }
0x144: {  	v21 =	vsel vm13, $0x5300, v21;
	v1 =	vsel vm2, $0x6380, v1;
	v2 =	vsel vm9, $0x6080, v2  }
0x145: {  	v22 =	vsel vm12, $0x5380, v21;
	v1 =	vsel vm0, $0x7000, v1;
	v2 =	vsel vm8, $0x6100, v2  }
0x146: {  	v21 =	vsel vm1, $0x7080, v1;
	v1 =	vsel vm7, $0x6180, v2;
	v2 =	vsel vm11, $0x6000, v22  }
0x147: {  	[tilespmem:$0x1FC80] =	vst v28;
	v22 =	vimm.s32 $0x7280;
	v1 =	vsel vm6, $0x6200, v1;
	v2 =	vsel vm10, $0x6080, v2  }
0x148: {  	[tilespmem:$0x1FCA0] =	vst v30;
	v22 =	vsel vm14, $0x5300, v22;
	v28 =	vor.u32 v21, v15;
	v30 =	vld.idx.msk [tilespmem:v25+s2+$0x0], $0xffff;
	v25 =	vadd.s32 $0x2C, v40  }
0x149: {  	v1 =	vsel vm5, $0x6280, v1;
	v2 =	vsel vm9, $0x6100, v2;
	v22 =	vsel vm13, $0x5380, v22  }
0x14a: {  	v60 =	vor.u32 v25, v52;
	v1 =	vsel vm4, $0x6300, v1;
	v2 =	vsel vm8, $0x6180, v2  }
0x14b: {  	v22 =	vsel vm12, $0x6000, v22;
	v1 =	vsel vm3, $0x6380, v1;
	v2 =	vsel vm7, $0x6200, v2  }
0x14c: {  	v22 =	vsel vm11, $0x6080, v22;
	v1 =	vsel vm2, $0x7000, v1;
	v2 =	vsel vm6, $0x6280, v2  }
0x14d: {  	v23 =	vsel vm10, $0x6100, v22;
	v1 =	vsel vm0, $0x7080, v1;
	v2 =	vsel vm5, $0x6300, v2  }
0x14e: {  	v22 =	vsel vm1, $0x7100, v1;
	v1 =	vsel vm4, $0x6380, v2;
	v2 =	vsel vm9, $0x6180, v23  }
0x14f: {  	v23 =	vimm.s32 $0x7300;
	v1 =	vsel vm3, $0x7000, v1;
	v2 =	vsel vm8, $0x6200, v2  }
0x150: {  	v24 =	vsel vm14, $0x5380, v23;
	v23 =	vadd.s32 $0x2A, v40;
	v59 =	vor.u32 v22, v15  }
0x151: {  	v2 =	vsel vm7, $0x6280, v2;
	v24 =	vsel vm13, $0x6000, v24;
	v26 =	vor.u32 v23, v52  }
0x152: {  	v1 =	vsel vm2, $0x7080, v1;
	v2 =	vsel vm6, $0x6300, v2;
	v24 =	vsel vm12, $0x6080, v24  }
0x153: {  	v27 =	vsel vm11, $0x6100, v24;
	v24 =	vadd.s32 $0x2B, v40;
	v2 =	vsel vm5, $0x6380, v2  }
0x154: {  	[tilespmem:$0x1FC70] =	vst v29;
	v27 =	vsel vm10, $0x6180, v27;
	v29 =	vor.u32 v24, v52;
	v2 =	vsel vm4, $0x7000, v2  }
0x155: {  	v1 =	vsel vm0, $0x7100, v1;
	v27 =	vsel vm9, $0x6200, v27;
	v2 =	vsel vm3, $0x7080, v2  }
0x156: {  	[tilespmem:$0x1FC90] =	vst v31;
	v27 =	vsel vm8, $0x6280, v27;
	v31 =	vld.idx.msk [tilespmem:v26+s4+$0x0], $0xffff;
	v26 =	vsel vm1, $0x7180, v1;
	v1 =	vsel vm2, $0x7100, v2  }
0x157: {  	v27 =	vsel vm7, $0x6300, v27;
	v63 =	vor.u32 v26, v15;
	v1 =	vsel vm0, $0x7180, v1  }
0x158: {  	v61 =	vld.idx.msk [tilespmem:v28+s2+$0x0], $0xffff;
	v2 =	vsel vm6, $0x6380, v27;
	v27 =	vadd.s32 $0x2D, v40;
	v28 =	vsel vm1, $0x7200, v1  }
0x159: {  	v2 =	vsel vm5, $0x7000, v2;
	v62 =	vld.idx.msk [tilespmem:v29+s4+$0x0], $0xffff;
	v4 =	vor.u32 v27, v52;
	v29 =	vadd.s32 $0x2E, v40  }
0x15a: {  	v6 =	vor.u32 v28, v15;
	v2 =	vsel vm4, $0x7080, v2;
	v8 =	vor.u32 v29, v52  }
0x15b: {  	v30 =	vmul.f32 v31, v30;
	v1 =	vsel vm3, $0x7100, v2;
	v31 =	vimm.s32 $0x7380  }
0x15c: {  	v2 =	vld.idx.msk [tilespmem:v59+s2+$0x0], $0xffff;
	v59 =	vimm.s32 $0x35343332;
	v1 =	vsel vm2, $0x7180, v1;
	v9 =	vsel vm14, $0x6000, v31  }
0x15d: {  	v5 =	vld.idx.msk [tilespmem:v60+s4+$0x0], $0xffff;
	v31 =	vadd.s32 $0x2F, v40;
	v60 =	vunpack.c.0.s8.s32 v59;
	v0 =	vadd.f32 v30, v0  }
0x15e: {  	v1 =	vsel vm0, $0x7200, v1;
	v35 =	vsel vm13, $0x6080, v9;
	v12 =	vor.u32 v31, v52  }
0x15f: {  	v34 =	vmul.f32 v62, v61;
	v30 =	vsel vm1, $0x7280, v1;
	v1 =	vld.idx.msk [tilespmem:v63+s2+$0x0], $0xffff;
	v13 =	vsel vm12, $0x6100, v35  }
0x160: {  	v33 =	vld.idx.msk [tilespmem:v6+s2+$0x0], $0xffff;
	v61 =	vimm.s32 $0x39383736;
	v6 =	vimm.s32 $0x3F3E3D;
	v63 =	vimm.s32 $0x4030201  }
0x161: {  	v10 =	vld.idx.msk [tilespmem:v4+s4+$0x0], $0xffff;
	v11 =	vor.u32 v30, v15;
	v32 =	vsel vm11, $0x6180, v13;
	v62 =	vunpack.c.0.s8.s32 v61  }
0x162: {  	v14 =	vld.idx.msk [tilespmem:v8+s4+$0x0], $0xffff;
	v0 =	vadd.f32 v34, v0;
	v2 =	vmul.f32 v5, v2;
	v34 =	vor.u32 $0x30, v40  }
0x163: {  	v13 =	vimm.s32 $0x1003F3E;
	v5 =	vimm.s32 $0x3C3B3A39;
	v47 =	vor.u32 v34, v52  }
0x164: {  	v8 =	vunpack.c.0.s8.s32 v5;
	v9 =	vsel vm15, v62, v60;
	v0 =	vadd.f32 v2, v0  }
0x165: {  	v2 =	vsel vm10, $0x6200, v32;
	v32 =	vsel vm14, $0x6080, v38;
	v42 =	vld.idx.msk [tilespmem:v12+s4+$0x0], $0xffff;
	v12 =	vimm.s32 $0x3D3C3B3A  }
0x166: {  	v1 =	vmul.f32 v10, v1;
	v2 =	vsel vm9, $0x6280, v2;
	v32 =	vsel vm13, $0x6100, v32  }
0x167: {  	[tilespmem:$0x1FFB0] =	vst v43;
	v10 =	vimm.s32 $0x36353433;
	v2 =	vsel vm8, $0x6300, v2;
	v43 =	vmul.f32 v14, v33  }
0x168: {  	v41 =	vld.idx.msk [tilespmem:v11+s2+$0x0], $0xffff;
	v11 =	vimm.s32 $0x3A393837;
	v0 =	vadd.f32 v1, v0;
	v1 =	vsel vm7, $0x6380, v2  }
0x169: {  	v2 =	vsel vm12, $0x6180, v32;
	v32 =	vsel vm14, $0x6100, v44;
	v46 =	vunpack.c.0.s8.s32 v11  }
0x16a: {  	v44 =	vunpack.c.0.s8.s32 v63;
	v1 =	vsel vm6, $0x7000, v1;
	v2 =	vsel vm11, $0x6200, v2  }
0x16b: {  	v37 =	vld.idx.msk [tilespmem:v47+s4+$0x0], $0xffff;
	v47 =	vunpack.c.0.s8.s32 v12;
	v1 =	vsel vm5, $0x7080, v1;
	v2 =	vsel vm10, $0x6280, v2  }
0x16c: {  	v0 =	vadd.f32 v43, v0;
	v43 =	vunpack.c.0.s8.s32 v6;
	v6 =	vimm.s32 $0x5040302  }
0x16d: {  	v1 =	vsel vm4, $0x7100, v1;
	v2 =	vsel vm9, $0x6300, v2;
	v55 =	vsel vm15, v47, v62  }
0x16e: {  	v62 =	vimm.s32 $0x180;
	v35 =	vmul.f32 v42, v41;
	v1 =	vsel vm3, $0x7180, v1  }
0x16f: {  	v2 =	vsel vm8, $0x6380, v2;
	v41 =	vunpack.c.0.s8.s32 v48;
	v48 =	vunpack.c.0.s8.s32 v13  }
0x170: {  	v42 =	vsel vm15, v8, v58;
	v1 =	vsel vm2, $0x7200, v1;
	v2 =	vsel vm7, $0x7000, v2  }
0x171: {  	[tilespmem:$0x1FBE0] =	vst v18;
	v18 =	vmovc v3;
	v3 =	vsel vm15, v43, v8;
	v1 =	vsel vm0, $0x7280, v1;
	v2 =	vsel vm6, $0x7080, v2  }
0x172: {  	v33 =	vsel vm1, $0x7300, v1;
	v1 =	vsel vm5, $0x7100, v2;
	v2 =	vsel vm13, $0x6180, v32  }
0x173: {  	v44 =	vsel vm15, v44, v43;
	v8 =	vimm.s32 $0x43218765;
	v2 =	vsel vm12, $0x6200, v2  }
0x174: {  	[tilespmem:$0x1FF60] =	vst v45;
	v60 =	vunpack.c.l.s4.s8 v8;
	v45 =	vor.u32 v33, v15;
	v2 =	vsel vm11, $0x6280, v2  }
0x175: {  	[tilespmem:$0x1FFA0] =	vst v53;
	v8 =	vimm.s32 $0x300;
	v53 =	vsel vm15, v36, v41;
	v2 =	vsel vm10, $0x6300, v2  }
0x176: {  	v0 =	vadd.f32 v35, v0;
	v1 =	vsel vm4, $0x7180, v1;
	v2 =	vsel vm9, $0x6380, v2  }
0x177: {  	v32 =	vcombine.low v54, v53;
	v1 =	vsel vm3, $0x7200, v1;
	v2 =	vsel vm8, $0x7000, v2  }
0x178: {  	v53 =	vimm.s32 $0x6050403;
	v1 =	vsel vm2, $0x7280, v1;
	v2 =	vsel vm7, $0x7080, v2  }
0x179: {  	v7 =	vmovc v52;
	v12 =	vunpack.c.0.s8.s32 v60;
	v1 =	vsel vm0, $0x7300, v1;
	v52 =	vld.idx.msk [tilespmem:v45+s2+$0x0], $0xffff;
	v2 =	vsel vm6, $0x7100, v2  }
0x17a: {  	v35 =	vsel vm1, $0x7380, v1;
	v45 =	vunpack.c.0.s8.s32 v6;
	v2 =	vsel vm5, $0x7180, v2  }
0x17b: {  	v53 =	vunpack.c.0.s8.s32 v53;
	v4 =	vor.u32 v35, v15;
	v2 =	vsel vm4, $0x7200, v2  }
0x17c: {  	v6 =	vimm.s32 $0x280;
	v45 =	vsel vm15, v45, v48;
	v1 =	vsel vm3, $0x7280, v2  }
0x17d: {  	v2 =	vsel vm15, v58, v57;
	v57 =	vimm.s32 $0x32107654;
	v1 =	vsel vm2, $0x7300, v1  }
0x17e: {  	v40 =	vmul.f32 v37, v52;
	v37 =	vunpack.c.0.s8.s32 v10;
	v1 =	vsel vm0, $0x7380, v1  }
0x17f: {  	v57 =	vunpack.c.l.s4.s8 v57;
	v36 =	vsel vm1, $0x0, v1;
	v1 =	vimm.s32 $0x100  }
0x180: {  	v52 =	vsel vm15, v46, v37;
	v37 =	vcombine.low v2, v3;
	v2 =	vimm.s32 $0x201003F  }
0x181: {  	v57 =	vunpack.c.0.s8.s32 v57;
	v46 =	vsel vm15, v56, v46;
	v0 =	vadd.f32 v40, v0  }
0x182: {  	v1 =	vsel vm14, $0x6180, v1;
	v50 =	vunpack.c.0.s8.s32 v2;
	v2 =	vsel vm15, v48, v47  }
0x183: {  	v54 =	vor.u32 v36, v15;
	v14 =	vsel vm13, $0x6200, v1;
	v5 =	vor.u32 v37, v7  }
0x184: {  	v38 =	vcombine.low v9, v2;
	v11 =	vand.u32 $0xF, v57;
	v59 =	vsel vm15, v53, v50  }
0x185: {  	v53 =	vsel vm15, v50, v56;
	v56 =	vsel vm15, v41, v39;
	v9 =	vsel vm12, $0x6280, v14  }
0x186: {  	vm15 =	vcmask $0x2F10;
	v14 =	vand.u32 $0xF, v12;
	v58 =	vor.u32 v38, v7  }
0x187: {  	v39 =	vsel vm11, $0x6300, v9;
	v40 =	vcombine.low v46, v59;
	v46 =	vsel vm14, $0x6380, v8  }
0x188: {  	v39 =	vsel vm10, $0x6380, v39;
	v46 =	vsel vm13, $0x7000, v46;
	v10 =	vld.idx.msk [tilespmem:v54+s2+$0x0], $0xffff;
	v54 =	vsel vm15, v11, v41  }
0x189: {  	v51 =	vld.idx.msk [tilespmem:v4+s2+$0x0], $0xffff;
	v41 =	vcombine.low v42, v44;
	v44 =	vsel vm14, $0x6200, v62;
	v46 =	vsel vm12, $0x7080, v46  }
0x18a: {  	v11 =	vimm.s32 $0x380;
	v47 =	vld.idx.msk [tilespmem:v5+s4+$0x0], $0xffff;
	v5 =	vimm.s32 $0x200;
	v46 =	vsel vm11, $0x7100, v46  }
0x18b: {  	v4 =	vsel vm13, $0x6280, v44;
	v44 =	vsel vm14, $0x6280, v5;
	v46 =	vsel vm10, $0x7180, v46  }
0x18c: {  	v5 =	vimm.s32 $0x76543210;
	v44 =	vsel vm13, $0x6300, v44;
	v46 =	vsel vm9, $0x7200, v46  }
0x18d: {  	v59 =	vunpack.c.l.s4.s8 v5;
	v44 =	vsel vm12, $0x6380, v44;
	v46 =	vsel vm8, $0x7280, v46  }
0x18e: {  	v58 =	vld.idx.msk [tilespmem:v58+s4+$0x0], $0xffff;
	v5 =	vimm.s32 $0x6543A987;
	v44 =	vsel vm11, $0x7000, v44;
	v46 =	vsel vm7, $0x7300, v46  }
0x18f: {  	v59 =	vunpack.c.0.s8.s32 v59;
	v13 =	vmul.f32 v47, v51;
	v51 =	vsel vm15, v14, v43  }
0x190: {  	v47 =	vsel vm9, $0x7000, v39;
	v39 =	vcombine.low v55, v45;
	v44 =	vsel vm10, $0x7080, v44  }
0x191: {  	v45 =	vsel vm14, $0x6300, v6;
	v14 =	vor.u32 v32, v7;
	vm15 =	vcmask $0x3F30  }
0x192: {  	v57 =	vsel vm8, $0x7080, v47;
	v44 =	vsel vm9, $0x7100, v44;
	v45 =	vsel vm13, $0x6380, v45  }
0x193: {  	v0 =	vadd.f32 v13, v0;
	v60 =	vmul.f32 v58, v10;
	v61 =	vsel vm7, $0x7100, v57  }
0x194: {  	v44 =	vsel vm8, $0x7180, v44;
	v45 =	vsel vm12, $0x7000, v45;
	v43 =	vsel vm6, $0x7180, v61  }
0x195: {  	v44 =	vsel vm7, $0x7200, v44;
	v45 =	vsel vm11, $0x7080, v45;
	v61 =	vor.u32 v41, v7  }
0x196: {  	v63 =	vsel vm5, $0x7200, v43;
	v43 =	vsel vm12, $0x6300, v4;
	v44 =	vsel vm6, $0x7280, v44  }
0x197: {  	v45 =	vsel vm10, $0x7100, v45;
	v42 =	vsel vm4, $0x7280, v63;
	v43 =	vsel vm11, $0x6380, v43  }
0x198: {  	v44 =	vsel vm5, $0x7300, v44;
	v45 =	vsel vm9, $0x7180, v45;
	v63 =	vsel vm6, $0x7380, v46  }
0x199: {  	v42 =	vsel vm3, $0x7300, v42;
	v43 =	vsel vm10, $0x7000, v43;
	v44 =	vsel vm4, $0x7380, v44  }
0x19a: {  	v45 =	vsel vm8, $0x7200, v45;
	v42 =	vsel vm2, $0x7380, v42;
	v43 =	vsel vm9, $0x7080, v43  }
0x19b: {  	v44 =	vsel vm3, $0x0, v44;
	v45 =	vsel vm7, $0x7280, v45;
	v42 =	vsel vm0, $0x0, v42  }
0x19c: {  	v43 =	vsel vm8, $0x7100, v43;
	v44 =	vsel vm2, $0x80, v44;
	v45 =	vsel vm6, $0x7300, v45  }
0x19d: {  	v42 =	vsel vm1, $0x80, v42;
	v43 =	vsel vm7, $0x7180, v43;
	v44 =	vsel vm0, $0x100, v44  }
0x19e: {  	v45 =	vsel vm5, $0x7380, v45;
	v43 =	vsel vm6, $0x7200, v43;
	v44 =	vsel vm1, $0x180, v44  }
0x19f: {  	v9 =	vsel vm4, $0x0, v45;
	v45 =	vcombine.low v52, v53;
	v10 =	vor.u32 v42, v15  }
0x1a0: {  	v52 =	vsel vm14, $0x7000, v11;
	v43 =	vsel vm5, $0x7280, v43;
	v47 =	vsel vm3, $0x80, v9  }
0x1a1: {  	v52 =	vsel vm13, $0x7080, v52;
	v6 =	vor.u32 v44, v15;
	v43 =	vsel vm4, $0x7300, v43  }
0x1a2: {  	v12 =	vor.u32 v45, v7;
	v47 =	vsel vm2, $0x100, v47;
	v52 =	vsel vm12, $0x7100, v52  }
0x1a3: {  	v43 =	vsel vm3, $0x7380, v43;
	v47 =	vsel vm0, $0x180, v47;
	v52 =	vsel vm11, $0x7180, v52  }
0x1a4: {  	v43 =	vsel vm2, $0x0, v43;
	v46 =	vsel vm1, $0x200, v47;
	v52 =	vsel vm10, $0x7200, v52  }
0x1a5: {  	v43 =	vsel vm0, $0x80, v43;
	v49 =	vld.idx.msk [tilespmem:v10+s2+$0x0], $0xffff;
	v52 =	vsel vm9, $0x7280, v52;
	v62 =	vor.u32 v46, v15  }
0x1a6: {  	v43 =	vsel vm1, $0x100, v43;
	v52 =	vsel vm8, $0x7300, v52;
	v9 =	vld.idx.msk [tilespmem:v6+s2+$0x0], $0xffff;
	v6 =	vor.u32 v40, v7  }
0x1a7: {  	v4 =	vsel vm5, $0x0, v63;
	v13 =	vor.u32 v43, v15;
	v55 =	vld.idx.msk [tilespmem:v12+s4+$0x0], $0xffff;
	v52 =	vsel vm7, $0x7380, v52  }
0x1a8: {  	v58 =	vld.idx.msk [tilespmem:v14+s4+$0x0], $0xffff;
	v63 =	vor.u32 v39, v7;
	v47 =	vsel vm4, $0x80, v4;
	v52 =	vsel vm6, $0x0, v52  }
0x1a9: {  	v11 =	vld.idx.msk [tilespmem:v61+s4+$0x0], $0xffff;
	v8 =	vsel vm3, $0x100, v47;
	v47 =	vcombine.low v56, v59;
	v52 =	vsel vm5, $0x80, v52  }
0x1aa: {  	v0 =	vadd.f32 v60, v0;
	v14 =	vimm.s32 $0x54329876;
	v52 =	vsel vm4, $0x100, v52;
	v12 =	vld.idx.msk [tilespmem:v62+s2+$0x0], $0xffff  }
0x1ab: {  	v60 =	vunpack.c.l.s4.s8 v14;
	v1 =	vor.u32 v47, v7;
	v52 =	vsel vm3, $0x180, v52;
	v14 =	vld.idx.msk [tilespmem:v6+s4+$0x0], $0xffff  }
0x1ac: {  	v6 =	vimm.s32 $0x1180;
	v57 =	vld.idx.msk [tilespmem:v13+s2+$0x0], $0xffff;
	v49 =	vmul.f32 v55, v49;
	v55 =	vsel vm2, $0x180, v8  }
0x1ad: {  	v52 =	vsel vm2, $0x200, v52;
	v13 =	vld.idx.msk [tilespmem:v63+s4+$0x0], $0xffff;
	v8 =	vunpack.c.l.s4.s8 v5;
	v10 =	vsel vm0, $0x200, v55  }
0x1ae: {  	v52 =	vsel vm0, $0x280, v52;
	v0 =	vadd.f32 v49, v0;
	v49 =	vsel vm1, $0x280, v10  }
0x1af: {  	v5 =	vimm.s32 $0x1100;
	v52 =	vsel vm1, $0x300, v52;
	v4 =	vor.u32 v49, v15  }
0x1b0: {  	v55 =	vmul.f32 v11, v9;
	v9 =	vunpack.c.0.s8.s32 v60;
	v10 =	vor.u32 v52, v15  }
0x1b1: {  	v11 =	vimm.s32 $0xB0A0908;
	vm0 =	vcmask $0x2F10;
	v57 =	vmul.f32 v58, v57  }
0x1b2: {  	v56 =	vand.u32 $0xF, v9;
	v12 =	vmul.f32 v13, v12;
	v13 =	vunpack.c.0.s8.s32 v11  }
0x1b3: {  	v9 =	vimm.s32 $0x87654321;
	v56 =	vsel vm0, v56, v48;
	v0 =	vadd.f32 v57, v0  }
0x1b4: {  	v57 =	vunpack.c.0.s8.s32 v8;
	v48 =	vsel vm15, v13, v54;
	v13 =	vimm.s32 $0xD0C0B0A;
	v59 =	vld.idx.msk [tilespmem:v4+s2+$0x0], $0xffff  }
0x1b5: {  	v11 =	vimm.s32 $0xC0B0A09;
	v8 =	vld.idx.msk [tilespmem:v10+s2+$0x0], $0xffff;
	v10 =	vimm.s32 $0x98765432;
	v60 =	vunpack.c.0.s8.s32 v13  }
0x1b6: {  	v1 =	vld.idx.msk [tilespmem:v1+s4+$0x0], $0xffff;
	v0 =	vadd.f32 v55, v0;
	v57 =	vand.u32 $0xF, v57;
	v55 =	vunpack.c.l.s4.s8 v10  }
0x1b7: {  	v10 =	vimm.s32 $0x1300;
	v4 =	vsel vm0, v57, v50;
	v50 =	vunpack.c.l.s4.s8 v9  }
0x1b8: {  	v57 =	vunpack.c.0.s8.s32 v11;
	v0 =	vadd.f32 v12, v0;
	v12 =	vimm.s32 $0xA9876543  }
0x1b9: {  	v9 =	vimm.s32 $0x1280;
	v55 =	vunpack.c.0.s8.s32 v55;
	v58 =	vunpack.c.l.s4.s8 v12  }
0x1ba: {  	v51 =	vsel vm15, v57, v51;
	v57 =	vsel vm14, $0x7200, v6;
	v59 =	vmul.f32 v14, v59  }
0x1bb: {  	v14 =	vunpack.c.0.s8.s32 v50;
	v50 =	vsel vm15, v60, v56;
	v1 =	vmul.f32 v1, v8  }
0x1bc: {  	v63 =	vand.u32 $0xF, v55;
	v56 =	vsel vm14, $0x7180, v5;
	v8 =	vimm.s32 $0x1200  }
0x1bd: {  	v60 =	vsel vm14, $0x7380, v10;
	v57 =	vsel vm13, $0x7280, v57;
	v61 =	vunpack.c.0.s8.s32 v58  }
0x1be: {  	v54 =	vcombine.low v2, v63;
	v58 =	vsel vm14, $0x7280, v8;
	v56 =	vsel vm13, $0x7200, v56  }
0x1bf: {  	v60 =	vsel vm13, $0x0, v60;
	v57 =	vsel vm12, $0x7300, v57;
	v0 =	vadd.f32 v59, v0  }
0x1c0: {  	v62 =	vand.u32 $0xF, v14;
	v59 =	vsel vm14, $0x7300, v9;
	v58 =	vsel vm13, $0x7300, v58  }
0x1c1: {  	v56 =	vsel vm12, $0x7280, v56;
	v60 =	vsel vm12, $0x80, v60;
	v57 =	vsel vm11, $0x7380, v57  }
0x1c2: {  	v55 =	vcombine.low v3, v62;
	v2 =	vand.u32 $0xF, v61;
	v59 =	vsel vm13, $0x7380, v59  }
0x1c3: {  	v58 =	vsel vm12, $0x7380, v58;
	v56 =	vsel vm11, $0x7300, v56;
	v60 =	vsel vm11, $0x100, v60  }
0x1c4: {  	v57 =	vsel vm10, $0x0, v57;
	v53 =	vcombine.low v53, v2;
	v3 =	vadd.f32 v1, v0  }
0x1c5: {  	v0 =	vimm.s32 $0x1000;
	v2 =	vimm.s32 $0x1080;
	v59 =	vsel vm12, $0x0, v59  }
0x1c6: {  	v58 =	vsel vm11, $0x0, v58;
	v56 =	vsel vm10, $0x7380, v56;
	v60 =	vsel vm10, $0x180, v60  }
0x1c7: {  	v57 =	vsel vm9, $0x80, v57;
	v0 =	vsel vm14, $0x7080, v0;
	v2 =	vsel vm14, $0x7100, v2  }
0x1c8: {  	v59 =	vsel vm11, $0x80, v59;
	v58 =	vsel vm10, $0x80, v58;
	v56 =	vsel vm9, $0x0, v56  }
0x1c9: {  	v60 =	vsel vm9, $0x200, v60;
	v57 =	vsel vm8, $0x100, v57;
	vm14 =	vcmask $0x3734  }
0x1ca: {  	v12 =	vor.u32 v55, v7;
	v0 =	vsel vm13, $0x7100, v0;
	v2 =	vsel vm13, $0x7180, v2  }
0x1cb: {  	v59 =	vsel vm10, $0x100, v59;
	v58 =	vsel vm9, $0x100, v58;
	v56 =	vsel vm8, $0x80, v56  }
0x1cc: {  	v60 =	vsel vm8, $0x280, v60;
	v57 =	vsel vm7, $0x180, v57;
	v9 =	vor.u32 v53, v7  }
0x1cd: {  	v0 =	vsel vm12, $0x7180, v0;
	v2 =	vsel vm12, $0x7200, v2;
	v59 =	vsel vm9, $0x180, v59  }
0x1ce: {  	v58 =	vsel vm8, $0x180, v58;
	v56 =	vsel vm7, $0x100, v56;
	v60 =	vsel vm7, $0x300, v60  }
0x1cf: {  	v57 =	vsel vm6, $0x200, v57;
	v0 =	vsel vm11, $0x7200, v0;
	v2 =	vsel vm11, $0x7280, v2  }
0x1d0: {  	v59 =	vsel vm8, $0x200, v59;
	v58 =	vsel vm7, $0x200, v58;
	v0 =	vsel vm10, $0x7280, v0  }
0x1d1: {  	v56 =	vsel vm6, $0x180, v56;
	v2 =	vsel vm10, $0x7300, v2;
	v0 =	vsel vm9, $0x7300, v0  }
0x1d2: {  	v60 =	vsel vm6, $0x380, v60;
	v2 =	vsel vm9, $0x7380, v2;
	v0 =	vsel vm8, $0x7380, v0  }
0x1d3: {  	v57 =	vsel vm5, $0x280, v57;
	v2 =	vsel vm8, $0x0, v2;
	v0 =	vsel vm7, $0x0, v0  }
0x1d4: {  	v59 =	vsel vm7, $0x280, v59;
	v2 =	vsel vm7, $0x80, v2;
	v0 =	vsel vm6, $0x80, v0  }
0x1d5: {  	v58 =	vsel vm6, $0x280, v58;
	v2 =	vsel vm6, $0x100, v2;
	v0 =	vsel vm5, $0x100, v0  }
0x1d6: {  	v56 =	vsel vm5, $0x200, v56;
	v2 =	vsel vm5, $0x180, v2;
	v0 =	vsel vm4, $0x180, v0  }
0x1d7: {  	v59 =	vsel vm6, $0x300, v59;
	v2 =	vsel vm4, $0x200, v2;
	v0 =	vsel vm3, $0x200, v0  }
0x1d8: {  	v11 =	vsel vm4, $0x280, v56;
	v2 =	vsel vm3, $0x280, v2;
	v0 =	vsel vm2, $0x280, v0  }
0x1d9: {  	v59 =	vsel vm5, $0x380, v59;
	v2 =	vsel vm2, $0x300, v2;
	v0 =	vsel vm14, $0x300, v0  }
0x1da: {  	v5 =	vsel vm4, $0x1000, v59;
	v59 =	vsel vm1, $0x380, v0;
	v0 =	vsel vm14, $0x380, v2  }
0x1db: {  	v57 =	vsel vm4, $0x300, v57;
	v56 =	vsel vm1, $0x1000, v0;
	v0 =	vsel vm3, $0x300, v11  }
0x1dc: {  	v58 =	vsel vm5, $0x300, v58;
	v57 =	vsel vm3, $0x380, v57;
	v0 =	vsel vm2, $0x380, v0  }
0x1dd: {  	v57 =	vsel vm2, $0x1000, v57;
	v2 =	vor.u32 v59, v15;
	v0 =	vsel vm14, $0x1000, v0  }
0x1de: {  	v1 =	vsel vm4, $0x380, v58;
	v58 =	vsel vm1, $0x1080, v0;
	v0 =	vsel vm14, $0x1080, v57  }
0x1df: {  	v60 =	vsel vm5, $0x1000, v60;
	v57 =	vsel vm1, $0x1100, v0;
	v0 =	vsel vm3, $0x1000, v1  }
0x1e0: {  	v14 =	vor.u32 v54, v7;
	v60 =	vsel vm4, $0x1080, v60;
	v0 =	vsel vm2, $0x1080, v0  }
0x1e1: {  	v13 =	vor.u32 v56, v15;
	v1 =	vsel vm3, $0x1080, v5;
	v0 =	vsel vm14, $0x1100, v0  }
0x1e2: {  	v5 =	vld.idx.msk [tilespmem:v2+s2+$0x0], $0xffff;
	v2 =	vsel vm3, $0x1100, v60;
	v60 =	vsel vm1, $0x1180, v0;
	v0 =	vsel vm2, $0x1100, v1  }
0x1e3: {  	v9 =	vld.idx.msk [tilespmem:v9+s4+$0x0], $0xffff;
	v8 =	vor.u32 v58, v15;
	v0 =	vsel vm14, $0x1180, v0  }
0x1e4: {  	v11 =	vld.idx.msk [tilespmem:v12+s4+$0x0], $0xffff;
	v10 =	vor.u32 v57, v15;
	v61 =	vsel vm1, $0x1200, v0  }
0x1e5: {  	v12 =	vld.idx.msk [tilespmem:v14+s4+$0x0], $0xffff;
	v2 =	vsel vm2, $0x1180, v2;
	v0 =	vor.u32 v61, v15  }
0x1e6: {  	v62 =	vimm.s32 $0xE0D0C0B;
	v6 =	vld.idx.msk [tilespmem:v13+s2+$0x0], $0xffff;
	v1 =	vor.u32 v48, v7;
	v2 =	vsel vm14, $0x1200, v2;
	[tilespmem:$0x1FFF0] =	vst v0  }
0x1e7: {  	v63 =	vunpack.c.0.s8.s32 v62;
	v13 =	vor.u32 v60, v15;
	v62 =	vsel vm1, $0x1280, v2;
	v2 =	vld [tilespmem:$0x1FFF0]  }
0x1e8: {  	v14 =	vor.u32 v51, v7;
	v8 =	vld.idx.msk [tilespmem:v8+s2+$0x0], $0xffff  }
0x1e9: {  	v0 =	vmul.f32 v11, v5;
	v5 =	vld.idx.msk [tilespmem:v10+s2+$0x0], $0xffff;
	v10 =	vor.u32 v50, v7;
	_ =	sdelay $0x1  }
0x1ea: {  	v63 =	vsel vm15, v63, v4;
	v11 =	vor.u32 v62, v15;
	v4 =	vld.idx.msk [tilespmem:v1+s4+$0x0], $0xffff  }
0x1eb: {  	v7 =	vor.u32 v63, v7;
	v1 =	vadd.f32 v0, v3;
	v0 =	vmul.f32 v12, v6;
	v3 =	vld.idx.msk [tilespmem:v13+s2+$0x0], $0xffff  }
0x1ec: {  	v6 =	vld.idx.msk [tilespmem:v14+s4+$0x0], $0xffff  }
0x1ed: {  	v0 =	vadd.f32 v0, v1;
	v1 =	vmul.f32 v9, v8;
	v13 =	vld.idx.msk [tilespmem:v10+s4+$0x0], $0xffff  }
0x1ee: {  	v12 =	vld.idx.msk [tilespmem:v2+s2+$0x0], $0xffff  }
0x1ef: {  	v14 =	vld.idx.msk [tilespmem:v11+s2+$0x0], $0xffff;
	v0 =	vadd.f32 v1, v0;
	v1 =	vmul.f32 v4, v5  }
0x1f0: {  	v2 =	vld.idx.msk [tilespmem:v7+s4+$0x0], $0xffff  }
0x1f1: {  	v0 =	vadd.f32 v1, v0;
	v1 =	vmul.f32 v6, v3;
	_ =	sdelay $0x1  }
0x1f2: {  	v0 =	vadd.f32 v1, v0;
	v1 =	vmul.f32 v13, v12;
	_ =	sdelay $0x1  }
0x1f3: {  	v0 =	vadd.f32 v1, v0;
	v1 =	vmul.f32 v2, v14;
	_ =	sdelay $0x1  }
0x1f4: {  	v0 =	vadd.f32 v1, v0  }
0x1f5: {  	s6 =	simm.s32 $0xA600  }
0x1f6: {  	s8 =	simm.s32 $0xA410;
	s7 =	simm.s32 $0x10;
	[tilespmem:s6+$0x0] =	vst v0  }
0x1f7: {  	s9 =	simm.s32 $0x20;
	s5 =	sadd.s32 $0x2000, s5;
	v1 =	vmov s7;
	v0 =	vld [tilespmem:s8+$0x0]  }
.LBB2_1:
0x1f8: {  	v5 =	vlaneseq.u32  }
0x1f9: {  	v1 =	vshll.u32 v1, $0x3;
	v2 =	vor.u32 s7, v5  }
0x1fa: {  	v1 =	vand.u32 $0xC00, v1;
	v2 =	vand.u32 $0x7F, v2  }
0x1fb: {  	v1 =	vor.u32 v1, v2;
	v2 =	vld [tilespmem:$0x1FB00];
	_ =	sdelay $0x4  }
0x1fc: {  	v3 =	vor.u32 v2, v1;
	v2 =	vld [tilespmem:$0x1FB10];
	_ =	sdelay $0x4  }
0x1fd: {  	v4 =	vor.u32 v2, v1;
	v2 =	vshll.u32 v0, $0x7  }
0x1fe: {  	v6 =	vld [tilespmem:$0x1FB20];
	v5 =	vor.u32 v5, v2  }
0x1ff: {  	v7 =	vld [tilespmem:$0x1FB30]  }
0x200: {  	v12 =	vld [tilespmem:$0x1FB80];
	v0 =	vadd.s32 $0x2000, v0  }
0x201: {  	v8 =	vld [tilespmem:$0x1FB40]  }
0x202: {  	v4 =	vld.idx.msk [tilespmem:v4+s2+$0x0], $0xffff  }
0x203: {  	v5 =	vld.idx.msk [tilespmem:v5+s4+$0x0], $0xffff  }
0x204: {  	v9 =	vld [tilespmem:$0x1FB50];
	v6 =	vor.u32 v6, v2  }
0x205: {  	v12 =	vor.u32 v12, v2;
	v0 =	vld.idx.msk [tilespmem:v0+s4+$0x0], $0xffff  }
0x206: {  	v13 =	vld [tilespmem:$0x1FB90]  }
0x207: {  	v10 =	vld [tilespmem:$0x1FB60]  }
0x208: {  	v3 =	vld.idx.msk [tilespmem:v3+s2+$0x0], $0xffff;
	v4 =	vmul.f32 v5, v4  }
0x209: {  	v6 =	vld.idx.msk [tilespmem:v6+s4+$0x0], $0xffff  }
0x20a: {  	v7 =	vor.u32 v7, v1;
	v0 =	vadd.f32 v4, v0;
	v4 =	vld.idx.msk [tilespmem:v12+s4+$0x0], $0xffff  }
0x20b: {  	v13 =	vor.u32 v13, v1;
	v12 =	vld [tilespmem:$0x1FBD0]  }
0x20c: {  	v11 =	vld [tilespmem:$0x1FB70]  }
0x20d: {  	v8 =	vor.u32 v8, v2  }
0x20e: {  	v9 =	vor.u32 v9, v1  }
0x20f: {  	v7 =	vld.idx.msk [tilespmem:v7+s2+$0x0], $0xffff;
	v10 =	vor.u32 v10, v2  }
0x210: {  	v3 =	vmul.f32 v6, v3;
	v6 =	vor.u32 v12, v1;
	v12 =	vld.idx.msk [tilespmem:v13+s2+$0x0], $0xffff  }
0x211: {  	v11 =	vor.u32 v11, v1;
	v13 =	vld [tilespmem:$0x1FBE0]  }
0x212: {  	v8 =	vld.idx.msk [tilespmem:v8+s4+$0x0], $0xffff  }
0x213: {  	v9 =	vld.idx.msk [tilespmem:v9+s2+$0x0], $0xffff  }
0x214: {  	v5 =	vld.idx.msk [tilespmem:v10+s4+$0x0], $0xffff  }
0x215: {  	v14 =	vld [tilespmem:$0x1FBA0]  }
0x216: {  	v11 =	vld.idx.msk [tilespmem:v11+s2+$0x0], $0xffff;
	v13 =	vor.u32 v13, v2  }
0x217: {  	v0 =	vadd.f32 v3, v0;
	v3 =	vmul.f32 v8, v7;
	_ =	sdelay $0x1  }
0x218: {  	v15 =	vld [tilespmem:$0x1FBC0];
	v0 =	vadd.f32 v3, v0;
	v3 =	vmul.f32 v5, v9  }
0x219: {  	v10 =	vld [tilespmem:$0x1FBB0]  }
0x21a: {  	v14 =	vor.u32 v14, v2;
	v0 =	vadd.f32 v3, v0;
	v3 =	vmul.f32 v4, v11;
	v4 =	vld.idx.msk [tilespmem:v13+s4+$0x0], $0xffff  }
0x21b: {  	v13 =	vld [tilespmem:$0x1FC30];
	_ =	sdelay $0x1  }
0x21c: {  	v15 =	vor.u32 v15, v2  }
0x21d: {  	v10 =	vor.u32 v10, v1  }
0x21e: {  	v7 =	vld.idx.msk [tilespmem:v14+s4+$0x0], $0xffff  }
0x21f: {  	v11 =	vor.u32 v13, v1;
	v13 =	vld [tilespmem:$0x1FC40]  }
0x220: {  	v14 =	vld [tilespmem:$0x1FBF0]  }
0x221: {  	v5 =	vld.idx.msk [tilespmem:v15+s4+$0x0], $0xffff  }
0x222: {  	v10 =	vld.idx.msk [tilespmem:v10+s2+$0x0], $0xffff  }
0x223: {  	v9 =	vld [tilespmem:$0x1FC10]  }
0x224: {  	v6 =	vld.idx.msk [tilespmem:v6+s2+$0x0], $0xffff;
	v13 =	vor.u32 v13, v2  }
0x225: {  	v0 =	vadd.f32 v3, v0;
	v3 =	vmul.f32 v7, v12  }
0x226: {  	v8 =	vor.u32 v14, v1;
	v14 =	vld [tilespmem:$0x1FC00]  }
0x227: {  	v15 =	vld [tilespmem:$0x1FC20];
	v0 =	vadd.f32 v3, v0;
	v3 =	vmul.f32 v5, v10;
	_ =	sdelay $0x1  }
0x228: {  	v9 =	vor.u32 v9, v1;
	v0 =	vadd.f32 v3, v0;
	v3 =	vmul.f32 v4, v6;
	v4 =	vld.idx.msk [tilespmem:v13+s4+$0x0], $0xffff  }
0x229: {  	v13 =	vld [tilespmem:$0x1FC90]  }
0x22a: {  	v14 =	vor.u32 v14, v2  }
0x22b: {  	v15 =	vor.u32 v15, v2  }
0x22c: {  	v8 =	vld.idx.msk [tilespmem:v8+s2+$0x0], $0xffff  }
0x22d: {  	v9 =	vld.idx.msk [tilespmem:v9+s2+$0x0], $0xffff  }
0x22e: {  	v6 =	vor.u32 v13, v1;
	v13 =	vld [tilespmem:$0x1FCA0]  }
0x22f: {  	v7 =	vld.idx.msk [tilespmem:v14+s4+$0x0], $0xffff  }
0x230: {  	v5 =	vld.idx.msk [tilespmem:v15+s4+$0x0], $0xffff  }
0x231: {  	v14 =	vld [tilespmem:$0x1FC60]  }
0x232: {  	v12 =	vld [tilespmem:$0x1FC50]  }
0x233: {  	v11 =	vld.idx.msk [tilespmem:v11+s2+$0x0], $0xffff;
	v13 =	vor.u32 v13, v2  }
0x234: {  	v0 =	vadd.f32 v3, v0;
	v3 =	vmul.f32 v7, v8  }
0x235: {  	v10 =	vld [tilespmem:$0x1FC70]  }
0x236: {  	v15 =	vld [tilespmem:$0x1FC80];
	v14 =	vor.u32 v14, v2;
	v0 =	vadd.f32 v3, v0;
	v3 =	vmul.f32 v5, v9;
	_ =	sdelay $0x1  }
0x237: {  	v12 =	vor.u32 v12, v1;
	v0 =	vadd.f32 v3, v0;
	v3 =	vmul.f32 v4, v11;
	v4 =	vld.idx.msk [tilespmem:v13+s4+$0x0], $0xffff  }
0x238: {  	v13 =	vld [tilespmem:$0x1FCF0]  }
0x239: {  	v10 =	vor.u32 v10, v1  }
0x23a: {  	v15 =	vor.u32 v15, v2;
	v7 =	vld.idx.msk [tilespmem:v14+s4+$0x0], $0xffff  }
0x23b: {  	v14 =	vld [tilespmem:$0x1FCB0]  }
0x23c: {  	v12 =	vld.idx.msk [tilespmem:v12+s2+$0x0], $0xffff  }
0x23d: {  	v11 =	vor.u32 v13, v1;
	v13 =	vld [tilespmem:$0x1FD00]  }
0x23e: {  	v10 =	vld.idx.msk [tilespmem:v10+s2+$0x0], $0xffff  }
0x23f: {  	v5 =	vld.idx.msk [tilespmem:v15+s4+$0x0], $0xffff  }
0x240: {  	v8 =	vor.u32 v14, v1;
	v14 =	vld [tilespmem:$0x1FCC0];
	_ =	sdelay $0x1  }
0x241: {  	v6 =	vld.idx.msk [tilespmem:v6+s2+$0x0], $0xffff;
	v13 =	vor.u32 v13, v2  }
0x242: {  	v0 =	vadd.f32 v3, v0;
	v3 =	vmul.f32 v7, v12;
	_ =	sdelay $0x1  }
0x243: {  	v9 =	vld [tilespmem:$0x1FCD0];
	v14 =	vor.u32 v14, v2;
	v0 =	vadd.f32 v3, v0;
	v3 =	vmul.f32 v5, v10  }
0x244: {  	v15 =	vld [tilespmem:$0x1FCE0]  }
0x245: {  	v0 =	vadd.f32 v3, v0;
	v3 =	vmul.f32 v4, v6;
	v4 =	vld.idx.msk [tilespmem:v13+s4+$0x0], $0xffff  }
0x246: {  	v13 =	vld [tilespmem:$0x1FD50];
	_ =	sdelay $0x1  }
0x247: {  	v9 =	vor.u32 v9, v1;
	v7 =	vld.idx.msk [tilespmem:v14+s4+$0x0], $0xffff  }
0x248: {  	v15 =	vor.u32 v15, v2;
	v14 =	vld [tilespmem:$0x1FD20];
	_ =	sdelay $0x1  }
0x249: {  	v6 =	vor.u32 v13, v1;
	v13 =	vld [tilespmem:$0x1FD60]  }
0x24a: {  	v8 =	vld.idx.msk [tilespmem:v8+s2+$0x0], $0xffff  }
0x24b: {  	v9 =	vld.idx.msk [tilespmem:v9+s2+$0x0], $0xffff  }
0x24c: {  	v5 =	vld.idx.msk [tilespmem:v15+s4+$0x0], $0xffff;
	v14 =	vor.u32 v14, v2  }
0x24d: {  	v12 =	vld [tilespmem:$0x1FD10]  }
0x24e: {  	v11 =	vld.idx.msk [tilespmem:v11+s2+$0x0], $0xffff;
	v13 =	vor.u32 v13, v2  }
0x24f: {  	v10 =	vld [tilespmem:$0x1FD30];
	v0 =	vadd.f32 v3, v0;
	v3 =	vmul.f32 v7, v8  }
0x250: {  	v15 =	vld [tilespmem:$0x1FD40]  }
0x251: {  	v7 =	vld.idx.msk [tilespmem:v14+s4+$0x0], $0xffff;
	v0 =	vadd.f32 v3, v0;
	v3 =	vmul.f32 v5, v9  }
0x252: {  	v14 =	vld [tilespmem:$0x1FD70]  }
0x253: {  	v0 =	vadd.f32 v3, v0;
	v3 =	vmul.f32 v4, v11;
	v4 =	vld.idx.msk [tilespmem:v13+s4+$0x0], $0xffff  }
0x254: {  	v13 =	vld [tilespmem:$0x1FDB0]  }
0x255: {  	v12 =	vor.u32 v12, v1  }
0x256: {  	v10 =	vor.u32 v10, v1  }
0x257: {  	v15 =	vor.u32 v15, v2  }
0x258: {  	v8 =	vor.u32 v14, v1;
	v14 =	vld [tilespmem:$0x1FD80]  }
0x259: {  	v11 =	vor.u32 v13, v1;
	v13 =	vld [tilespmem:$0x1FDC0]  }
0x25a: {  	v12 =	vld.idx.msk [tilespmem:v12+s2+$0x0], $0xffff  }
0x25b: {  	v10 =	vld.idx.msk [tilespmem:v10+s2+$0x0], $0xffff  }
0x25c: {  	v5 =	vld.idx.msk [tilespmem:v15+s4+$0x0], $0xffff  }
0x25d: {  	v9 =	vld [tilespmem:$0x1FD90];
	v14 =	vor.u32 v14, v2  }
0x25e: {  	v6 =	vld.idx.msk [tilespmem:v6+s2+$0x0], $0xffff;
	v13 =	vor.u32 v13, v2  }
0x25f: {  	v0 =	vadd.f32 v3, v0;
	v3 =	vmul.f32 v7, v12;
	_ =	sdelay $0x1  }
0x260: {  	v15 =	vld [tilespmem:$0x1FDA0];
	v0 =	vadd.f32 v3, v0;
	v3 =	vmul.f32 v5, v10  }
0x261: {  	v7 =	vld.idx.msk [tilespmem:v14+s4+$0x0], $0xffff  }
0x262: {  	v9 =	vor.u32 v9, v1;
	v0 =	vadd.f32 v3, v0;
	v3 =	vmul.f32 v4, v6;
	v4 =	vld.idx.msk [tilespmem:v13+s4+$0x0], $0xffff  }
0x263: {  	v13 =	vld [tilespmem:$0x1FE10]  }
0x264: {  	v14 =	vld [tilespmem:$0x1FDE0]  }
0x265: {  	v15 =	vor.u32 v15, v2  }
0x266: {  	v8 =	vld.idx.msk [tilespmem:v8+s2+$0x0], $0xffff  }
0x267: {  	v9 =	vld.idx.msk [tilespmem:v9+s2+$0x0], $0xffff  }
0x268: {  	v6 =	vor.u32 v13, v1;
	v13 =	vld [tilespmem:$0x1FE20]  }
0x269: {  	v12 =	vld [tilespmem:$0x1FDD0];
	v14 =	vor.u32 v14, v2  }
0x26a: {  	v5 =	vld.idx.msk [tilespmem:v15+s4+$0x0], $0xffff  }
0x26b: {  	v10 =	vld [tilespmem:$0x1FDF0]  }
0x26c: {  	v15 =	vld [tilespmem:$0x1FE00]  }
0x26d: {  	v11 =	vld.idx.msk [tilespmem:v11+s2+$0x0], $0xffff;
	v13 =	vor.u32 v13, v2  }
0x26e: {  	v0 =	vadd.f32 v3, v0;
	v3 =	vmul.f32 v7, v8;
	v7 =	vld.idx.msk [tilespmem:v14+s4+$0x0], $0xffff  }
0x26f: {  	v14 =	vld [tilespmem:$0x1FE30]  }
0x270: {  	v0 =	vadd.f32 v3, v0;
	v3 =	vmul.f32 v5, v9  }
0x271: {  	v12 =	vor.u32 v12, v1  }
0x272: {  	v10 =	vor.u32 v10, v1;
	v0 =	vadd.f32 v3, v0;
	v3 =	vmul.f32 v4, v11;
	v4 =	vld.idx.msk [tilespmem:v13+s4+$0x0], $0xffff  }
0x273: {  	v13 =	vld [tilespmem:$0x1FE70]  }
0x274: {  	v15 =	vor.u32 v15, v2;
	v8 =	vor.u32 v14, v1;
	v14 =	vld [tilespmem:$0x1FE40];
	_ =	sdelay $0x1  }
0x275: {  	v12 =	vld.idx.msk [tilespmem:v12+s2+$0x0], $0xffff  }
0x276: {  	v10 =	vld.idx.msk [tilespmem:v10+s2+$0x0], $0xffff  }
0x277: {  	v11 =	vor.u32 v13, v1;
	v13 =	vld [tilespmem:$0x1FE80]  }
0x278: {  	v5 =	vld.idx.msk [tilespmem:v15+s4+$0x0], $0xffff;
	v14 =	vor.u32 v14, v2  }
0x279: {  	v9 =	vld [tilespmem:$0x1FE50]  }
0x27a: {  	v15 =	vld [tilespmem:$0x1FE60];
	_ =	sdelay $0x1  }
0x27b: {  	v6 =	vld.idx.msk [tilespmem:v6+s2+$0x0], $0xffff;
	v13 =	vor.u32 v13, v2  }
0x27c: {  	v0 =	vadd.f32 v3, v0;
	v3 =	vmul.f32 v7, v12;
	v7 =	vld.idx.msk [tilespmem:v14+s4+$0x0], $0xffff  }
0x27d: {  	v9 =	vor.u32 v9, v1;
	v14 =	vld [tilespmem:$0x1FEA0]  }
0x27e: {  	v15 =	vor.u32 v15, v2;
	v0 =	vadd.f32 v3, v0;
	v3 =	vmul.f32 v5, v10  }
0x27f: {  	v8 =	vld.idx.msk [tilespmem:v8+s2+$0x0], $0xffff  }
0x280: {  	v0 =	vadd.f32 v3, v0;
	v3 =	vmul.f32 v4, v6;
	v4 =	vld.idx.msk [tilespmem:v13+s4+$0x0], $0xffff  }
0x281: {  	v13 =	vld [tilespmem:$0x1FED0]  }
0x282: {  	v9 =	vld.idx.msk [tilespmem:v9+s2+$0x0], $0xffff;
	v14 =	vor.u32 v14, v2  }
0x283: {  	v5 =	vld.idx.msk [tilespmem:v15+s4+$0x0], $0xffff  }
0x284: {  	v15 =	vld [tilespmem:$0x1FEC0]  }
0x285: {  	v12 =	vld [tilespmem:$0x1FE90]  }
0x286: {  	v6 =	vor.u32 v13, v1;
	v13 =	vld [tilespmem:$0x1FEE0]  }
0x287: {  	v0 =	vadd.f32 v3, v0;
	v3 =	vmul.f32 v7, v8;
	v7 =	vld.idx.msk [tilespmem:v14+s4+$0x0], $0xffff  }
0x288: {  	v14 =	vld [tilespmem:$0x1FEF0]  }
0x289: {  	v10 =	vld [tilespmem:$0x1FEB0];
	v15 =	vor.u32 v15, v2;
	_ =	sdelay $0x1  }
0x28a: {  	v11 =	vld.idx.msk [tilespmem:v11+s2+$0x0], $0xffff;
	v13 =	vor.u32 v13, v2;
	_ =	sdelay $0x1  }
0x28b: {  	v12 =	vor.u32 v12, v1;
	v8 =	vor.u32 v14, v1;
	v14 =	vld [tilespmem:$0x1FF00]  }
0x28c: {  	v10 =	vor.u32 v10, v1;
	v0 =	vadd.f32 v3, v0;
	v3 =	vmul.f32 v5, v9;
	v5 =	vld.idx.msk [tilespmem:v15+s4+$0x0], $0xffff  }
0x28d: {  	v15 =	vld [tilespmem:$0x1FF20]  }
0x28e: {  	v0 =	vadd.f32 v3, v0;
	v3 =	vmul.f32 v4, v11;
	v4 =	vld.idx.msk [tilespmem:v13+s4+$0x0], $0xffff  }
0x28f: {  	v13 =	vld [tilespmem:$0x1FF30]  }
0x290: {  	v12 =	vld.idx.msk [tilespmem:v12+s2+$0x0], $0xffff;
	v14 =	vor.u32 v14, v2  }
0x291: {  	v10 =	vld.idx.msk [tilespmem:v10+s2+$0x0], $0xffff  }
0x292: {  	v9 =	vld [tilespmem:$0x1FF10];
	v15 =	vor.u32 v15, v2;
	_ =	sdelay $0x1  }
0x293: {  	v11 =	vor.u32 v13, v1;
	v13 =	vld [tilespmem:$0x1FF40]  }
0x294: {  	v0 =	vadd.f32 v3, v0;
	v3 =	vmul.f32 v7, v12;
	v7 =	vld.idx.msk [tilespmem:v14+s4+$0x0], $0xffff  }
0x295: {  	v14 =	vld [tilespmem:$0x1FF60]  }
0x296: {  	v9 =	vor.u32 v9, v1;
	v0 =	vadd.f32 v3, v0;
	v3 =	vmul.f32 v5, v10;
	v5 =	vld.idx.msk [tilespmem:v15+s4+$0x0], $0xffff  }
0x297: {  	v15 =	vld [tilespmem:$0x1FF80]  }
0x298: {  	v6 =	vld.idx.msk [tilespmem:v6+s2+$0x0], $0xffff;
	v13 =	vor.u32 v13, v2;
	_ =	sdelay $0x1  }
0x299: {  	v8 =	vld.idx.msk [tilespmem:v8+s2+$0x0], $0xffff;
	v14 =	vor.u32 v14, v2  }
0x29a: {  	v9 =	vld.idx.msk [tilespmem:v9+s2+$0x0], $0xffff  }
0x29b: {  	v12 =	vld [tilespmem:$0x1FF50]  }
0x29c: {  	v0 =	vadd.f32 v3, v0;
	v15 =	vor.u32 v15, v2;
	v3 =	vmul.f32 v4, v6;
	v4 =	vld.idx.msk [tilespmem:v13+s4+$0x0], $0xffff  }
0x29d: {  	v13 =	vld [tilespmem:$0x1FF90]  }
0x29e: {  	v0 =	vadd.f32 v3, v0;
	v3 =	vmul.f32 v7, v8;
	v7 =	vld.idx.msk [tilespmem:v14+s4+$0x0], $0xffff  }
0x29f: {  	v14 =	vld [tilespmem:$0x1FFB0]  }
0x2a0: {  	v10 =	vld [tilespmem:$0x1FF70]  }
0x2a1: {  	v0 =	vadd.f32 v3, v0;
	v3 =	vmul.f32 v5, v9;
	v5 =	vld.idx.msk [tilespmem:v15+s4+$0x0], $0xffff  }
0x2a2: {  	v6 =	vor.u32 v13, v1;
	v13 =	vld [tilespmem:$0x1FFA0]  }
0x2a3: {  	v12 =	vor.u32 v12, v1;
	v9 =	vld [tilespmem:$0x1FFD0]  }
0x2a4: {  	v8 =	vor.u32 v14, v1;
	v14 =	vld [tilespmem:$0x1FFC0]  }
0x2a5: {  	v10 =	vor.u32 v10, v1;
	v15 =	vld [tilespmem:$0x1FFE0]  }
0x2a6: {  	v11 =	vld.idx.msk [tilespmem:v11+s2+$0x0], $0xffff  }
0x2a7: {  	v13 =	vor.u32 v13, v2  }
0x2a8: {  	v12 =	vld.idx.msk [tilespmem:v12+s2+$0x0], $0xffff  }
0x2a9: {  	v14 =	vor.u32 v14, v2  }
0x2aa: {  	v10 =	vld.idx.msk [tilespmem:v10+s2+$0x0], $0xffff;
	v9 =	vor.u32 v9, v1  }
0x2ab: {  	v0 =	vadd.f32 v3, v0;
	v15 =	vor.u32 v15, v2;
	v3 =	vmul.f32 v4, v11;
	v6 =	vld.idx.msk [tilespmem:v6+s2+$0x0], $0xffff  }
0x2ac: {  	v11 =	vor.u32 v16, v1;
	v4 =	vld.idx.msk [tilespmem:v13+s4+$0x0], $0xffff  }
0x2ad: {  	v8 =	vld.idx.msk [tilespmem:v8+s2+$0x0], $0xffff;
	v0 =	vadd.f32 v3, v0;
	v3 =	vmul.f32 v7, v12;
	v13 =	vor.u32 v17, v2  }
0x2ae: {  	v7 =	vld.idx.msk [tilespmem:v14+s4+$0x0], $0xffff;
	v12 =	vor.u32 v19, v1  }
0x2af: {  	v9 =	vld.idx.msk [tilespmem:v9+s2+$0x0], $0xffff;
	v14 =	vor.u32 v18, v2;
	v0 =	vadd.f32 v3, v0;
	v3 =	vmul.f32 v5, v10  }
0x2b0: {  	v5 =	vld.idx.msk [tilespmem:v15+s4+$0x0], $0xffff;
	v10 =	vor.u32 v20, v1  }
0x2b1: {  	v15 =	vor.u32 v23, v2;
	v11 =	vld.idx.msk [tilespmem:v11+s2+$0x0], $0xffff;
	v0 =	vadd.f32 v3, v0;
	v3 =	vmul.f32 v4, v6  }
0x2b2: {  	v4 =	vld.idx.msk [tilespmem:v13+s4+$0x0], $0xffff;
	v6 =	vor.u32 v21, v1  }
0x2b3: {  	v12 =	vld.idx.msk [tilespmem:v12+s2+$0x0], $0xffff;
	v13 =	vor.u32 v24, v2;
	v0 =	vadd.f32 v3, v0;
	v3 =	vmul.f32 v7, v8  }
0x2b4: {  	v7 =	vld.idx.msk [tilespmem:v14+s4+$0x0], $0xffff;
	v8 =	vor.u32 v22, v1  }
0x2b5: {  	v10 =	vld.idx.msk [tilespmem:v10+s2+$0x0], $0xffff;
	v14 =	vor.u32 v25, v2;
	v0 =	vadd.f32 v3, v0;
	v3 =	vmul.f32 v5, v9  }
0x2b6: {  	v5 =	vld.idx.msk [tilespmem:v15+s4+$0x0], $0xffff;
	v9 =	vor.u32 v26, v1  }
0x2b7: {  	v15 =	vor.u32 v27, v2;
	v6 =	vld.idx.msk [tilespmem:v6+s2+$0x0], $0xffff;
	v0 =	vadd.f32 v3, v0;
	v3 =	vmul.f32 v4, v11  }
0x2b8: {  	v4 =	vld.idx.msk [tilespmem:v13+s4+$0x0], $0xffff;
	v11 =	vor.u32 v28, v1  }
0x2b9: {  	v13 =	vor.u32 v29, v2;
	v8 =	vld.idx.msk [tilespmem:v8+s2+$0x0], $0xffff;
	v0 =	vadd.f32 v3, v0;
	v3 =	vmul.f32 v7, v12  }
0x2ba: {  	v7 =	vld.idx.msk [tilespmem:v14+s4+$0x0], $0xffff;
	v12 =	vor.u32 v30, v1  }
0x2bb: {  	v14 =	vor.u32 v31, v2;
	v9 =	vld.idx.msk [tilespmem:v9+s2+$0x0], $0xffff;
	v0 =	vadd.f32 v3, v0;
	v3 =	vmul.f32 v5, v10  }
0x2bc: {  	v5 =	vld.idx.msk [tilespmem:v15+s4+$0x0], $0xffff;
	v10 =	vor.u32 v33, v1  }
0x2bd: {  	v15 =	vor.u32 v34, v2;
	v11 =	vld.idx.msk [tilespmem:v11+s2+$0x0], $0xffff;
	v0 =	vadd.f32 v3, v0;
	v3 =	vmul.f32 v4, v6  }
0x2be: {  	v4 =	vld.idx.msk [tilespmem:v13+s4+$0x0], $0xffff;
	v6 =	vor.u32 v35, v1  }
0x2bf: {  	v13 =	vor.u32 v37, v2;
	v12 =	vld.idx.msk [tilespmem:v12+s2+$0x0], $0xffff;
	v0 =	vadd.f32 v3, v0;
	v3 =	vmul.f32 v7, v8  }
0x2c0: {  	v7 =	vld.idx.msk [tilespmem:v14+s4+$0x0], $0xffff;
	v8 =	vor.u32 v36, v1  }
0x2c1: {  	v14 =	vor.u32 v38, v2;
	v10 =	vld.idx.msk [tilespmem:v10+s2+$0x0], $0xffff;
	v0 =	vadd.f32 v3, v0;
	v3 =	vmul.f32 v5, v9  }
0x2c2: {  	v5 =	vld.idx.msk [tilespmem:v15+s4+$0x0], $0xffff;
	v9 =	vor.u32 v42, v1  }
0x2c3: {  	v15 =	vor.u32 v45, v2;
	v6 =	vld.idx.msk [tilespmem:v6+s2+$0x0], $0xffff;
	v0 =	vadd.f32 v3, v0;
	v3 =	vmul.f32 v4, v11  }
0x2c4: {  	v4 =	vld.idx.msk [tilespmem:v13+s4+$0x0], $0xffff;
	v11 =	vor.u32 v43, v1  }
0x2c5: {  	v13 =	vor.u32 v32, v2;
	v8 =	vld.idx.msk [tilespmem:v8+s2+$0x0], $0xffff;
	v0 =	vadd.f32 v3, v0;
	v3 =	vmul.f32 v7, v12  }
0x2c6: {  	v7 =	vld.idx.msk [tilespmem:v14+s4+$0x0], $0xffff;
	v12 =	vor.u32 v44, v1  }
0x2c7: {  	v14 =	vor.u32 v41, v2;
	v9 =	vld.idx.msk [tilespmem:v9+s2+$0x0], $0xffff;
	v0 =	vadd.f32 v3, v0;
	v3 =	vmul.f32 v5, v10  }
0x2c8: {  	v5 =	vld.idx.msk [tilespmem:v15+s4+$0x0], $0xffff;
	v10 =	vor.u32 v46, v1  }
0x2c9: {  	v15 =	vor.u32 v39, v2;
	v11 =	vld.idx.msk [tilespmem:v11+s2+$0x0], $0xffff;
	v0 =	vadd.f32 v3, v0;
	v3 =	vmul.f32 v4, v6  }
0x2ca: {  	v4 =	vld.idx.msk [tilespmem:v13+s4+$0x0], $0xffff;
	v6 =	vor.u32 v49, v1  }
0x2cb: {  	v13 =	vor.u32 v40, v2;
	v12 =	vld.idx.msk [tilespmem:v12+s2+$0x0], $0xffff;
	v0 =	vadd.f32 v3, v0;
	v3 =	vmul.f32 v7, v8  }
0x2cc: {  	v7 =	vld.idx.msk [tilespmem:v14+s4+$0x0], $0xffff;
	v8 =	vor.u32 v52, v1  }
0x2cd: {  	v14 =	vor.u32 v47, v2;
	v10 =	vld.idx.msk [tilespmem:v10+s2+$0x0], $0xffff;
	v0 =	vadd.f32 v3, v0;
	v3 =	vmul.f32 v5, v9  }
0x2ce: {  	v5 =	vld.idx.msk [tilespmem:v15+s4+$0x0], $0xffff;
	v9 =	vor.u32 v59, v1  }
0x2cf: {  	v15 =	vor.u32 v55, v2;
	v6 =	vld.idx.msk [tilespmem:v6+s2+$0x0], $0xffff;
	v0 =	vadd.f32 v3, v0;
	v3 =	vmul.f32 v4, v11  }
0x2d0: {  	v4 =	vld.idx.msk [tilespmem:v13+s4+$0x0], $0xffff;
	v11 =	vor.u32 v56, v1  }
0x2d1: {  	v13 =	vor.u32 v54, v2;
	v8 =	vld.idx.msk [tilespmem:v8+s2+$0x0], $0xffff;
	v0 =	vadd.f32 v3, v0;
	v3 =	vmul.f32 v7, v12  }
0x2d2: {  	v7 =	vld.idx.msk [tilespmem:v14+s4+$0x0], $0xffff;
	v12 =	vor.u32 v58, v1  }
0x2d3: {  	v14 =	vor.u32 v53, v2;
	v9 =	vld.idx.msk [tilespmem:v9+s2+$0x0], $0xffff;
	v0 =	vadd.f32 v3, v0;
	v3 =	vmul.f32 v5, v10  }
0x2d4: {  	v5 =	vld.idx.msk [tilespmem:v15+s4+$0x0], $0xffff;
	v10 =	vor.u32 v57, v1  }
0x2d5: {  	v15 =	vor.u32 v48, v2;
	v11 =	vld.idx.msk [tilespmem:v11+s2+$0x0], $0xffff;
	v0 =	vadd.f32 v3, v0;
	v3 =	vmul.f32 v4, v6  }
0x2d6: {  	v4 =	vld.idx.msk [tilespmem:v13+s4+$0x0], $0xffff;
	v6 =	vor.u32 v60, v1  }
0x2d7: {  	v13 =	vor.u32 v51, v2;
	v12 =	vld.idx.msk [tilespmem:v12+s2+$0x0], $0xffff;
	v0 =	vadd.f32 v3, v0;
	v3 =	vmul.f32 v7, v8  }
0x2d8: {  	v7 =	vld.idx.msk [tilespmem:v14+s4+$0x0], $0xffff;
	v8 =	vor.u32 v61, v1  }
0x2d9: {  	v14 =	vor.u32 v50, v2;
	v10 =	vld.idx.msk [tilespmem:v10+s2+$0x0], $0xffff;
	v0 =	vadd.f32 v3, v0;
	v3 =	vmul.f32 v5, v9  }
0x2da: {  	v1 =	vor.u32 v62, v1;
	v5 =	vld.idx.msk [tilespmem:v15+s4+$0x0], $0xffff  }
0x2db: {  	v2 =	vor.u32 v63, v2;
	v6 =	vld.idx.msk [tilespmem:v6+s2+$0x0], $0xffff;
	v0 =	vadd.f32 v3, v0;
	v3 =	vmul.f32 v4, v11  }
0x2dc: {  	v13 =	vld.idx.msk [tilespmem:v13+s4+$0x0], $0xffff  }
0x2dd: {  	v8 =	vld.idx.msk [tilespmem:v8+s2+$0x0], $0xffff;
	v0 =	vadd.f32 v3, v0;
	v3 =	vmul.f32 v7, v12  }
0x2de: {  	v14 =	vld.idx.msk [tilespmem:v14+s4+$0x0], $0xffff  }
0x2df: {  	v1 =	vld.idx.msk [tilespmem:v1+s2+$0x0], $0xffff;
	v0 =	vadd.f32 v3, v0;
	v3 =	vmul.f32 v5, v10  }
0x2e0: {  	v2 =	vld.idx.msk [tilespmem:v2+s4+$0x0], $0xffff  }
0x2e1: {  	v0 =	vadd.f32 v3, v0;
	v3 =	vmul.f32 v13, v6;
	_ =	sdelay $0x1  }
0x2e2: {  	v0 =	vadd.f32 v3, v0;
	v3 =	vmul.f32 v14, v8;
	_ =	sdelay $0x1  }
0x2e3: {  	p0 =	sne.s32 s9, $0x1F0;
	v1 =	vmul.f32 v2, v1;
	v0 =	vadd.f32 v3, v0  }
.Ltmp0:
0x2e4: {  	_ = 	snop;
	(pc) =	sbr.rel @p0 .LBB2_1-.Ltmp0, $4  }
0x2e5: {  	v0 =	vadd.f32 v1, v0  }
0x2e6: {  	s6 =	sadd.s32 $0x10, s6  }
0x2e7: {  	s8 =	sadd.s32 $0x10, s8;
	s7 =	smov.u32 s9;
	[tilespmem:s6+$0x0] =	vst v0  }
0x2e8: {  	s9 =	sadd.s32 $0x10, s9;
	v1 =	vmov s7;
	v0 =	vld [tilespmem:s8+$0x0]  }
0x2e9: {  	v13 =	vld [tilespmem:$0x1FB10]  }
0x2ea: {  	v5 =	vlaneseq.u32  }
0x2eb: {  	v1 =	vshll.u32 v1, $0x3;
	v12 =	vld [tilespmem:$0x1FB00];
	v2 =	vor.u32 s7, v5  }
0x2ec: {  	v6 =	vld [tilespmem:$0x1FB20];
	v1 =	vand.u32 $0xC00, v1;
	v2 =	vand.u32 $0x7F, v2  }
0x2ed: {  	v7 =	vld [tilespmem:$0x1FB30];
	v1 =	vor.u32 v1, v2  }
0x2ee: {  	v8 =	vld [tilespmem:$0x1FB40];
	v2 =	vshll.u32 v0, $0x7;
	v4 =	vor.u32 v13, v1  }
0x2ef: {  	v9 =	vld [tilespmem:$0x1FB50];
	v5 =	vor.u32 v5, v2  }
0x2f0: {  	v11 =	vld [tilespmem:$0x1FB70];
	v14 =	vadd.s32 $0x2000, v0  }
0x2f1: {  	v3 =	vor.u32 v12, v1;
	v12 =	vld [tilespmem:$0x1FB80]  }
0x2f2: {  	v6 =	vor.u32 v6, v2;
	v13 =	vld [tilespmem:$0x1FB90]  }
0x2f3: {  	v7 =	vor.u32 v7, v1;
	v4 =	vld.idx.msk [tilespmem:v4+s2+$0x0], $0xffff  }
0x2f4: {  	v8 =	vor.u32 v8, v2;
	v5 =	vld.idx.msk [tilespmem:v5+s4+$0x0], $0xffff  }
0x2f5: {  	v0 =	vld.idx.msk [tilespmem:v14+s4+$0x0], $0xffff  }
0x2f6: {  	v11 =	vor.u32 v11, v1;
	v3 =	vld.idx.msk [tilespmem:v3+s2+$0x0], $0xffff  }
0x2f7: {  	v6 =	vld.idx.msk [tilespmem:v6+s4+$0x0], $0xffff  }
0x2f8: {  	v7 =	vld.idx.msk [tilespmem:v7+s2+$0x0], $0xffff  }
0x2f9: {  	v8 =	vld.idx.msk [tilespmem:v8+s4+$0x0], $0xffff;
	v13 =	vor.u32 v13, v1;
	v4 =	vmul.f32 v5, v4  }
0x2fa: {  	v10 =	vld [tilespmem:$0x1FB60]  }
0x2fb: {  	v0 =	vadd.f32 v4, v0;
	v4 =	vld.idx.msk [tilespmem:v11+s2+$0x0], $0xffff  }
0x2fc: {  	v12 =	vor.u32 v12, v2;
	v3 =	vmul.f32 v6, v3;
	v11 =	vld [tilespmem:$0x1FBC0]  }
0x2fd: {  	v15 =	vld [tilespmem:$0x1FBA0]  }
0x2fe: {  	v9 =	vor.u32 v9, v1;
	v0 =	vadd.f32 v3, v0;
	v3 =	vmul.f32 v8, v7;
	v7 =	vld.idx.msk [tilespmem:v13+s2+$0x0], $0xffff  }
0x2ff: {  	v13 =	vld [tilespmem:$0x1FBE0]  }
0x300: {  	v10 =	vor.u32 v10, v2  }
0x301: {  	v6 =	vor.u32 v11, v2;
	v11 =	vld.idx.msk [tilespmem:v12+s4+$0x0], $0xffff  }
0x302: {  	v12 =	vld [tilespmem:$0x1FBD0]  }
0x303: {  	v5 =	vld.idx.msk [tilespmem:v9+s2+$0x0], $0xffff  }
0x304: {  	v9 =	vor.u32 v15, v2;
	v8 =	vor.u32 v13, v2;
	v13 =	vld [tilespmem:$0x1FBF0]  }
0x305: {  	v10 =	vld.idx.msk [tilespmem:v10+s4+$0x0], $0xffff;
	_ =	sdelay $0x1  }
0x306: {  	v12 =	vor.u32 v12, v1  }
0x307: {  	v14 =	vld [tilespmem:$0x1FBB0]  }
0x308: {  	v9 =	vld.idx.msk [tilespmem:v9+s4+$0x0], $0xffff;
	v13 =	vor.u32 v13, v1  }
0x309: {  	v0 =	vadd.f32 v3, v0;
	v3 =	vmul.f32 v10, v5  }
0x30a: {  	v15 =	vld [tilespmem:$0x1FC00]  }
0x30b: {  	v0 =	vadd.f32 v3, v0;
	v3 =	vmul.f32 v11, v4;
	v4 =	vld.idx.msk [tilespmem:v12+s2+$0x0], $0xffff  }
0x30c: {  	v12 =	vld [tilespmem:$0x1FC20]  }
0x30d: {  	v14 =	vor.u32 v14, v1;
	v0 =	vadd.f32 v3, v0;
	v3 =	vmul.f32 v9, v7;
	v7 =	vld.idx.msk [tilespmem:v13+s2+$0x0], $0xffff  }
0x30e: {  	v13 =	vld [tilespmem:$0x1FC40];
	_ =	sdelay $0x2  }
0x30f: {  	v11 =	vor.u32 v12, v2;
	v12 =	vld [tilespmem:$0x1FC30]  }
0x310: {  	v5 =	vld.idx.msk [tilespmem:v14+s2+$0x0], $0xffff  }
0x311: {  	v10 =	vor.u32 v15, v2;
	v9 =	vor.u32 v13, v2;
	v13 =	vld [tilespmem:$0x1FC50]  }
0x312: {  	v6 =	vld.idx.msk [tilespmem:v6+s4+$0x0], $0xffff;
	_ =	sdelay $0x1  }
0x313: {  	v8 =	vld.idx.msk [tilespmem:v8+s4+$0x0], $0xffff;
	v12 =	vor.u32 v12, v1  }
0x314: {  	v14 =	vld [tilespmem:$0x1FC10]  }
0x315: {  	v10 =	vld.idx.msk [tilespmem:v10+s4+$0x0], $0xffff;
	v13 =	vor.u32 v13, v1  }
0x316: {  	v0 =	vadd.f32 v3, v0;
	v3 =	vmul.f32 v6, v5  }
0x317: {  	v15 =	vld [tilespmem:$0x1FC60]  }
0x318: {  	v0 =	vadd.f32 v3, v0;
	v3 =	vmul.f32 v8, v4;
	v4 =	vld.idx.msk [tilespmem:v12+s2+$0x0], $0xffff  }
0x319: {  	v12 =	vld [tilespmem:$0x1FC80]  }
0x31a: {  	v14 =	vor.u32 v14, v1;
	v0 =	vadd.f32 v3, v0;
	v3 =	vmul.f32 v10, v7;
	v7 =	vld.idx.msk [tilespmem:v13+s2+$0x0], $0xffff  }
0x31b: {  	v13 =	vld [tilespmem:$0x1FCA0];
	_ =	sdelay $0x2  }
0x31c: {  	v8 =	vor.u32 v12, v2;
	v12 =	vld [tilespmem:$0x1FC90]  }
0x31d: {  	v5 =	vld.idx.msk [tilespmem:v14+s2+$0x0], $0xffff  }
0x31e: {  	v6 =	vor.u32 v15, v2;
	v10 =	vor.u32 v13, v2;
	v13 =	vld [tilespmem:$0x1FCB0]  }
0x31f: {  	v11 =	vld.idx.msk [tilespmem:v11+s4+$0x0], $0xffff;
	_ =	sdelay $0x1  }
0x320: {  	v9 =	vld.idx.msk [tilespmem:v9+s4+$0x0], $0xffff;
	v12 =	vor.u32 v12, v1  }
0x321: {  	v14 =	vld [tilespmem:$0x1FC70]  }
0x322: {  	v6 =	vld.idx.msk [tilespmem:v6+s4+$0x0], $0xffff;
	v13 =	vor.u32 v13, v1  }
0x323: {  	v0 =	vadd.f32 v3, v0;
	v3 =	vmul.f32 v11, v5  }
0x324: {  	v15 =	vld [tilespmem:$0x1FCC0]  }
0x325: {  	v0 =	vadd.f32 v3, v0;
	v3 =	vmul.f32 v9, v4;
	v4 =	vld.idx.msk [tilespmem:v12+s2+$0x0], $0xffff  }
0x326: {  	v12 =	vld [tilespmem:$0x1FCE0]  }
0x327: {  	v14 =	vor.u32 v14, v1;
	v0 =	vadd.f32 v3, v0;
	v3 =	vmul.f32 v6, v7;
	v6 =	vld.idx.msk [tilespmem:v13+s2+$0x0], $0xffff  }
0x328: {  	v13 =	vld [tilespmem:$0x1FD00];
	_ =	sdelay $0x2  }
0x329: {  	v9 =	vor.u32 v12, v2;
	v12 =	vld [tilespmem:$0x1FCF0]  }
0x32a: {  	v5 =	vld.idx.msk [tilespmem:v14+s2+$0x0], $0xffff  }
0x32b: {  	v11 =	vor.u32 v15, v2;
	v7 =	vor.u32 v13, v2;
	v13 =	vld [tilespmem:$0x1FD10]  }
0x32c: {  	v8 =	vld.idx.msk [tilespmem:v8+s4+$0x0], $0xffff;
	_ =	sdelay $0x1  }
0x32d: {  	v10 =	vld.idx.msk [tilespmem:v10+s4+$0x0], $0xffff;
	v12 =	vor.u32 v12, v1  }
0x32e: {  	v14 =	vld [tilespmem:$0x1FCD0]  }
0x32f: {  	v11 =	vld.idx.msk [tilespmem:v11+s4+$0x0], $0xffff;
	v13 =	vor.u32 v13, v1  }
0x330: {  	v0 =	vadd.f32 v3, v0;
	v3 =	vmul.f32 v8, v5  }
0x331: {  	v15 =	vld [tilespmem:$0x1FD20]  }
0x332: {  	v0 =	vadd.f32 v3, v0;
	v3 =	vmul.f32 v10, v4;
	v4 =	vld.idx.msk [tilespmem:v12+s2+$0x0], $0xffff  }
0x333: {  	v12 =	vld [tilespmem:$0x1FD40]  }
0x334: {  	v14 =	vor.u32 v14, v1;
	v0 =	vadd.f32 v3, v0;
	v3 =	vmul.f32 v11, v6;
	v6 =	vld.idx.msk [tilespmem:v13+s2+$0x0], $0xffff  }
0x335: {  	v13 =	vld [tilespmem:$0x1FD60];
	_ =	sdelay $0x2  }
0x336: {  	v10 =	vor.u32 v12, v2;
	v12 =	vld [tilespmem:$0x1FD50]  }
0x337: {  	v5 =	vld.idx.msk [tilespmem:v14+s2+$0x0], $0xffff  }
0x338: {  	v8 =	vor.u32 v15, v2;
	v11 =	vor.u32 v13, v2;
	v13 =	vld [tilespmem:$0x1FD70]  }
0x339: {  	v9 =	vld.idx.msk [tilespmem:v9+s4+$0x0], $0xffff;
	_ =	sdelay $0x1  }
0x33a: {  	v7 =	vld.idx.msk [tilespmem:v7+s4+$0x0], $0xffff;
	v12 =	vor.u32 v12, v1  }
0x33b: {  	v14 =	vld [tilespmem:$0x1FD30]  }
0x33c: {  	v8 =	vld.idx.msk [tilespmem:v8+s4+$0x0], $0xffff;
	v13 =	vor.u32 v13, v1  }
0x33d: {  	v0 =	vadd.f32 v3, v0;
	v3 =	vmul.f32 v9, v5  }
0x33e: {  	v15 =	vld [tilespmem:$0x1FD80]  }
0x33f: {  	v0 =	vadd.f32 v3, v0;
	v3 =	vmul.f32 v7, v4;
	v4 =	vld.idx.msk [tilespmem:v12+s2+$0x0], $0xffff  }
0x340: {  	v12 =	vld [tilespmem:$0x1FDA0]  }
0x341: {  	v14 =	vor.u32 v14, v1;
	v0 =	vadd.f32 v3, v0;
	v3 =	vmul.f32 v8, v6;
	v6 =	vld.idx.msk [tilespmem:v13+s2+$0x0], $0xffff  }
0x342: {  	v13 =	vld [tilespmem:$0x1FDC0];
	_ =	sdelay $0x2  }
0x343: {  	v7 =	vor.u32 v12, v2;
	v12 =	vld [tilespmem:$0x1FDB0]  }
0x344: {  	v5 =	vld.idx.msk [tilespmem:v14+s2+$0x0], $0xffff  }
0x345: {  	v9 =	vor.u32 v15, v2;
	v8 =	vor.u32 v13, v2;
	v13 =	vld [tilespmem:$0x1FDD0]  }
0x346: {  	v10 =	vld.idx.msk [tilespmem:v10+s4+$0x0], $0xffff;
	_ =	sdelay $0x1  }
0x347: {  	v11 =	vld.idx.msk [tilespmem:v11+s4+$0x0], $0xffff;
	v12 =	vor.u32 v12, v1  }
0x348: {  	v14 =	vld [tilespmem:$0x1FD90]  }
0x349: {  	v9 =	vld.idx.msk [tilespmem:v9+s4+$0x0], $0xffff;
	v13 =	vor.u32 v13, v1  }
0x34a: {  	v0 =	vadd.f32 v3, v0;
	v3 =	vmul.f32 v10, v5  }
0x34b: {  	v15 =	vld [tilespmem:$0x1FDE0]  }
0x34c: {  	v0 =	vadd.f32 v3, v0;
	v3 =	vmul.f32 v11, v4;
	v4 =	vld.idx.msk [tilespmem:v12+s2+$0x0], $0xffff  }
0x34d: {  	v12 =	vld [tilespmem:$0x1FE00]  }
0x34e: {  	v14 =	vor.u32 v14, v1;
	v0 =	vadd.f32 v3, v0;
	v3 =	vmul.f32 v9, v6;
	v6 =	vld.idx.msk [tilespmem:v13+s2+$0x0], $0xffff  }
0x34f: {  	v13 =	vld [tilespmem:$0x1FE20];
	_ =	sdelay $0x2  }
0x350: {  	v11 =	vor.u32 v12, v2;
	v12 =	vld [tilespmem:$0x1FE10]  }
0x351: {  	v5 =	vld.idx.msk [tilespmem:v14+s2+$0x0], $0xffff  }
0x352: {  	v10 =	vor.u32 v15, v2;
	v9 =	vor.u32 v13, v2;
	v13 =	vld [tilespmem:$0x1FE30]  }
0x353: {  	v7 =	vld.idx.msk [tilespmem:v7+s4+$0x0], $0xffff  }
0x354: {  	v14 =	vld [tilespmem:$0x1FDF0]  }
0x355: {  	v8 =	vld.idx.msk [tilespmem:v8+s4+$0x0], $0xffff;
	v12 =	vor.u32 v12, v1;
	_ =	sdelay $0x1  }
0x356: {  	v10 =	vld.idx.msk [tilespmem:v10+s4+$0x0], $0xffff;
	v13 =	vor.u32 v13, v1  }
0x357: {  	v0 =	vadd.f32 v3, v0;
	v3 =	vmul.f32 v7, v5  }
0x358: {  	v15 =	vld [tilespmem:$0x1FE40];
	v14 =	vor.u32 v14, v1  }
0x359: {  	v0 =	vadd.f32 v3, v0;
	v3 =	vmul.f32 v8, v4;
	v4 =	vld.idx.msk [tilespmem:v12+s2+$0x0], $0xffff  }
0x35a: {  	v12 =	vld [tilespmem:$0x1FE60]  }
0x35b: {  	v0 =	vadd.f32 v3, v0;
	v3 =	vmul.f32 v10, v6;
	v6 =	vld.idx.msk [tilespmem:v13+s2+$0x0], $0xffff  }
0x35c: {  	v13 =	vld [tilespmem:$0x1FE80]  }
0x35d: {  	v5 =	vld.idx.msk [tilespmem:v14+s2+$0x0], $0xffff  }
0x35e: {  	v14 =	vld [tilespmem:$0x1FE50]  }
0x35f: {  	v8 =	vor.u32 v12, v2;
	v12 =	vld [tilespmem:$0x1FE70];
	_ =	sdelay $0x1  }
0x360: {  	v7 =	vor.u32 v15, v2;
	v10 =	vor.u32 v13, v2;
	v13 =	vld [tilespmem:$0x1FE90]  }
0x361: {  	v11 =	vld.idx.msk [tilespmem:v11+s4+$0x0], $0xffff  }
0x362: {  	v14 =	vor.u32 v14, v1  }
0x363: {  	v9 =	vld.idx.msk [tilespmem:v9+s4+$0x0], $0xffff;
	v12 =	vor.u32 v12, v1;
	_ =	sdelay $0x1  }
0x364: {  	v7 =	vld.idx.msk [tilespmem:v7+s4+$0x0], $0xffff;
	v13 =	vor.u32 v13, v1  }
0x365: {  	v15 =	vld [tilespmem:$0x1FEA0];
	v0 =	vadd.f32 v3, v0;
	v3 =	vmul.f32 v11, v5  }
0x366: {  	v5 =	vld.idx.msk [tilespmem:v14+s2+$0x0], $0xffff  }
0x367: {  	v0 =	vadd.f32 v3, v0;
	v3 =	vmul.f32 v9, v4;
	v4 =	vld.idx.msk [tilespmem:v12+s2+$0x0], $0xffff  }
0x368: {  	v12 =	vld [tilespmem:$0x1FEC0]  }
0x369: {  	v0 =	vadd.f32 v3, v0;
	v3 =	vmul.f32 v7, v6;
	v6 =	vld.idx.msk [tilespmem:v13+s2+$0x0], $0xffff  }
0x36a: {  	v13 =	vld [tilespmem:$0x1FEE0]  }
0x36b: {  	v14 =	vld [tilespmem:$0x1FEB0];
	_ =	sdelay $0x1  }
0x36c: {  	v9 =	vor.u32 v12, v2;
	v12 =	vld [tilespmem:$0x1FED0];
	_ =	sdelay $0x1  }
0x36d: {  	v11 =	vor.u32 v15, v2;
	v7 =	vor.u32 v13, v2;
	v13 =	vld [tilespmem:$0x1FEF0]  }
0x36e: {  	v14 =	vor.u32 v14, v1;
	v8 =	vld.idx.msk [tilespmem:v8+s4+$0x0], $0xffff;
	_ =	sdelay $0x1  }
0x36f: {  	v10 =	vld.idx.msk [tilespmem:v10+s4+$0x0], $0xffff;
	v12 =	vor.u32 v12, v1  }
0x370: {  	v15 =	vld [tilespmem:$0x1FF00]  }
0x371: {  	v11 =	vld.idx.msk [tilespmem:v11+s4+$0x0], $0xffff;
	v13 =	vor.u32 v13, v1  }
0x372: {  	v0 =	vadd.f32 v3, v0;
	v3 =	vmul.f32 v8, v5;
	v5 =	vld.idx.msk [tilespmem:v14+s2+$0x0], $0xffff  }
0x373: {  	v14 =	vld [tilespmem:$0x1FF10]  }
0x374: {  	v0 =	vadd.f32 v3, v0;
	v3 =	vmul.f32 v10, v4;
	v4 =	vld.idx.msk [tilespmem:v12+s2+$0x0], $0xffff  }
0x375: {  	v12 =	vld [tilespmem:$0x1FF20]  }
0x376: {  	v0 =	vadd.f32 v3, v0;
	v3 =	vmul.f32 v11, v6;
	v6 =	vld.idx.msk [tilespmem:v13+s2+$0x0], $0xffff  }
0x377: {  	v13 =	vld [tilespmem:$0x1FF40]  }
0x378: {  	v14 =	vor.u32 v14, v1;
	v9 =	vld.idx.msk [tilespmem:v9+s4+$0x0], $0xffff;
	_ =	sdelay $0x1  }
0x379: {  	v10 =	vor.u32 v12, v2;
	v12 =	vld [tilespmem:$0x1FF30];
	_ =	sdelay $0x1  }
0x37a: {  	v8 =	vor.u32 v15, v2;
	v11 =	vor.u32 v13, v2;
	v13 =	vld [tilespmem:$0x1FF50]  }
0x37b: {  	v0 =	vadd.f32 v3, v0;
	v3 =	vmul.f32 v9, v5;
	v5 =	vld.idx.msk [tilespmem:v14+s2+$0x0], $0xffff  }
0x37c: {  	v14 =	vld [tilespmem:$0x1FF70]  }
0x37d: {  	v7 =	vld.idx.msk [tilespmem:v7+s4+$0x0], $0xffff;
	v12 =	vor.u32 v12, v1;
	_ =	sdelay $0x1  }
0x37e: {  	v8 =	vld.idx.msk [tilespmem:v8+s4+$0x0], $0xffff;
	v13 =	vor.u32 v13, v1  }
0x37f: {  	v15 =	vld [tilespmem:$0x1FF60]  }
0x380: {  	v14 =	vor.u32 v14, v1;
	v10 =	vld.idx.msk [tilespmem:v10+s4+$0x0], $0xffff  }
0x381: {  	v0 =	vadd.f32 v3, v0;
	v3 =	vmul.f32 v7, v4;
	v4 =	vld.idx.msk [tilespmem:v12+s2+$0x0], $0xffff  }
0x382: {  	v12 =	vld [tilespmem:$0x1FF80]  }
0x383: {  	v0 =	vadd.f32 v3, v0;
	v3 =	vmul.f32 v8, v6;
	v6 =	vld.idx.msk [tilespmem:v13+s2+$0x0], $0xffff  }
0x384: {  	v13 =	vld [tilespmem:$0x1FFA0]  }
0x385: {  	v0 =	vadd.f32 v3, v0;
	v3 =	vmul.f32 v10, v5;
	v5 =	vld.idx.msk [tilespmem:v14+s2+$0x0], $0xffff  }
0x386: {  	v14 =	vld [tilespmem:$0x1FFC0]  }
0x387: {  	v9 =	vor.u32 v15, v2;
	v7 =	vor.u32 v12, v2;
	v12 =	vld [tilespmem:$0x1FF90]  }
0x388: {  	v15 =	vld [tilespmem:$0x1FFE0]  }
0x389: {  	v8 =	vor.u32 v13, v2;
	v13 =	vld [tilespmem:$0x1FFB0]  }
0x38a: {  	v11 =	vld.idx.msk [tilespmem:v11+s4+$0x0], $0xffff  }
0x38b: {  	v10 =	vor.u32 v14, v2;
	v14 =	vld [tilespmem:$0x1FFD0]  }
0x38c: {  	v9 =	vld.idx.msk [tilespmem:v9+s4+$0x0], $0xffff;
	v12 =	vor.u32 v12, v1;
	_ =	sdelay $0x1  }
0x38d: {  	v13 =	vor.u32 v13, v1  }
0x38e: {  	v0 =	vadd.f32 v3, v0;
	v3 =	vmul.f32 v11, v4;
	v11 =	vor.u32 v15, v2;
	v7 =	vld.idx.msk [tilespmem:v7+s4+$0x0], $0xffff  }
0x38f: {  	v14 =	vor.u32 v14, v1;
	v8 =	vld.idx.msk [tilespmem:v8+s4+$0x0], $0xffff  }
0x390: {  	v0 =	vadd.f32 v3, v0;
	v3 =	vmul.f32 v9, v6;
	v9 =	vor.u32 v17, v2;
	v4 =	vld.idx.msk [tilespmem:v12+s2+$0x0], $0xffff  }
0x391: {  	v10 =	vld.idx.msk [tilespmem:v10+s4+$0x0], $0xffff;
	v12 =	vor.u32 v16, v1  }
0x392: {  	v16 =	vor.u32 v19, v1;
	v6 =	vld.idx.msk [tilespmem:v13+s2+$0x0], $0xffff  }
0x393: {  	v0 =	vadd.f32 v3, v0;
	v11 =	vld.idx.msk [tilespmem:v11+s4+$0x0], $0xffff;
	v17 =	vmul.f32 v7, v5;
	v19 =	vor.u32 v18, v2  }
0x394: {  	v5 =	vld.idx.msk [tilespmem:v14+s2+$0x0], $0xffff;
	v14 =	vor.u32 v20, v1  }
0x395: {  	v9 =	vld.idx.msk [tilespmem:v9+s4+$0x0], $0xffff;
	v0 =	vadd.f32 v17, v0;
	v20 =	vmul.f32 v8, v4;
	v8 =	vor.u32 v23, v2  }
0x396: {  	v17 =	vor.u32 v24, v2;
	v4 =	vld.idx.msk [tilespmem:v12+s2+$0x0], $0xffff  }
0x397: {  	v12 =	vor.u32 v21, v1;
	v16 =	vld.idx.msk [tilespmem:v16+s2+$0x0], $0xffff;
	v0 =	vadd.f32 v20, v0;
	v23 =	vmul.f32 v10, v6  }
0x398: {  	v18 =	vor.u32 v22, v1;
	v7 =	vld.idx.msk [tilespmem:v19+s4+$0x0], $0xffff  }
0x399: {  	v19 =	vmul.f32 v11, v5;
	v21 =	vor.u32 v25, v2;
	v20 =	vld.idx.msk [tilespmem:v14+s2+$0x0], $0xffff;
	v0 =	vadd.f32 v23, v0  }
0x39a: {  	v22 =	vor.u32 v26, v1;
	v8 =	vld.idx.msk [tilespmem:v8+s4+$0x0], $0xffff  }
0x39b: {  	v25 =	vor.u32 v27, v2;
	v10 =	vld.idx.msk [tilespmem:v17+s4+$0x0], $0xffff;
	v23 =	vmul.f32 v9, v4;
	v0 =	vadd.f32 v19, v0  }
0x39c: {  	v26 =	vor.u32 v28, v1;
	v24 =	vld.idx.msk [tilespmem:v12+s2+$0x0], $0xffff  }
0x39d: {  	v29 =	vor.u32 v29, v2;
	v28 =	vld.idx.msk [tilespmem:v18+s2+$0x0], $0xffff;
	v27 =	vmul.f32 v7, v16;
	v0 =	vadd.f32 v23, v0  }
0x39e: {  	v11 =	vld.idx.msk [tilespmem:v21+s4+$0x0], $0xffff;
	v16 =	vor.u32 v30, v1  }
0x39f: {  	v18 =	vld.idx.msk [tilespmem:v22+s2+$0x0], $0xffff;
	v19 =	vor.u32 v31, v2;
	v0 =	vadd.f32 v27, v0;
	v17 =	vmul.f32 v8, v20  }
0x3a0: {  	v9 =	vld.idx.msk [tilespmem:v25+s4+$0x0], $0xffff;
	v23 =	vor.u32 v34, v2  }
0x3a1: {  	v22 =	vld.idx.msk [tilespmem:v26+s2+$0x0], $0xffff;
	v20 =	vor.u32 v33, v1;
	v21 =	vmul.f32 v10, v24;
	v0 =	vadd.f32 v17, v0  }
0x3a2: {  	v7 =	vld.idx.msk [tilespmem:v29+s4+$0x0], $0xffff;
	v24 =	vor.u32 v35, v1  }
0x3a3: {  	v25 =	vmul.f32 v11, v28;
	v26 =	vld.idx.msk [tilespmem:v16+s2+$0x0], $0xffff;
	v27 =	vor.u32 v37, v2;
	v0 =	vadd.f32 v21, v0  }
0x3a4: {  	v31 =	vor.u32 v38, v2;
	v8 =	vld.idx.msk [tilespmem:v19+s4+$0x0], $0xffff  }
0x3a5: {  	v28 =	vor.u32 v36, v1;
	v29 =	vmul.f32 v9, v18;
	v10 =	vld.idx.msk [tilespmem:v23+s4+$0x0], $0xffff;
	v0 =	vadd.f32 v25, v0  }
0x3a6: {  	v33 =	vor.u32 v42, v1;
	v30 =	vld.idx.msk [tilespmem:v20+s2+$0x0], $0xffff  }
0x3a7: {  	v34 =	vmul.f32 v7, v22;
	v36 =	vor.u32 v45, v2;
	v35 =	vld.idx.msk [tilespmem:v24+s2+$0x0], $0xffff;
	v0 =	vadd.f32 v29, v0  }
0x3a8: {  	v37 =	vor.u32 v43, v1;
	v11 =	vld.idx.msk [tilespmem:v27+s4+$0x0], $0xffff  }
0x3a9: {  	v43 =	vor.u32 v32, v2;
	v9 =	vld.idx.msk [tilespmem:v31+s4+$0x0], $0xffff;
	v38 =	vmul.f32 v8, v26;
	v0 =	vadd.f32 v34, v0  }
0x3aa: {  	v45 =	vor.u32 v44, v1;
	v42 =	vld.idx.msk [tilespmem:v28+s2+$0x0], $0xffff  }
0x3ab: {  	v18 =	vor.u32 v41, v2;
	v17 =	vld.idx.msk [tilespmem:v33+s2+$0x0], $0xffff;
	v16 =	vmul.f32 v10, v30;
	v0 =	vadd.f32 v38, v0  }
0x3ac: {  	v19 =	vor.u32 v46, v1;
	v7 =	vld.idx.msk [tilespmem:v36+s4+$0x0], $0xffff  }
0x3ad: {  	v22 =	vor.u32 v39, v2;
	v21 =	vld.idx.msk [tilespmem:v37+s2+$0x0], $0xffff;
	v20 =	vmul.f32 v11, v35;
	v0 =	vadd.f32 v16, v0  }
0x3ae: {  	v23 =	vor.u32 v49, v1;
	v8 =	vld.idx.msk [tilespmem:v43+s4+$0x0], $0xffff  }
0x3af: {  	v25 =	vld.idx.msk [tilespmem:v45+s2+$0x0], $0xffff;
	v26 =	vor.u32 v40, v2;
	v24 =	vmul.f32 v9, v42;
	v0 =	vadd.f32 v20, v0  }
0x3b0: {  	v27 =	vor.u32 v52, v1;
	v10 =	vld.idx.msk [tilespmem:v18+s4+$0x0], $0xffff  }
0x3b1: {  	v29 =	vld.idx.msk [tilespmem:v19+s2+$0x0], $0xffff;
	v28 =	vmul.f32 v7, v17;
	v30 =	vor.u32 v47, v2;
	v0 =	vadd.f32 v24, v0  }
0x3b2: {  	v31 =	vor.u32 v59, v1;
	v11 =	vld.idx.msk [tilespmem:v22+s4+$0x0], $0xffff  }
0x3b3: {  	v33 =	vld.idx.msk [tilespmem:v23+s2+$0x0], $0xffff;
	v34 =	vor.u32 v55, v2;
	v32 =	vmul.f32 v8, v21;
	v0 =	vadd.f32 v28, v0  }
0x3b4: {  	v35 =	vor.u32 v56, v1;
	v9 =	vld.idx.msk [tilespmem:v26+s4+$0x0], $0xffff  }
0x3b5: {  	v37 =	vld.idx.msk [tilespmem:v27+s2+$0x0], $0xffff;
	v38 =	vor.u32 v54, v2;
	v36 =	vmul.f32 v10, v25;
	v0 =	vadd.f32 v32, v0  }
0x3b6: {  	v39 =	vor.u32 v58, v1;
	v7 =	vld.idx.msk [tilespmem:v30+s4+$0x0], $0xffff  }
0x3b7: {  	v41 =	vld.idx.msk [tilespmem:v31+s2+$0x0], $0xffff;
	v42 =	vor.u32 v53, v2;
	v40 =	vmul.f32 v11, v29;
	v0 =	vadd.f32 v36, v0  }
0x3b8: {  	v43 =	vor.u32 v57, v1;
	v8 =	vld.idx.msk [tilespmem:v34+s4+$0x0], $0xffff  }
0x3b9: {  	v46 =	vor.u32 v48, v2;
	v45 =	vld.idx.msk [tilespmem:v35+s2+$0x0], $0xffff;
	v44 =	vmul.f32 v9, v33;
	v0 =	vadd.f32 v40, v0  }
0x3ba: {  	v47 =	vor.u32 v60, v1;
	v10 =	vld.idx.msk [tilespmem:v38+s4+$0x0], $0xffff  }
0x3bb: {  	v49 =	vld.idx.msk [tilespmem:v39+s2+$0x0], $0xffff;
	v52 =	vor.u32 v51, v2;
	v48 =	vmul.f32 v7, v37;
	v0 =	vadd.f32 v44, v0  }
0x3bc: {  	v53 =	vor.u32 v61, v1;
	v11 =	vld.idx.msk [tilespmem:v42+s4+$0x0], $0xffff  }
0x3bd: {  	v56 =	vor.u32 v50, v2;
	v55 =	vld.idx.msk [tilespmem:v43+s2+$0x0], $0xffff;
	v54 =	vmul.f32 v8, v41;
	v0 =	vadd.f32 v48, v0  }
0x3be: {  	v1 =	vor.u32 v62, v1;
	v9 =	vld.idx.msk [tilespmem:v46+s4+$0x0], $0xffff  }
0x3bf: {  	v2 =	vor.u32 v63, v2;
	v58 =	vld.idx.msk [tilespmem:v47+s2+$0x0], $0xffff;
	v57 =	vmul.f32 v10, v45;
	v0 =	vadd.f32 v54, v0  }
0x3c0: {  	v7 =	vld.idx.msk [tilespmem:v52+s4+$0x0], $0xffff  }
0x3c1: {  	v60 =	vld.idx.msk [tilespmem:v53+s2+$0x0], $0xffff;
	v59 =	vmul.f32 v11, v49;
	v0 =	vadd.f32 v57, v0  }
0x3c2: {  	v8 =	vld.idx.msk [tilespmem:v56+s4+$0x0], $0xffff  }
0x3c3: {  	v1 =	vld.idx.msk [tilespmem:v1+s2+$0x0], $0xffff;
	v61 =	vmul.f32 v9, v55;
	v0 =	vadd.f32 v59, v0  }
0x3c4: {  	v2 =	vld.idx.msk [tilespmem:v2+s4+$0x0], $0xffff  }
0x3c5: {  	v62 =	vmul.f32 v7, v58;
	v0 =	vadd.f32 v61, v0;
	_ =	sdelay $0x1  }
0x3c6: {  	v63 =	vmul.f32 v8, v60;
	v0 =	vadd.f32 v62, v0;
	_ =	sdelay $0x1  }
0x3c7: {  	v1 =	vmul.f32 v2, v1;
	v0 =	vadd.f32 v63, v0;
	_ =	sdelay $0x1  }
0x3c8: {  	v0 =	vadd.f32 v1, v0  }
0x3c9: {  	s26 =	sadd.s32 $0x10, s6;
	s28 =	sadd.s32 s5, s3  }
0x3ca: {  	s29 =	simm.s32 $0x0;
	s30 =	simm.s32 $0xA600;
	s31 =	simm.s32 $0x4;
	[tilespmem:s26+$0x0] =	vst v0  }
0x3cb: {  	[hbm4b:s28+s29] =	stream.linear.scatter [tilespmem:s30], [sflag:$0x4], $0x200, $0x38;
	[tilespmem:$0xA800] =	vst v63  }
0x3cc: {  	_ =	swait.ge [sflag:s31], $0x200  }
0x3cd: {  	[sflag:s31] =	ssyncset.done $0x0  }
0x3ce: {  	[sflag:s31] =	ssyncadd.s32 $0xFFFFFE00  }
0x3cf: {  	_ =	sfence.sel $0x180000  }
0x3d0: {  	[bflag:$0x0] =	sbarrier.arrive $0xFFFF  }
0x3d1: {  	p0 =	sne.s32 s1, $0x0;
	_ =	strace $0x90000047  }
0x3d2: {  	s0 =	sadd.s32 @!p0 $0x100000, s0;
	[bflag:$0x2] =	sbarrier.arrive $0xFFFF  }
0x3d3: {  	[sflag:s0] =	ssyncadd.tile.s32 @!p0 $0x1;
	_ =	shalt  }
.Lfunc_end2:
_tile_overlayer_lowered:
.L_overlay_start_2:
0x3d4: {  	(tag) =	ssettag $0x2  }
0x3d5: {  	s0 =	rddreg [dreg:$0x0];
	s2 =	stileid.u32  }
0x3d6: {  	s1 =	rddreg [dreg:$0x1];
	p0 =	sne.s32 s2, $0x0  }
0x3d7: {  	s3 =	rddreg [dreg:$0x2];
	[bflag:$0x3] =	sbarrier.arrive $0xFFFF;
	s2 =	simm.s32 @!p0 $0x1C04  }
0x3d8: {  	[timem:s3], [sflag:s2] =	dma.local @!p0 [hbm:s0], s1  }
0x3d9: {  	s0 =	simm.s32 @!p0 $0x4  }
0x3da: {  	_ =	swait.ge @!p0 [sflag:s0], s1  }
0x3db: {  	s1 =	ssub.s32 @!p0 $0x0, s1;
	[sflag:s0] =	ssyncset.done @!p0 $0x0  }
0x3dc: {  	[sflag:s0] =	ssyncadd.s32 @!p0 s1  }
0x3dd: {  	[bflag:$0x3] =	sbarrier.arrive $0xFFFF  }
0x3de: {  	_ =	shalt  }

</sc_bundles>
